<compile_context>
chip_gen: v7x
topology: tpu7x:2x2x1
jax: 0.10.2.dev20260603
libtpu: 0.0.44.dev20260713+nightly
codegen_flags: <defaults>
</compile_context>

<pallas_src>
import functools

import jax
import jax.numpy as jnp
from jax import lax
from jax.experimental import pallas as pl
from jax.experimental.pallas import tpu as pltpu
from jax.experimental.pallas import tpu_sc as plsc

N_I = 4096
N_J = 50
DIM = 128
NC, NS = 2, 16
NW = NC * NS
IPW = N_I // NW
HALF = IPW // 2
NCH = N_J * 2
NBUF = 10
NROUNDS = NCH // NBUF - 1

_mesh = plsc.VectorSubcoreMesh(core_axis_name="c", subcore_axis_name="s")


@functools.partial(
    pl.kernel,
    mesh=_mesh,
    out_type=jax.ShapeDtypeStruct((N_J, N_I, DIM), jnp.float32),
    scratch_types=[
        pltpu.VMEM((N_J, IPW), jnp.int32),
        pltpu.VMEM((NBUF, HALF, DIM), jnp.float32),
        [pltpu.SemaphoreType.DMA for _ in range(NBUF)],
        [pltpu.SemaphoreType.DMA for _ in range(NBUF)],
    ],
)
def _embed_gather(idx_hbm, table_hbm, out_hbm, idx_v, rows_v, gsems, ssems):
    wid = lax.axis_index("s") * NC + lax.axis_index("c")
    ibase = wid * IPW
    pltpu.sync_copy(idx_hbm.at[:, pl.ds(ibase, IPW)], idx_v)

    def gather(c, b):
        j, h = c // 2, c % 2
        return pltpu.make_async_copy(
            table_hbm.at[idx_v.at[j, pl.ds(h * HALF, HALF)]],
            rows_v.at[b], gsems[b])

    def store(c, b):
        j, h = c // 2, c % 2
        return pltpu.make_async_copy(
            rows_v.at[b], out_hbm.at[j, pl.ds(ibase + h * HALF, HALF)],
            ssems[b])

    for b in range(NBUF):
        gather(b, b).start()

    def body(g, carry):
        c0 = g * NBUF
        for b in range(NBUF):
            gather(c0 + b, b).wait()
            store(c0 + b, b).start()
        for b in range(NBUF):
            store(c0 + b, b).wait()
            gather(c0 + b + NBUF, b).start()
        return carry

    lax.fori_loop(0, NROUNDS, body, 0)

    c0 = NROUNDS * NBUF
    for b in range(NBUF):
        gather(c0 + b, b).wait()
        store(c0 + b, b).start()
    for b in range(NBUF):
        store(c0 + b, b).wait()


def kernel(x, weight):
    out_t = _embed_gather(x.T.astype(jnp.int32), weight)
    return out_t.transpose(1, 0, 2)

# --- scband reference (transcript-rebuilt; emitter-appended) ---
"""Pipeline reference for scband-parallel-embedding-72258529788648 (READ-ONLY COPY).

The authoritative reference and input builder live on the scoring server;
editing this copy changes nothing except your own understanding.
"""

import jax, jax.numpy as jnp
import numpy as np

VOCAB_SIZE = 100000
DIM = 128

# Reference assumes world_size=1, rank=0, so vocab_start_idx=0, part_vocab_size=VOCAB_SIZE,
# and parallel_split/parallel_merge are identity ops (per the module's world_size==1 branch).

def setup_inputs(seed: int = 0) -> dict:
    key = jax.random.key(seed)
    k_idx, k_w = jax.random.split(key)
    x = jax.random.randint(k_idx, (4096, 50), 0, VOCAB_SIZE, dtype=jnp.int64) if jax.config.jax_enable_x64 else jax.random.randint(k_idx, (4096, 50), 0, VOCAB_SIZE, dtype=jnp.int32)
    weight = jax.random.normal(k_w, (VOCAB_SIZE, DIM), dtype=jnp.float32) * (1.0 / np.sqrt(DIM))
    return {"x": x, "weight": weight}

def reference(x, weight):
    # world_size == 1 path: parallel_split -> (x, None); embedding; parallel_merge -> identity
    y = jnp.take(weight, x, axis=0)  # F.embedding(x, weight)
    return y

if __name__ == "__main__":
    import jax
    _d = setup_inputs()
    print(jax.jit(kernel)(*tuple(_d.values())))

</pallas_src>

<mosaic_0001>
#map = affine_map<(d0, d1) -> (0, 0)>
#map1 = affine_map<(d0, d1) -> (0, 0, 0)>
module attributes {stable_mosaic.version = 14 : i64} {
  func.func @_embed_gather(%arg0: i32, %arg1: i32, %arg2: memref<50x4096xi32, #tpu.memory_space<hbm>>, %arg3: memref<100000x128xf32, #tpu.memory_space<hbm>>, %arg4: memref<50x4096x128xf32, #tpu.memory_space<hbm>>, %arg5: memref<50x128xi32, #tpu.memory_space<vmem>>, %arg6: memref<10x64x128xf32, #tpu.memory_space<vmem>>, %arg7: memref<!tpu.dma_semaphore, #tpu.memory_space<semaphore_mem>>, %arg8: memref<!tpu.dma_semaphore, #tpu.memory_space<semaphore_mem>>, %arg9: memref<!tpu.dma_semaphore, #tpu.memory_space<semaphore_mem>>, %arg10: memref<!tpu.dma_semaphore, #tpu.memory_space<semaphore_mem>>, %arg11: memref<!tpu.dma_semaphore, #tpu.memory_space<semaphore_mem>>, %arg12: memref<!tpu.dma_semaphore, #tpu.memory_space<semaphore_mem>>, %arg13: memref<!tpu.dma_semaphore, #tpu.memory_space<semaphore_mem>>, %arg14: memref<!tpu.dma_semaphore, #tpu.memory_space<semaphore_mem>>, %arg15: memref<!tpu.dma_semaphore, #tpu.memory_space<semaphore_mem>>, %arg16: memref<!tpu.dma_semaphore, #tpu.memory_space<semaphore_mem>>, %arg17: memref<!tpu.dma_semaphore, #tpu.memory_space<semaphore_mem>>, %arg18: memref<!tpu.dma_semaphore, #tpu.memory_space<semaphore_mem>>, %arg19: memref<!tpu.dma_semaphore, #tpu.memory_space<semaphore_mem>>, %arg20: memref<!tpu.dma_semaphore, #tpu.memory_space<semaphore_mem>>, %arg21: memref<!tpu.dma_semaphore, #tpu.memory_space<semaphore_mem>>, %arg22: memref<!tpu.dma_semaphore, #tpu.memory_space<semaphore_mem>>, %arg23: memref<!tpu.dma_semaphore, #tpu.memory_space<semaphore_mem>>, %arg24: memref<!tpu.dma_semaphore, #tpu.memory_space<semaphore_mem>>, %arg25: memref<!tpu.dma_semaphore, #tpu.memory_space<semaphore_mem>>, %arg26: memref<!tpu.dma_semaphore, #tpu.memory_space<semaphore_mem>>) attributes {dimension_semantics = [#tpu.dimension_semantics<core_parallel>, #tpu.dimension_semantics<subcore_parallel>], iteration_bounds = array<i64: 2, 16>, scalar_prefetch = 0 : i64, scratch_operands = 22 : i64, tpu.core_type = #tpu.core_type<sc_vector_subcore>, window_params = [{transform_indices = #map}, {transform_indices = #map}, {transform_indices = #map1}]} {
    %mul3A = arith.constant 2 : i32
    %mul3A_0 = arith.muli %arg1, %mul3A : i32
    %add3A = arith.addi %mul3A_0, %arg0 : i32
    %mul3A_1 = arith.constant 128 : i32
    %mul3A_2 = arith.muli %add3A, %mul3A_1 : i32
    "tpu.region"() ({
      %run_scoped3A = tpu.sem_alloc : memref<!tpu.dma_semaphore, #tpu.memory_space<semaphore_mem>>
      %dma_start3A_606 = arith.constant 0 : i32
      %dma_start3A_607 = tpu.memref_slice %arg2[%dma_start3A_606, %mul3A_2] : memref<50x4096xi32, #tpu.memory_space<hbm>> -> memref<50x128xi32, #tpu.memory_space<hbm>>
      %dma_start3A_608 = arith.constant 0 : i32
      %dma_start3A_609 = tpu.memref_slice %arg2[%dma_start3A_608, %mul3A_2] : memref<50x4096xi32, #tpu.memory_space<hbm>> -> memref<50x128xi32, #tpu.memory_space<hbm>>
      tpu.enqueue_dma source(%dma_start3A_609 : memref<50x128xi32, #tpu.memory_space<hbm>>) target(%arg5 : memref<50x128xi32, #tpu.memory_space<vmem>>) target_semaphore(%run_scoped3A : memref<!tpu.dma_semaphore, #tpu.memory_space<semaphore_mem>>)
      %dma_wait3A_610 = arith.constant 0 : i32
      %dma_wait3A_611 = tpu.memref_slice %arg2[%dma_wait3A_610, %mul3A_2] : memref<50x4096xi32, #tpu.memory_space<hbm>> -> memref<50x128xi32, #tpu.memory_space<hbm>>
      %dma_wait3A_612 = arith.constant 0 : i32
      %dma_wait3A_613 = tpu.memref_slice %arg2[%dma_wait3A_612, %mul3A_2] : memref<50x4096xi32, #tpu.memory_space<hbm>> -> memref<50x128xi32, #tpu.memory_space<hbm>>
      tpu.wait_dma2 semaphore(%run_scoped3A : memref<!tpu.dma_semaphore, #tpu.memory_space<semaphore_mem>>) src(%dma_wait3A_613 : memref<50x128xi32, #tpu.memory_space<hbm>>) dst(%arg5 : memref<50x128xi32, #tpu.memory_space<vmem>>)
      tpu.yield
    }) : () -> ()
    %dma_start3A = arith.constant 0 : i32
    %dma_start3A_3 = arith.constant 0 : i32
    %dma_start3A_4 = arith.constant 0 : i32
    %dma_start3A_5 = arith.constant 0 : i32
    %dma_start3A_6 = tpu.memref_slice %arg6[%dma_start3A_3, %dma_start3A_4, %dma_start3A_5] : memref<10x64x128xf32, #tpu.memory_space<vmem>> -> memref<1x64x128xf32, #tpu.memory_space<vmem>>
    %dma_start3A_7 = tpu.memref_squeeze %dma_start3A_6 : memref<1x64x128xf32, #tpu.memory_space<vmem>> -> memref<64x128xf32, #tpu.memory_space<vmem>>
    %dma_start3A_8 = arith.constant 0 : i32
    %dma_start3A_9 = tpu.memref_slice %arg5[%dma_start3A, %dma_start3A_8] : memref<50x128xi32, #tpu.memory_space<vmem>> -> memref<1x64xi32, #tpu.memory_space<vmem>>
    %dma_start3A_10 = tpu.memref_squeeze %dma_start3A_9 : memref<1x64xi32, #tpu.memory_space<vmem>> -> memref<64xi32, #tpu.memory_space<vmem>>
    %dma_start3A_11 = arith.constant 0 : i32
    %dma_start3A_12 = arith.constant 0 : i32
    %dma_start3A_13 = tpu.memref_slice %arg3[%dma_start3A_11, %dma_start3A_12] : memref<100000x128xf32, #tpu.memory_space<hbm>> -> memref<100000x128xf32, #tpu.memory_space<hbm>>
    tpu.enqueue_indirect_dma source(%dma_start3A_13 : memref<100000x128xf32, #tpu.memory_space<hbm>>) target(%dma_start3A_7 : memref<64x128xf32, #tpu.memory_space<vmem>>) offsets(%dma_start3A_10 : memref<64xi32, #tpu.memory_space<vmem>>) semaphore(%arg7 : memref<!tpu.dma_semaphore, #tpu.memory_space<semaphore_mem>>)
    %dma_start3A_14 = arith.constant 0 : i32
    %dma_start3A_15 = arith.constant 1 : i32
    %dma_start3A_16 = arith.constant 0 : i32
    %dma_start3A_17 = arith.constant 0 : i32
    %dma_start3A_18 = tpu.memref_slice %arg6[%dma_start3A_15, %dma_start3A_16, %dma_start3A_17] : memref<10x64x128xf32, #tpu.memory_space<vmem>> -> memref<1x64x128xf32, #tpu.memory_space<vmem>>
    %dma_start3A_19 = tpu.memref_squeeze %dma_start3A_18 : memref<1x64x128xf32, #tpu.memory_space<vmem>> -> memref<64x128xf32, #tpu.memory_space<vmem>>
    %dma_start3A_20 = arith.constant 64 : i32
    %dma_start3A_21 = tpu.memref_slice %arg5[%dma_start3A_14, %dma_start3A_20] : memref<50x128xi32, #tpu.memory_space<vmem>> -> memref<1x64xi32, #tpu.memory_space<vmem>>
    %dma_start3A_22 = tpu.memref_squeeze %dma_start3A_21 : memref<1x64xi32, #tpu.memory_space<vmem>> -> memref<64xi32, #tpu.memory_space<vmem>>
    %dma_start3A_23 = arith.constant 0 : i32
    %dma_start3A_24 = arith.constant 0 : i32
    %dma_start3A_25 = tpu.memref_slice %arg3[%dma_start3A_23, %dma_start3A_24] : memref<100000x128xf32, #tpu.memory_space<hbm>> -> memref<100000x128xf32, #tpu.memory_space<hbm>>
    tpu.enqueue_indirect_dma source(%dma_start3A_25 : memref<100000x128xf32, #tpu.memory_space<hbm>>) target(%dma_start3A_19 : memref<64x128xf32, #tpu.memory_space<vmem>>) offsets(%dma_start3A_22 : memref<64xi32, #tpu.memory_space<vmem>>) semaphore(%arg8 : memref<!tpu.dma_semaphore, #tpu.memory_space<semaphore_mem>>)
    %dma_start3A_26 = arith.constant 1 : i32
    %dma_start3A_27 = arith.constant 2 : i32
    %dma_start3A_28 = arith.constant 0 : i32
    %dma_start3A_29 = arith.constant 0 : i32
    %dma_start3A_30 = tpu.memref_slice %arg6[%dma_start3A_27, %dma_start3A_28, %dma_start3A_29] : memref<10x64x128xf32, #tpu.memory_space<vmem>> -> memref<1x64x128xf32, #tpu.memory_space<vmem>>
    %dma_start3A_31 = tpu.memref_squeeze %dma_start3A_30 : memref<1x64x128xf32, #tpu.memory_space<vmem>> -> memref<64x128xf32, #tpu.memory_space<vmem>>
    %dma_start3A_32 = arith.constant 0 : i32
    %dma_start3A_33 = tpu.memref_slice %arg5[%dma_start3A_26, %dma_start3A_32] : memref<50x128xi32, #tpu.memory_space<vmem>> -> memref<1x64xi32, #tpu.memory_space<vmem>>
    %dma_start3A_34 = tpu.memref_squeeze %dma_start3A_33 : memref<1x64xi32, #tpu.memory_space<vmem>> -> memref<64xi32, #tpu.memory_space<vmem>>
    %dma_start3A_35 = arith.constant 0 : i32
    %dma_start3A_36 = arith.constant 0 : i32
    %dma_start3A_37 = tpu.memref_slice %arg3[%dma_start3A_35, %dma_start3A_36] : memref<100000x128xf32, #tpu.memory_space<hbm>> -> memref<100000x128xf32, #tpu.memory_space<hbm>>
    tpu.enqueue_indirect_dma source(%dma_start3A_37 : memref<100000x128xf32, #tpu.memory_space<hbm>>) target(%dma_start3A_31 : memref<64x128xf32, #tpu.memory_space<vmem>>) offsets(%dma_start3A_34 : memref<64xi32, #tpu.memory_space<vmem>>) semaphore(%arg9 : memref<!tpu.dma_semaphore, #tpu.memory_space<semaphore_mem>>)
    %dma_start3A_38 = arith.constant 1 : i32
    %dma_start3A_39 = arith.constant 3 : i32
    %dma_start3A_40 = arith.constant 0 : i32
    %dma_start3A_41 = arith.constant 0 : i32
    %dma_start3A_42 = tpu.memref_slice %arg6[%dma_start3A_39, %dma_start3A_40, %dma_start3A_41] : memref<10x64x128xf32, #tpu.memory_space<vmem>> -> memref<1x64x128xf32, #tpu.memory_space<vmem>>
    %dma_start3A_43 = tpu.memref_squeeze %dma_start3A_42 : memref<1x64x128xf32, #tpu.memory_space<vmem>> -> memref<64x128xf32, #tpu.memory_space<vmem>>
    %dma_start3A_44 = arith.constant 64 : i32
    %dma_start3A_45 = tpu.memref_slice %arg5[%dma_start3A_38, %dma_start3A_44] : memref<50x128xi32, #tpu.memory_space<vmem>> -> memref<1x64xi32, #tpu.memory_space<vmem>>
    %dma_start3A_46 = tpu.memref_squeeze %dma_start3A_45 : memref<1x64xi32, #tpu.memory_space<vmem>> -> memref<64xi32, #tpu.memory_space<vmem>>
    %dma_start3A_47 = arith.constant 0 : i32
    %dma_start3A_48 = arith.constant 0 : i32
    %dma_start3A_49 = tpu.memref_slice %arg3[%dma_start3A_47, %dma_start3A_48] : memref<100000x128xf32, #tpu.memory_space<hbm>> -> memref<100000x128xf32, #tpu.memory_space<hbm>>
    tpu.enqueue_indirect_dma source(%dma_start3A_49 : memref<100000x128xf32, #tpu.memory_space<hbm>>) target(%dma_start3A_43 : memref<64x128xf32, #tpu.memory_space<vmem>>) offsets(%dma_start3A_46 : memref<64xi32, #tpu.memory_space<vmem>>) semaphore(%arg10 : memref<!tpu.dma_semaphore, #tpu.memory_space<semaphore_mem>>)
    %dma_start3A_50 = arith.constant 2 : i32
    %dma_start3A_51 = arith.constant 4 : i32
    %dma_start3A_52 = arith.constant 0 : i32
    %dma_start3A_53 = arith.constant 0 : i32
    %dma_start3A_54 = tpu.memref_slice %arg6[%dma_start3A_51, %dma_start3A_52, %dma_start3A_53] : memref<10x64x128xf32, #tpu.memory_space<vmem>> -> memref<1x64x128xf32, #tpu.memory_space<vmem>>
    %dma_start3A_55 = tpu.memref_squeeze %dma_start3A_54 : memref<1x64x128xf32, #tpu.memory_space<vmem>> -> memref<64x128xf32, #tpu.memory_space<vmem>>
    %dma_start3A_56 = arith.constant 0 : i32
    %dma_start3A_57 = tpu.memref_slice %arg5[%dma_start3A_50, %dma_start3A_56] : memref<50x128xi32, #tpu.memory_space<vmem>> -> memref<1x64xi32, #tpu.memory_space<vmem>>
    %dma_start3A_58 = tpu.memref_squeeze %dma_start3A_57 : memref<1x64xi32, #tpu.memory_space<vmem>> -> memref<64xi32, #tpu.memory_space<vmem>>
    %dma_start3A_59 = arith.constant 0 : i32
    %dma_start3A_60 = arith.constant 0 : i32
    %dma_start3A_61 = tpu.memref_slice %arg3[%dma_start3A_59, %dma_start3A_60] : memref<100000x128xf32, #tpu.memory_space<hbm>> -> memref<100000x128xf32, #tpu.memory_space<hbm>>
    tpu.enqueue_indirect_dma source(%dma_start3A_61 : memref<100000x128xf32, #tpu.memory_space<hbm>>) target(%dma_start3A_55 : memref<64x128xf32, #tpu.memory_space<vmem>>) offsets(%dma_start3A_58 : memref<64xi32, #tpu.memory_space<vmem>>) semaphore(%arg11 : memref<!tpu.dma_semaphore, #tpu.memory_space<semaphore_mem>>)
    %dma_start3A_62 = arith.constant 2 : i32
    %dma_start3A_63 = arith.constant 5 : i32
    %dma_start3A_64 = arith.constant 0 : i32
    %dma_start3A_65 = arith.constant 0 : i32
    %dma_start3A_66 = tpu.memref_slice %arg6[%dma_start3A_63, %dma_start3A_64, %dma_start3A_65] : memref<10x64x128xf32, #tpu.memory_space<vmem>> -> memref<1x64x128xf32, #tpu.memory_space<vmem>>
    %dma_start3A_67 = tpu.memref_squeeze %dma_start3A_66 : memref<1x64x128xf32, #tpu.memory_space<vmem>> -> memref<64x128xf32, #tpu.memory_space<vmem>>
    %dma_start3A_68 = arith.constant 64 : i32
    %dma_start3A_69 = tpu.memref_slice %arg5[%dma_start3A_62, %dma_start3A_68] : memref<50x128xi32, #tpu.memory_space<vmem>> -> memref<1x64xi32, #tpu.memory_space<vmem>>
    %dma_start3A_70 = tpu.memref_squeeze %dma_start3A_69 : memref<1x64xi32, #tpu.memory_space<vmem>> -> memref<64xi32, #tpu.memory_space<vmem>>
    %dma_start3A_71 = arith.constant 0 : i32
    %dma_start3A_72 = arith.constant 0 : i32
    %dma_start3A_73 = tpu.memref_slice %arg3[%dma_start3A_71, %dma_start3A_72] : memref<100000x128xf32, #tpu.memory_space<hbm>> -> memref<100000x128xf32, #tpu.memory_space<hbm>>
    tpu.enqueue_indirect_dma source(%dma_start3A_73 : memref<100000x128xf32, #tpu.memory_space<hbm>>) target(%dma_start3A_67 : memref<64x128xf32, #tpu.memory_space<vmem>>) offsets(%dma_start3A_70 : memref<64xi32, #tpu.memory_space<vmem>>) semaphore(%arg12 : memref<!tpu.dma_semaphore, #tpu.memory_space<semaphore_mem>>)
    %dma_start3A_74 = arith.constant 3 : i32
    %dma_start3A_75 = arith.constant 6 : i32
    %dma_start3A_76 = arith.constant 0 : i32
    %dma_start3A_77 = arith.constant 0 : i32
    %dma_start3A_78 = tpu.memref_slice %arg6[%dma_start3A_75, %dma_start3A_76, %dma_start3A_77] : memref<10x64x128xf32, #tpu.memory_space<vmem>> -> memref<1x64x128xf32, #tpu.memory_space<vmem>>
    %dma_start3A_79 = tpu.memref_squeeze %dma_start3A_78 : memref<1x64x128xf32, #tpu.memory_space<vmem>> -> memref<64x128xf32, #tpu.memory_space<vmem>>
    %dma_start3A_80 = arith.constant 0 : i32
    %dma_start3A_81 = tpu.memref_slice %arg5[%dma_start3A_74, %dma_start3A_80] : memref<50x128xi32, #tpu.memory_space<vmem>> -> memref<1x64xi32, #tpu.memory_space<vmem>>
    %dma_start3A_82 = tpu.memref_squeeze %dma_start3A_81 : memref<1x64xi32, #tpu.memory_space<vmem>> -> memref<64xi32, #tpu.memory_space<vmem>>
    %dma_start3A_83 = arith.constant 0 : i32
    %dma_start3A_84 = arith.constant 0 : i32
    %dma_start3A_85 = tpu.memref_slice %arg3[%dma_start3A_83, %dma_start3A_84] : memref<100000x128xf32, #tpu.memory_space<hbm>> -> memref<100000x128xf32, #tpu.memory_space<hbm>>
    tpu.enqueue_indirect_dma source(%dma_start3A_85 : memref<100000x128xf32, #tpu.memory_space<hbm>>) target(%dma_start3A_79 : memref<64x128xf32, #tpu.memory_space<vmem>>) offsets(%dma_start3A_82 : memref<64xi32, #tpu.memory_space<vmem>>) semaphore(%arg13 : memref<!tpu.dma_semaphore, #tpu.memory_space<semaphore_mem>>)
    %dma_start3A_86 = arith.constant 3 : i32
    %dma_start3A_87 = arith.constant 7 : i32
    %dma_start3A_88 = arith.constant 0 : i32
    %dma_start3A_89 = arith.constant 0 : i32
    %dma_start3A_90 = tpu.memref_slice %arg6[%dma_start3A_87, %dma_start3A_88, %dma_start3A_89] : memref<10x64x128xf32, #tpu.memory_space<vmem>> -> memref<1x64x128xf32, #tpu.memory_space<vmem>>
    %dma_start3A_91 = tpu.memref_squeeze %dma_start3A_90 : memref<1x64x128xf32, #tpu.memory_space<vmem>> -> memref<64x128xf32, #tpu.memory_space<vmem>>
    %dma_start3A_92 = arith.constant 64 : i32
    %dma_start3A_93 = tpu.memref_slice %arg5[%dma_start3A_86, %dma_start3A_92] : memref<50x128xi32, #tpu.memory_space<vmem>> -> memref<1x64xi32, #tpu.memory_space<vmem>>
    %dma_start3A_94 = tpu.memref_squeeze %dma_start3A_93 : memref<1x64xi32, #tpu.memory_space<vmem>> -> memref<64xi32, #tpu.memory_space<vmem>>
    %dma_start3A_95 = arith.constant 0 : i32
    %dma_start3A_96 = arith.constant 0 : i32
    %dma_start3A_97 = tpu.memref_slice %arg3[%dma_start3A_95, %dma_start3A_96] : memref<100000x128xf32, #tpu.memory_space<hbm>> -> memref<100000x128xf32, #tpu.memory_space<hbm>>
    tpu.enqueue_indirect_dma source(%dma_start3A_97 : memref<100000x128xf32, #tpu.memory_space<hbm>>) target(%dma_start3A_91 : memref<64x128xf32, #tpu.memory_space<vmem>>) offsets(%dma_start3A_94 : memref<64xi32, #tpu.memory_space<vmem>>) semaphore(%arg14 : memref<!tpu.dma_semaphore, #tpu.memory_space<semaphore_mem>>)
    %dma_start3A_98 = arith.constant 4 : i32
    %dma_start3A_99 = arith.constant 8 : i32
    %dma_start3A_100 = arith.constant 0 : i32
    %dma_start3A_101 = arith.constant 0 : i32
    %dma_start3A_102 = tpu.memref_slice %arg6[%dma_start3A_99, %dma_start3A_100, %dma_start3A_101] : memref<10x64x128xf32, #tpu.memory_space<vmem>> -> memref<1x64x128xf32, #tpu.memory_space<vmem>>
    %dma_start3A_103 = tpu.memref_squeeze %dma_start3A_102 : memref<1x64x128xf32, #tpu.memory_space<vmem>> -> memref<64x128xf32, #tpu.memory_space<vmem>>
    %dma_start3A_104 = arith.constant 0 : i32
    %dma_start3A_105 = tpu.memref_slice %arg5[%dma_start3A_98, %dma_start3A_104] : memref<50x128xi32, #tpu.memory_space<vmem>> -> memref<1x64xi32, #tpu.memory_space<vmem>>
    %dma_start3A_106 = tpu.memref_squeeze %dma_start3A_105 : memref<1x64xi32, #tpu.memory_space<vmem>> -> memref<64xi32, #tpu.memory_space<vmem>>
    %dma_start3A_107 = arith.constant 0 : i32
    %dma_start3A_108 = arith.constant 0 : i32
    %dma_start3A_109 = tpu.memref_slice %arg3[%dma_start3A_107, %dma_start3A_108] : memref<100000x128xf32, #tpu.memory_space<hbm>> -> memref<100000x128xf32, #tpu.memory_space<hbm>>
    tpu.enqueue_indirect_dma source(%dma_start3A_109 : memref<100000x128xf32, #tpu.memory_space<hbm>>) target(%dma_start3A_103 : memref<64x128xf32, #tpu.memory_space<vmem>>) offsets(%dma_start3A_106 : memref<64xi32, #tpu.memory_space<vmem>>) semaphore(%arg15 : memref<!tpu.dma_semaphore, #tpu.memory_space<semaphore_mem>>)
    %dma_start3A_110 = arith.constant 4 : i32
    %dma_start3A_111 = arith.constant 9 : i32
    %dma_start3A_112 = arith.constant 0 : i32
    %dma_start3A_113 = arith.constant 0 : i32
    %dma_start3A_114 = tpu.memref_slice %arg6[%dma_start3A_111, %dma_start3A_112, %dma_start3A_113] : memref<10x64x128xf32, #tpu.memory_space<vmem>> -> memref<1x64x128xf32, #tpu.memory_space<vmem>>
    %dma_start3A_115 = tpu.memref_squeeze %dma_start3A_114 : memref<1x64x128xf32, #tpu.memory_space<vmem>> -> memref<64x128xf32, #tpu.memory_space<vmem>>
    %dma_start3A_116 = arith.constant 64 : i32
    %dma_start3A_117 = tpu.memref_slice %arg5[%dma_start3A_110, %dma_start3A_116] : memref<50x128xi32, #tpu.memory_space<vmem>> -> memref<1x64xi32, #tpu.memory_space<vmem>>
    %dma_start3A_118 = tpu.memref_squeeze %dma_start3A_117 : memref<1x64xi32, #tpu.memory_space<vmem>> -> memref<64xi32, #tpu.memory_space<vmem>>
    %dma_start3A_119 = arith.constant 0 : i32
    %dma_start3A_120 = arith.constant 0 : i32
    %dma_start3A_121 = tpu.memref_slice %arg3[%dma_start3A_119, %dma_start3A_120] : memref<100000x128xf32, #tpu.memory_space<hbm>> -> memref<100000x128xf32, #tpu.memory_space<hbm>>
    tpu.enqueue_indirect_dma source(%dma_start3A_121 : memref<100000x128xf32, #tpu.memory_space<hbm>>) target(%dma_start3A_115 : memref<64x128xf32, #tpu.memory_space<vmem>>) offsets(%dma_start3A_118 : memref<64xi32, #tpu.memory_space<vmem>>) semaphore(%arg16 : memref<!tpu.dma_semaphore, #tpu.memory_space<semaphore_mem>>)
    %scan3A = arith.constant 0 : i32
    %scan3A_122 = arith.constant 0 : i32
    %scan3A_123 = arith.constant 9 : i32
    %scan3A_124 = arith.addi %scan3A_122, %scan3A_123 : i32
    %scan3A_125 = arith.constant 1 : i32
    scf.for %scan3A_606 = %scan3A_122 to %scan3A_124 step %scan3A_125  : i32 {
      %mul3A_607 = arith.constant 10 : i32
      %mul3A_608 = arith.muli %scan3A_606, %mul3A_607 : i32
      %add3A_609 = arith.constant 0 : i32
      %add3A_610 = arith.addi %mul3A_608, %add3A_609 : i32
      %jit3A = arith.constant 2 : i32
      %div3A = arith.divsi %add3A_610, %jit3A : i32
      %sign3A = arith.constant 0 : i32
      %sign3A_611 = arith.cmpi sgt, %add3A_610, %sign3A : i32
      %sign3A_612 = arith.extui %sign3A_611 : i1 to i32
      %sign3A_613 = arith.constant 0 : i32
      %sign3A_614 = arith.cmpi slt, %add3A_610, %sign3A_613 : i32
      %sign3A_615 = arith.extui %sign3A_614 : i1 to i32
      %sign3A_616 = arith.subi %sign3A_612, %sign3A_615 : i32
      %sign3A_617 = arith.constant 0 : i32
      %sign3A_618 = arith.cmpi sgt, %jit3A, %sign3A_617 : i32
      %sign3A_619 = arith.extui %sign3A_618 : i1 to i32
      %sign3A_620 = arith.constant 0 : i32
      %sign3A_621 = arith.cmpi slt, %jit3A, %sign3A_620 : i32
      %sign3A_622 = arith.extui %sign3A_621 : i1 to i32
      %sign3A_623 = arith.subi %sign3A_619, %sign3A_622 : i32
      %ne3A = arith.cmpi ne, %sign3A_616, %sign3A_623 : i32
      %rem3A = arith.remsi %add3A_610, %jit3A : i32
      %ne3A_624 = arith.constant 0 : i32
      %ne3A_625 = arith.cmpi ne, %rem3A, %ne3A_624 : i32
      %and3A = arith.andi %ne3A, %ne3A_625 : i1
      %sub3A = arith.constant 1 : i32
      %sub3A_626 = arith.subi %div3A, %sub3A : i32
      %select_n3A = arith.select %and3A, %sub3A_626, %div3A : i32
      %jit3A_627 = arith.constant 2 : i32
      %eq3A = arith.constant 0 : i32
      %eq3A_628 = arith.cmpi eq, %jit3A_627, %eq3A : i32
      %jit3A_629 = arith.constant 1 : i32
      %select_n3A_630 = arith.select %eq3A_628, %jit3A_629, %jit3A_627 : i32
      %rem3A_631 = arith.remsi %add3A_610, %select_n3A_630 : i32
      %ne3A_632 = arith.constant 0 : i32
      %ne3A_633 = arith.cmpi ne, %rem3A_631, %ne3A_632 : i32
      %lt3A = arith.constant 0 : i32
      %lt3A_634 = arith.cmpi slt, %rem3A_631, %lt3A : i32
      %lt3A_635 = arith.constant 0 : i32
      %lt3A_636 = arith.cmpi slt, %select_n3A_630, %lt3A_635 : i32
      %ne3A_637 = arith.xori %lt3A_634, %lt3A_636 : i1
      %and3A_638 = arith.andi %ne3A_637, %ne3A_633 : i1
      %add3A_639 = arith.addi %rem3A_631, %select_n3A_630 : i32
      %select_n3A_640 = arith.select %and3A_638, %add3A_639, %rem3A_631 : i32
      %mul3A_641 = arith.constant 64 : i32
      %mul3A_642 = arith.muli %select_n3A_640, %mul3A_641 : i32
      %dma_wait3A_643 = arith.constant 0 : i32
      %dma_wait3A_644 = arith.constant 0 : i32
      %dma_wait3A_645 = arith.constant 0 : i32
      %dma_wait3A_646 = tpu.memref_slice %arg6[%dma_wait3A_643, %dma_wait3A_644, %dma_wait3A_645] : memref<10x64x128xf32, #tpu.memory_space<vmem>> -> memref<1x64x128xf32, #tpu.memory_space<vmem>>
      %dma_wait3A_647 = tpu.memref_squeeze %dma_wait3A_646 : memref<1x64x128xf32, #tpu.memory_space<vmem>> -> memref<64x128xf32, #tpu.memory_space<vmem>>
      %dma_wait3A_648 = tpu.memref_slice %arg5[%select_n3A, %mul3A_642] : memref<50x128xi32, #tpu.memory_space<vmem>> -> memref<1x64xi32, #tpu.memory_space<vmem>>
      %dma_wait3A_649 = tpu.memref_squeeze %dma_wait3A_648 : memref<1x64xi32, #tpu.memory_space<vmem>> -> memref<64xi32, #tpu.memory_space<vmem>>
      %dma_wait3A_650 = arith.constant 0 : i32
      %dma_wait3A_651 = arith.constant 0 : i32
      %dma_wait3A_652 = tpu.memref_slice %arg3[%dma_wait3A_650, %dma_wait3A_651] : memref<100000x128xf32, #tpu.memory_space<hbm>> -> memref<100000x128xf32, #tpu.memory_space<hbm>>
      tpu.wait_indirect_dma semaphore(%arg7 : memref<!tpu.dma_semaphore, #tpu.memory_space<semaphore_mem>>) src(%dma_wait3A_652 : memref<100000x128xf32, #tpu.memory_space<hbm>>) dst(%dma_wait3A_647 : memref<64x128xf32, #tpu.memory_space<vmem>>)
      %add3A_653 = arith.constant 0 : i32
      %add3A_654 = arith.addi %mul3A_608, %add3A_653 : i32
      %jit3A_655 = arith.constant 2 : i32
      %div3A_656 = arith.divsi %add3A_654, %jit3A_655 : i32
      %sign3A_657 = arith.constant 0 : i32
      %sign3A_658 = arith.cmpi sgt, %add3A_654, %sign3A_657 : i32
      %sign3A_659 = arith.extui %sign3A_658 : i1 to i32
      %sign3A_660 = arith.constant 0 : i32
      %sign3A_661 = arith.cmpi slt, %add3A_654, %sign3A_660 : i32
      %sign3A_662 = arith.extui %sign3A_661 : i1 to i32
      %sign3A_663 = arith.subi %sign3A_659, %sign3A_662 : i32
      %sign3A_664 = arith.constant 0 : i32
      %sign3A_665 = arith.cmpi sgt, %jit3A_655, %sign3A_664 : i32
      %sign3A_666 = arith.extui %sign3A_665 : i1 to i32
      %sign3A_667 = arith.constant 0 : i32
      %sign3A_668 = arith.cmpi slt, %jit3A_655, %sign3A_667 : i32
      %sign3A_669 = arith.extui %sign3A_668 : i1 to i32
      %sign3A_670 = arith.subi %sign3A_666, %sign3A_669 : i32
      %ne3A_671 = arith.cmpi ne, %sign3A_663, %sign3A_670 : i32
      %rem3A_672 = arith.remsi %add3A_654, %jit3A_655 : i32
      %ne3A_673 = arith.constant 0 : i32
      %ne3A_674 = arith.cmpi ne, %rem3A_672, %ne3A_673 : i32
      %and3A_675 = arith.andi %ne3A_671, %ne3A_674 : i1
      %sub3A_676 = arith.constant 1 : i32
      %sub3A_677 = arith.subi %div3A_656, %sub3A_676 : i32
      %select_n3A_678 = arith.select %and3A_675, %sub3A_677, %div3A_656 : i32
      %jit3A_679 = arith.constant 2 : i32
      %eq3A_680 = arith.constant 0 : i32
      %eq3A_681 = arith.cmpi eq, %jit3A_679, %eq3A_680 : i32
      %jit3A_682 = arith.constant 1 : i32
      %select_n3A_683 = arith.select %eq3A_681, %jit3A_682, %jit3A_679 : i32
      %rem3A_684 = arith.remsi %add3A_654, %select_n3A_683 : i32
      %ne3A_685 = arith.constant 0 : i32
      %ne3A_686 = arith.cmpi ne, %rem3A_684, %ne3A_685 : i32
      %lt3A_687 = arith.constant 0 : i32
      %lt3A_688 = arith.cmpi slt, %rem3A_684, %lt3A_687 : i32
      %lt3A_689 = arith.constant 0 : i32
      %lt3A_690 = arith.cmpi slt, %select_n3A_683, %lt3A_689 : i32
      %ne3A_691 = arith.xori %lt3A_688, %lt3A_690 : i1
      %and3A_692 = arith.andi %ne3A_691, %ne3A_686 : i1
      %add3A_693 = arith.addi %rem3A_684, %select_n3A_683 : i32
      %select_n3A_694 = arith.select %and3A_692, %add3A_693, %rem3A_684 : i32
      %mul3A_695 = arith.constant 64 : i32
      %mul3A_696 = arith.muli %select_n3A_694, %mul3A_695 : i32
      %add3A_697 = arith.addi %mul3A_2, %mul3A_696 : i32
      %dma_start3A_698 = arith.constant 0 : i32
      %dma_start3A_699 = arith.constant 0 : i32
      %dma_start3A_700 = arith.constant 0 : i32
      %dma_start3A_701 = tpu.memref_slice %arg6[%dma_start3A_698, %dma_start3A_699, %dma_start3A_700] : memref<10x64x128xf32, #tpu.memory_space<vmem>> -> memref<1x64x128xf32, #tpu.memory_space<vmem>>
      %dma_start3A_702 = tpu.memref_squeeze %dma_start3A_701 : memref<1x64x128xf32, #tpu.memory_space<vmem>> -> memref<64x128xf32, #tpu.memory_space<vmem>>
      %dma_start3A_703 = arith.constant 0 : i32
      %dma_start3A_704 = tpu.memref_slice %arg4[%select_n3A_678, %add3A_697, %dma_start3A_703] : memref<50x4096x128xf32, #tpu.memory_space<hbm>> -> memref<1x64x128xf32, #tpu.memory_space<hbm>>
      %dma_start3A_705 = tpu.memref_squeeze %dma_start3A_704 : memref<1x64x128xf32, #tpu.memory_space<hbm>> -> memref<64x128xf32, #tpu.memory_space<hbm>>
      %dma_start3A_706 = arith.constant 0 : i32
      %dma_start3A_707 = tpu.memref_slice %arg4[%select_n3A_678, %add3A_697, %dma_start3A_706] : memref<50x4096x128xf32, #tpu.memory_space<hbm>> -> memref<1x64x128xf32, #tpu.memory_space<hbm>>
      %dma_start3A_708 = tpu.memref_squeeze %dma_start3A_707 : memref<1x64x128xf32, #tpu.memory_space<hbm>> -> memref<64x128xf32, #tpu.memory_space<hbm>>
      %dma_start3A_709 = arith.constant 0 : i32
      %dma_start3A_710 = arith.constant 0 : i32
      %dma_start3A_711 = tpu.memref_slice %arg6[%dma_start3A_698, %dma_start3A_709, %dma_start3A_710] : memref<10x64x128xf32, #tpu.memory_space<vmem>> -> memref<1x64x128xf32, #tpu.memory_space<vmem>>
      %dma_start3A_712 = tpu.memref_squeeze %dma_start3A_711 : memref<1x64x128xf32, #tpu.memory_space<vmem>> -> memref<64x128xf32, #tpu.memory_space<vmem>>
      tpu.enqueue_dma source(%dma_start3A_712 : memref<64x128xf32, #tpu.memory_space<vmem>>) target(%dma_start3A_708 : memref<64x128xf32, #tpu.memory_space<hbm>>) target_semaphore(%arg17 : memref<!tpu.dma_semaphore, #tpu.memory_space<semaphore_mem>>)
      %add3A_713 = arith.constant 1 : i32
      %add3A_714 = arith.addi %mul3A_608, %add3A_713 : i32
      %jit3A_715 = arith.constant 2 : i32
      %div3A_716 = arith.divsi %add3A_714, %jit3A_715 : i32
      %sign3A_717 = arith.constant 0 : i32
      %sign3A_718 = arith.cmpi sgt, %add3A_714, %sign3A_717 : i32
      %sign3A_719 = arith.extui %sign3A_718 : i1 to i32
      %sign3A_720 = arith.constant 0 : i32
      %sign3A_721 = arith.cmpi slt, %add3A_714, %sign3A_720 : i32
      %sign3A_722 = arith.extui %sign3A_721 : i1 to i32
      %sign3A_723 = arith.subi %sign3A_719, %sign3A_722 : i32
      %sign3A_724 = arith.constant 0 : i32
      %sign3A_725 = arith.cmpi sgt, %jit3A_715, %sign3A_724 : i32
      %sign3A_726 = arith.extui %sign3A_725 : i1 to i32
      %sign3A_727 = arith.constant 0 : i32
      %sign3A_728 = arith.cmpi slt, %jit3A_715, %sign3A_727 : i32
      %sign3A_729 = arith.extui %sign3A_728 : i1 to i32
      %sign3A_730 = arith.subi %sign3A_726, %sign3A_729 : i32
      %ne3A_731 = arith.cmpi ne, %sign3A_723, %sign3A_730 : i32
      %rem3A_732 = arith.remsi %add3A_714, %jit3A_715 : i32
      %ne3A_733 = arith.constant 0 : i32
      %ne3A_734 = arith.cmpi ne, %rem3A_732, %ne3A_733 : i32
      %and3A_735 = arith.andi %ne3A_731, %ne3A_734 : i1
      %sub3A_736 = arith.constant 1 : i32
      %sub3A_737 = arith.subi %div3A_716, %sub3A_736 : i32
      %select_n3A_738 = arith.select %and3A_735, %sub3A_737, %div3A_716 : i32
      %jit3A_739 = arith.constant 2 : i32
      %eq3A_740 = arith.constant 0 : i32
      %eq3A_741 = arith.cmpi eq, %jit3A_739, %eq3A_740 : i32
      %jit3A_742 = arith.constant 1 : i32
      %select_n3A_743 = arith.select %eq3A_741, %jit3A_742, %jit3A_739 : i32
      %rem3A_744 = arith.remsi %add3A_714, %select_n3A_743 : i32
      %ne3A_745 = arith.constant 0 : i32
      %ne3A_746 = arith.cmpi ne, %rem3A_744, %ne3A_745 : i32
      %lt3A_747 = arith.constant 0 : i32
      %lt3A_748 = arith.cmpi slt, %rem3A_744, %lt3A_747 : i32
      %lt3A_749 = arith.constant 0 : i32
      %lt3A_750 = arith.cmpi slt, %select_n3A_743, %lt3A_749 : i32
      %ne3A_751 = arith.xori %lt3A_748, %lt3A_750 : i1
      %and3A_752 = arith.andi %ne3A_751, %ne3A_746 : i1
      %add3A_753 = arith.addi %rem3A_744, %select_n3A_743 : i32
      %select_n3A_754 = arith.select %and3A_752, %add3A_753, %rem3A_744 : i32
      %mul3A_755 = arith.constant 64 : i32
      %mul3A_756 = arith.muli %select_n3A_754, %mul3A_755 : i32
      %dma_wait3A_757 = arith.constant 1 : i32
      %dma_wait3A_758 = arith.constant 0 : i32
      %dma_wait3A_759 = arith.constant 0 : i32
      %dma_wait3A_760 = tpu.memref_slice %arg6[%dma_wait3A_757, %dma_wait3A_758, %dma_wait3A_759] : memref<10x64x128xf32, #tpu.memory_space<vmem>> -> memref<1x64x128xf32, #tpu.memory_space<vmem>>
      %dma_wait3A_761 = tpu.memref_squeeze %dma_wait3A_760 : memref<1x64x128xf32, #tpu.memory_space<vmem>> -> memref<64x128xf32, #tpu.memory_space<vmem>>
      %dma_wait3A_762 = tpu.memref_slice %arg5[%select_n3A_738, %mul3A_756] : memref<50x128xi32, #tpu.memory_space<vmem>> -> memref<1x64xi32, #tpu.memory_space<vmem>>
      %dma_wait3A_763 = tpu.memref_squeeze %dma_wait3A_762 : memref<1x64xi32, #tpu.memory_space<vmem>> -> memref<64xi32, #tpu.memory_space<vmem>>
      %dma_wait3A_764 = arith.constant 0 : i32
      %dma_wait3A_765 = arith.constant 0 : i32
      %dma_wait3A_766 = tpu.memref_slice %arg3[%dma_wait3A_764, %dma_wait3A_765] : memref<100000x128xf32, #tpu.memory_space<hbm>> -> memref<100000x128xf32, #tpu.memory_space<hbm>>
      tpu.wait_indirect_dma semaphore(%arg8 : memref<!tpu.dma_semaphore, #tpu.memory_space<semaphore_mem>>) src(%dma_wait3A_766 : memref<100000x128xf32, #tpu.memory_space<hbm>>) dst(%dma_wait3A_761 : memref<64x128xf32, #tpu.memory_space<vmem>>)
      %add3A_767 = arith.constant 1 : i32
      %add3A_768 = arith.addi %mul3A_608, %add3A_767 : i32
      %jit3A_769 = arith.constant 2 : i32
      %div3A_770 = arith.divsi %add3A_768, %jit3A_769 : i32
      %sign3A_771 = arith.constant 0 : i32
      %sign3A_772 = arith.cmpi sgt, %add3A_768, %sign3A_771 : i32
      %sign3A_773 = arith.extui %sign3A_772 : i1 to i32
      %sign3A_774 = arith.constant 0 : i32
      %sign3A_775 = arith.cmpi slt, %add3A_768, %sign3A_774 : i32
      %sign3A_776 = arith.extui %sign3A_775 : i1 to i32
      %sign3A_777 = arith.subi %sign3A_773, %sign3A_776 : i32
      %sign3A_778 = arith.constant 0 : i32
      %sign3A_779 = arith.cmpi sgt, %jit3A_769, %sign3A_778 : i32
      %sign3A_780 = arith.extui %sign3A_779 : i1 to i32
      %sign3A_781 = arith.constant 0 : i32
      %sign3A_782 = arith.cmpi slt, %jit3A_769, %sign3A_781 : i32
      %sign3A_783 = arith.extui %sign3A_782 : i1 to i32
      %sign3A_784 = arith.subi %sign3A_780, %sign3A_783 : i32
      %ne3A_785 = arith.cmpi ne, %sign3A_777, %sign3A_784 : i32
      %rem3A_786 = arith.remsi %add3A_768, %jit3A_769 : i32
      %ne3A_787 = arith.constant 0 : i32
      %ne3A_788 = arith.cmpi ne, %rem3A_786, %ne3A_787 : i32
      %and3A_789 = arith.andi %ne3A_785, %ne3A_788 : i1
      %sub3A_790 = arith.constant 1 : i32
      %sub3A_791 = arith.subi %div3A_770, %sub3A_790 : i32
      %select_n3A_792 = arith.select %and3A_789, %sub3A_791, %div3A_770 : i32
      %jit3A_793 = arith.constant 2 : i32
      %eq3A_794 = arith.constant 0 : i32
      %eq3A_795 = arith.cmpi eq, %jit3A_793, %eq3A_794 : i32
      %jit3A_796 = arith.constant 1 : i32
      %select_n3A_797 = arith.select %eq3A_795, %jit3A_796, %jit3A_793 : i32
      %rem3A_798 = arith.remsi %add3A_768, %select_n3A_797 : i32
      %ne3A_799 = arith.constant 0 : i32
      %ne3A_800 = arith.cmpi ne, %rem3A_798, %ne3A_799 : i32
      %lt3A_801 = arith.constant 0 : i32
      %lt3A_802 = arith.cmpi slt, %rem3A_798, %lt3A_801 : i32
      %lt3A_803 = arith.constant 0 : i32
      %lt3A_804 = arith.cmpi slt, %select_n3A_797, %lt3A_803 : i32
      %ne3A_805 = arith.xori %lt3A_802, %lt3A_804 : i1
      %and3A_806 = arith.andi %ne3A_805, %ne3A_800 : i1
      %add3A_807 = arith.addi %rem3A_798, %select_n3A_797 : i32
      %select_n3A_808 = arith.select %and3A_806, %add3A_807, %rem3A_798 : i32
      %mul3A_809 = arith.constant 64 : i32
      %mul3A_810 = arith.muli %select_n3A_808, %mul3A_809 : i32
      %add3A_811 = arith.addi %mul3A_2, %mul3A_810 : i32
      %dma_start3A_812 = arith.constant 1 : i32
      %dma_start3A_813 = arith.constant 0 : i32
      %dma_start3A_814 = arith.constant 0 : i32
      %dma_start3A_815 = tpu.memref_slice %arg6[%dma_start3A_812, %dma_start3A_813, %dma_start3A_814] : memref<10x64x128xf32, #tpu.memory_space<vmem>> -> memref<1x64x128xf32, #tpu.memory_space<vmem>>
      %dma_start3A_816 = tpu.memref_squeeze %dma_start3A_815 : memref<1x64x128xf32, #tpu.memory_space<vmem>> -> memref<64x128xf32, #tpu.memory_space<vmem>>
      %dma_start3A_817 = arith.constant 0 : i32
      %dma_start3A_818 = tpu.memref_slice %arg4[%select_n3A_792, %add3A_811, %dma_start3A_817] : memref<50x4096x128xf32, #tpu.memory_space<hbm>> -> memref<1x64x128xf32, #tpu.memory_space<hbm>>
      %dma_start3A_819 = tpu.memref_squeeze %dma_start3A_818 : memref<1x64x128xf32, #tpu.memory_space<hbm>> -> memref<64x128xf32, #tpu.memory_space<hbm>>
      %dma_start3A_820 = arith.constant 0 : i32
      %dma_start3A_821 = tpu.memref_slice %arg4[%select_n3A_792, %add3A_811, %dma_start3A_820] : memref<50x4096x128xf32, #tpu.memory_space<hbm>> -> memref<1x64x128xf32, #tpu.memory_space<hbm>>
      %dma_start3A_822 = tpu.memref_squeeze %dma_start3A_821 : memref<1x64x128xf32, #tpu.memory_space<hbm>> -> memref<64x128xf32, #tpu.memory_space<hbm>>
      %dma_start3A_823 = arith.constant 0 : i32
      %dma_start3A_824 = arith.constant 0 : i32
      %dma_start3A_825 = tpu.memref_slice %arg6[%dma_start3A_812, %dma_start3A_823, %dma_start3A_824] : memref<10x64x128xf32, #tpu.memory_space<vmem>> -> memref<1x64x128xf32, #tpu.memory_space<vmem>>
      %dma_start3A_826 = tpu.memref_squeeze %dma_start3A_825 : memref<1x64x128xf32, #tpu.memory_space<vmem>> -> memref<64x128xf32, #tpu.memory_space<vmem>>
      tpu.enqueue_dma source(%dma_start3A_826 : memref<64x128xf32, #tpu.memory_space<vmem>>) target(%dma_start3A_822 : memref<64x128xf32, #tpu.memory_space<hbm>>) target_semaphore(%arg18 : memref<!tpu.dma_semaphore, #tpu.memory_space<semaphore_mem>>)
      %add3A_827 = arith.constant 2 : i32
      %add3A_828 = arith.addi %mul3A_608, %add3A_827 : i32
      %jit3A_829 = arith.constant 2 : i32
      %div3A_830 = arith.divsi %add3A_828, %jit3A_829 : i32
      %sign3A_831 = arith.constant 0 : i32
      %sign3A_832 = arith.cmpi sgt, %add3A_828, %sign3A_831 : i32
      %sign3A_833 = arith.extui %sign3A_832 : i1 to i32
      %sign3A_834 = arith.constant 0 : i32
      %sign3A_835 = arith.cmpi slt, %add3A_828, %sign3A_834 : i32
      %sign3A_836 = arith.extui %sign3A_835 : i1 to i32
      %sign3A_837 = arith.subi %sign3A_833, %sign3A_836 : i32
      %sign3A_838 = arith.constant 0 : i32
      %sign3A_839 = arith.cmpi sgt, %jit3A_829, %sign3A_838 : i32
      %sign3A_840 = arith.extui %sign3A_839 : i1 to i32
      %sign3A_841 = arith.constant 0 : i32
      %sign3A_842 = arith.cmpi slt, %jit3A_829, %sign3A_841 : i32
      %sign3A_843 = arith.extui %sign3A_842 : i1 to i32
      %sign3A_844 = arith.subi %sign3A_840, %sign3A_843 : i32
      %ne3A_845 = arith.cmpi ne, %sign3A_837, %sign3A_844 : i32
      %rem3A_846 = arith.remsi %add3A_828, %jit3A_829 : i32
      %ne3A_847 = arith.constant 0 : i32
      %ne3A_848 = arith.cmpi ne, %rem3A_846, %ne3A_847 : i32
      %and3A_849 = arith.andi %ne3A_845, %ne3A_848 : i1
      %sub3A_850 = arith.constant 1 : i32
      %sub3A_851 = arith.subi %div3A_830, %sub3A_850 : i32
      %select_n3A_852 = arith.select %and3A_849, %sub3A_851, %div3A_830 : i32
      %jit3A_853 = arith.constant 2 : i32
      %eq3A_854 = arith.constant 0 : i32
      %eq3A_855 = arith.cmpi eq, %jit3A_853, %eq3A_854 : i32
      %jit3A_856 = arith.constant 1 : i32
      %select_n3A_857 = arith.select %eq3A_855, %jit3A_856, %jit3A_853 : i32
      %rem3A_858 = arith.remsi %add3A_828, %select_n3A_857 : i32
      %ne3A_859 = arith.constant 0 : i32
      %ne3A_860 = arith.cmpi ne, %rem3A_858, %ne3A_859 : i32
      %lt3A_861 = arith.constant 0 : i32
      %lt3A_862 = arith.cmpi slt, %rem3A_858, %lt3A_861 : i32
      %lt3A_863 = arith.constant 0 : i32
      %lt3A_864 = arith.cmpi slt, %select_n3A_857, %lt3A_863 : i32
      %ne3A_865 = arith.xori %lt3A_862, %lt3A_864 : i1
      %and3A_866 = arith.andi %ne3A_865, %ne3A_860 : i1
      %add3A_867 = arith.addi %rem3A_858, %select_n3A_857 : i32
      %select_n3A_868 = arith.select %and3A_866, %add3A_867, %rem3A_858 : i32
      %mul3A_869 = arith.constant 64 : i32
      %mul3A_870 = arith.muli %select_n3A_868, %mul3A_869 : i32
      %dma_wait3A_871 = arith.constant 2 : i32
      %dma_wait3A_872 = arith.constant 0 : i32
      %dma_wait3A_873 = arith.constant 0 : i32
      %dma_wait3A_874 = tpu.memref_slice %arg6[%dma_wait3A_871, %dma_wait3A_872, %dma_wait3A_873] : memref<10x64x128xf32, #tpu.memory_space<vmem>> -> memref<1x64x128xf32, #tpu.memory_space<vmem>>
      %dma_wait3A_875 = tpu.memref_squeeze %dma_wait3A_874 : memref<1x64x128xf32, #tpu.memory_space<vmem>> -> memref<64x128xf32, #tpu.memory_space<vmem>>
      %dma_wait3A_876 = tpu.memref_slice %arg5[%select_n3A_852, %mul3A_870] : memref<50x128xi32, #tpu.memory_space<vmem>> -> memref<1x64xi32, #tpu.memory_space<vmem>>
      %dma_wait3A_877 = tpu.memref_squeeze %dma_wait3A_876 : memref<1x64xi32, #tpu.memory_space<vmem>> -> memref<64xi32, #tpu.memory_space<vmem>>
      %dma_wait3A_878 = arith.constant 0 : i32
      %dma_wait3A_879 = arith.constant 0 : i32
      %dma_wait3A_880 = tpu.memref_slice %arg3[%dma_wait3A_878, %dma_wait3A_879] : memref<100000x128xf32, #tpu.memory_space<hbm>> -> memref<100000x128xf32, #tpu.memory_space<hbm>>
      tpu.wait_indirect_dma semaphore(%arg9 : memref<!tpu.dma_semaphore, #tpu.memory_space<semaphore_mem>>) src(%dma_wait3A_880 : memref<100000x128xf32, #tpu.memory_space<hbm>>) dst(%dma_wait3A_875 : memref<64x128xf32, #tpu.memory_space<vmem>>)
      %add3A_881 = arith.constant 2 : i32
      %add3A_882 = arith.addi %mul3A_608, %add3A_881 : i32
      %jit3A_883 = arith.constant 2 : i32
      %div3A_884 = arith.divsi %add3A_882, %jit3A_883 : i32
      %sign3A_885 = arith.constant 0 : i32
      %sign3A_886 = arith.cmpi sgt, %add3A_882, %sign3A_885 : i32
      %sign3A_887 = arith.extui %sign3A_886 : i1 to i32
      %sign3A_888 = arith.constant 0 : i32
      %sign3A_889 = arith.cmpi slt, %add3A_882, %sign3A_888 : i32
      %sign3A_890 = arith.extui %sign3A_889 : i1 to i32
      %sign3A_891 = arith.subi %sign3A_887, %sign3A_890 : i32
      %sign3A_892 = arith.constant 0 : i32
      %sign3A_893 = arith.cmpi sgt, %jit3A_883, %sign3A_892 : i32
      %sign3A_894 = arith.extui %sign3A_893 : i1 to i32
      %sign3A_895 = arith.constant 0 : i32
      %sign3A_896 = arith.cmpi slt, %jit3A_883, %sign3A_895 : i32
      %sign3A_897 = arith.extui %sign3A_896 : i1 to i32
      %sign3A_898 = arith.subi %sign3A_894, %sign3A_897 : i32
      %ne3A_899 = arith.cmpi ne, %sign3A_891, %sign3A_898 : i32
      %rem3A_900 = arith.remsi %add3A_882, %jit3A_883 : i32
      %ne3A_901 = arith.constant 0 : i32
      %ne3A_902 = arith.cmpi ne, %rem3A_900, %ne3A_901 : i32
      %and3A_903 = arith.andi %ne3A_899, %ne3A_902 : i1
      %sub3A_904 = arith.constant 1 : i32
      %sub3A_905 = arith.subi %div3A_884, %sub3A_904 : i32
      %select_n3A_906 = arith.select %and3A_903, %sub3A_905, %div3A_884 : i32
      %jit3A_907 = arith.constant 2 : i32
      %eq3A_908 = arith.constant 0 : i32
      %eq3A_909 = arith.cmpi eq, %jit3A_907, %eq3A_908 : i32
      %jit3A_910 = arith.constant 1 : i32
      %select_n3A_911 = arith.select %eq3A_909, %jit3A_910, %jit3A_907 : i32
      %rem3A_912 = arith.remsi %add3A_882, %select_n3A_911 : i32
      %ne3A_913 = arith.constant 0 : i32
      %ne3A_914 = arith.cmpi ne, %rem3A_912, %ne3A_913 : i32
      %lt3A_915 = arith.constant 0 : i32
      %lt3A_916 = arith.cmpi slt, %rem3A_912, %lt3A_915 : i32
      %lt3A_917 = arith.constant 0 : i32
      %lt3A_918 = arith.cmpi slt, %select_n3A_911, %lt3A_917 : i32
      %ne3A_919 = arith.xori %lt3A_916, %lt3A_918 : i1
      %and3A_920 = arith.andi %ne3A_919, %ne3A_914 : i1
      %add3A_921 = arith.addi %rem3A_912, %select_n3A_911 : i32
      %select_n3A_922 = arith.select %and3A_920, %add3A_921, %rem3A_912 : i32
      %mul3A_923 = arith.constant 64 : i32
      %mul3A_924 = arith.muli %select_n3A_922, %mul3A_923 : i32
      %add3A_925 = arith.addi %mul3A_2, %mul3A_924 : i32
      %dma_start3A_926 = arith.constant 2 : i32
      %dma_start3A_927 = arith.constant 0 : i32
      %dma_start3A_928 = arith.constant 0 : i32
      %dma_start3A_929 = tpu.memref_slice %arg6[%dma_start3A_926, %dma_start3A_927, %dma_start3A_928] : memref<10x64x128xf32, #tpu.memory_space<vmem>> -> memref<1x64x128xf32, #tpu.memory_space<vmem>>
      %dma_start3A_930 = tpu.memref_squeeze %dma_start3A_929 : memref<1x64x128xf32, #tpu.memory_space<vmem>> -> memref<64x128xf32, #tpu.memory_space<vmem>>
      %dma_start3A_931 = arith.constant 0 : i32
      %dma_start3A_932 = tpu.memref_slice %arg4[%select_n3A_906, %add3A_925, %dma_start3A_931] : memref<50x4096x128xf32, #tpu.memory_space<hbm>> -> memref<1x64x128xf32, #tpu.memory_space<hbm>>
      %dma_start3A_933 = tpu.memref_squeeze %dma_start3A_932 : memref<1x64x128xf32, #tpu.memory_space<hbm>> -> memref<64x128xf32, #tpu.memory_space<hbm>>
      %dma_start3A_934 = arith.constant 0 : i32
      %dma_start3A_935 = tpu.memref_slice %arg4[%select_n3A_906, %add3A_925, %dma_start3A_934] : memref<50x4096x128xf32, #tpu.memory_space<hbm>> -> memref<1x64x128xf32, #tpu.memory_space<hbm>>
      %dma_start3A_936 = tpu.memref_squeeze %dma_start3A_935 : memref<1x64x128xf32, #tpu.memory_space<hbm>> -> memref<64x128xf32, #tpu.memory_space<hbm>>
      %dma_start3A_937 = arith.constant 0 : i32
      %dma_start3A_938 = arith.constant 0 : i32
      %dma_start3A_939 = tpu.memref_slice %arg6[%dma_start3A_926, %dma_start3A_937, %dma_start3A_938] : memref<10x64x128xf32, #tpu.memory_space<vmem>> -> memref<1x64x128xf32, #tpu.memory_space<vmem>>
      %dma_start3A_940 = tpu.memref_squeeze %dma_start3A_939 : memref<1x64x128xf32, #tpu.memory_space<vmem>> -> memref<64x128xf32, #tpu.memory_space<vmem>>
      tpu.enqueue_dma source(%dma_start3A_940 : memref<64x128xf32, #tpu.memory_space<vmem>>) target(%dma_start3A_936 : memref<64x128xf32, #tpu.memory_space<hbm>>) target_semaphore(%arg19 : memref<!tpu.dma_semaphore, #tpu.memory_space<semaphore_mem>>)
      %add3A_941 = arith.constant 3 : i32
      %add3A_942 = arith.addi %mul3A_608, %add3A_941 : i32
      %jit3A_943 = arith.constant 2 : i32
      %div3A_944 = arith.divsi %add3A_942, %jit3A_943 : i32
      %sign3A_945 = arith.constant 0 : i32
      %sign3A_946 = arith.cmpi sgt, %add3A_942, %sign3A_945 : i32
      %sign3A_947 = arith.extui %sign3A_946 : i1 to i32
      %sign3A_948 = arith.constant 0 : i32
      %sign3A_949 = arith.cmpi slt, %add3A_942, %sign3A_948 : i32
      %sign3A_950 = arith.extui %sign3A_949 : i1 to i32
      %sign3A_951 = arith.subi %sign3A_947, %sign3A_950 : i32
      %sign3A_952 = arith.constant 0 : i32
      %sign3A_953 = arith.cmpi sgt, %jit3A_943, %sign3A_952 : i32
      %sign3A_954 = arith.extui %sign3A_953 : i1 to i32
      %sign3A_955 = arith.constant 0 : i32
      %sign3A_956 = arith.cmpi slt, %jit3A_943, %sign3A_955 : i32
      %sign3A_957 = arith.extui %sign3A_956 : i1 to i32
      %sign3A_958 = arith.subi %sign3A_954, %sign3A_957 : i32
      %ne3A_959 = arith.cmpi ne, %sign3A_951, %sign3A_958 : i32
      %rem3A_960 = arith.remsi %add3A_942, %jit3A_943 : i32
      %ne3A_961 = arith.constant 0 : i32
      %ne3A_962 = arith.cmpi ne, %rem3A_960, %ne3A_961 : i32
      %and3A_963 = arith.andi %ne3A_959, %ne3A_962 : i1
      %sub3A_964 = arith.constant 1 : i32
      %sub3A_965 = arith.subi %div3A_944, %sub3A_964 : i32
      %select_n3A_966 = arith.select %and3A_963, %sub3A_965, %div3A_944 : i32
      %jit3A_967 = arith.constant 2 : i32
      %eq3A_968 = arith.constant 0 : i32
      %eq3A_969 = arith.cmpi eq, %jit3A_967, %eq3A_968 : i32
      %jit3A_970 = arith.constant 1 : i32
      %select_n3A_971 = arith.select %eq3A_969, %jit3A_970, %jit3A_967 : i32
      %rem3A_972 = arith.remsi %add3A_942, %select_n3A_971 : i32
      %ne3A_973 = arith.constant 0 : i32
      %ne3A_974 = arith.cmpi ne, %rem3A_972, %ne3A_973 : i32
      %lt3A_975 = arith.constant 0 : i32
      %lt3A_976 = arith.cmpi slt, %rem3A_972, %lt3A_975 : i32
      %lt3A_977 = arith.constant 0 : i32
      %lt3A_978 = arith.cmpi slt, %select_n3A_971, %lt3A_977 : i32
      %ne3A_979 = arith.xori %lt3A_976, %lt3A_978 : i1
      %and3A_980 = arith.andi %ne3A_979, %ne3A_974 : i1
      %add3A_981 = arith.addi %rem3A_972, %select_n3A_971 : i32
      %select_n3A_982 = arith.select %and3A_980, %add3A_981, %rem3A_972 : i32
      %mul3A_983 = arith.constant 64 : i32
      %mul3A_984 = arith.muli %select_n3A_982, %mul3A_983 : i32
      %dma_wait3A_985 = arith.constant 3 : i32
      %dma_wait3A_986 = arith.constant 0 : i32
      %dma_wait3A_987 = arith.constant 0 : i32
      %dma_wait3A_988 = tpu.memref_slice %arg6[%dma_wait3A_985, %dma_wait3A_986, %dma_wait3A_987] : memref<10x64x128xf32, #tpu.memory_space<vmem>> -> memref<1x64x128xf32, #tpu.memory_space<vmem>>
      %dma_wait3A_989 = tpu.memref_squeeze %dma_wait3A_988 : memref<1x64x128xf32, #tpu.memory_space<vmem>> -> memref<64x128xf32, #tpu.memory_space<vmem>>
      %dma_wait3A_990 = tpu.memref_slice %arg5[%select_n3A_966, %mul3A_984] : memref<50x128xi32, #tpu.memory_space<vmem>> -> memref<1x64xi32, #tpu.memory_space<vmem>>
      %dma_wait3A_991 = tpu.memref_squeeze %dma_wait3A_990 : memref<1x64xi32, #tpu.memory_space<vmem>> -> memref<64xi32, #tpu.memory_space<vmem>>
      %dma_wait3A_992 = arith.constant 0 : i32
      %dma_wait3A_993 = arith.constant 0 : i32
      %dma_wait3A_994 = tpu.memref_slice %arg3[%dma_wait3A_992, %dma_wait3A_993] : memref<100000x128xf32, #tpu.memory_space<hbm>> -> memref<100000x128xf32, #tpu.memory_space<hbm>>
      tpu.wait_indirect_dma semaphore(%arg10 : memref<!tpu.dma_semaphore, #tpu.memory_space<semaphore_mem>>) src(%dma_wait3A_994 : memref<100000x128xf32, #tpu.memory_space<hbm>>) dst(%dma_wait3A_989 : memref<64x128xf32, #tpu.memory_space<vmem>>)
      %add3A_995 = arith.constant 3 : i32
      %add3A_996 = arith.addi %mul3A_608, %add3A_995 : i32
      %jit3A_997 = arith.constant 2 : i32
      %div3A_998 = arith.divsi %add3A_996, %jit3A_997 : i32
      %sign3A_999 = arith.constant 0 : i32
      %sign3A_1000 = arith.cmpi sgt, %add3A_996, %sign3A_999 : i32
      %sign3A_1001 = arith.extui %sign3A_1000 : i1 to i32
      %sign3A_1002 = arith.constant 0 : i32
      %sign3A_1003 = arith.cmpi slt, %add3A_996, %sign3A_1002 : i32
      %sign3A_1004 = arith.extui %sign3A_1003 : i1 to i32
      %sign3A_1005 = arith.subi %sign3A_1001, %sign3A_1004 : i32
      %sign3A_1006 = arith.constant 0 : i32
      %sign3A_1007 = arith.cmpi sgt, %jit3A_997, %sign3A_1006 : i32
      %sign3A_1008 = arith.extui %sign3A_1007 : i1 to i32
      %sign3A_1009 = arith.constant 0 : i32
      %sign3A_1010 = arith.cmpi slt, %jit3A_997, %sign3A_1009 : i32
      %sign3A_1011 = arith.extui %sign3A_1010 : i1 to i32
      %sign3A_1012 = arith.subi %sign3A_1008, %sign3A_1011 : i32
      %ne3A_1013 = arith.cmpi ne, %sign3A_1005, %sign3A_1012 : i32
      %rem3A_1014 = arith.remsi %add3A_996, %jit3A_997 : i32
      %ne3A_1015 = arith.constant 0 : i32
      %ne3A_1016 = arith.cmpi ne, %rem3A_1014, %ne3A_1015 : i32
      %and3A_1017 = arith.andi %ne3A_1013, %ne3A_1016 : i1
      %sub3A_1018 = arith.constant 1 : i32
      %sub3A_1019 = arith.subi %div3A_998, %sub3A_1018 : i32
      %select_n3A_1020 = arith.select %and3A_1017, %sub3A_1019, %div3A_998 : i32
      %jit3A_1021 = arith.constant 2 : i32
      %eq3A_1022 = arith.constant 0 : i32
      %eq3A_1023 = arith.cmpi eq, %jit3A_1021, %eq3A_1022 : i32
      %jit3A_1024 = arith.constant 1 : i32
      %select_n3A_1025 = arith.select %eq3A_1023, %jit3A_1024, %jit3A_1021 : i32
      %rem3A_1026 = arith.remsi %add3A_996, %select_n3A_1025 : i32
      %ne3A_1027 = arith.constant 0 : i32
      %ne3A_1028 = arith.cmpi ne, %rem3A_1026, %ne3A_1027 : i32
      %lt3A_1029 = arith.constant 0 : i32
      %lt3A_1030 = arith.cmpi slt, %rem3A_1026, %lt3A_1029 : i32
      %lt3A_1031 = arith.constant 0 : i32
      %lt3A_1032 = arith.cmpi slt, %select_n3A_1025, %lt3A_1031 : i32
      %ne3A_1033 = arith.xori %lt3A_1030, %lt3A_1032 : i1
      %and3A_1034 = arith.andi %ne3A_1033, %ne3A_1028 : i1
      %add3A_1035 = arith.addi %rem3A_1026, %select_n3A_1025 : i32
      %select_n3A_1036 = arith.select %and3A_1034, %add3A_1035, %rem3A_1026 : i32
      %mul3A_1037 = arith.constant 64 : i32
      %mul3A_1038 = arith.muli %select_n3A_1036, %mul3A_1037 : i32
      %add3A_1039 = arith.addi %mul3A_2, %mul3A_1038 : i32
      %dma_start3A_1040 = arith.constant 3 : i32
      %dma_start3A_1041 = arith.constant 0 : i32
      %dma_start3A_1042 = arith.constant 0 : i32
      %dma_start3A_1043 = tpu.memref_slice %arg6[%dma_start3A_1040, %dma_start3A_1041, %dma_start3A_1042] : memref<10x64x128xf32, #tpu.memory_space<vmem>> -> memref<1x64x128xf32, #tpu.memory_space<vmem>>
      %dma_start3A_1044 = tpu.memref_squeeze %dma_start3A_1043 : memref<1x64x128xf32, #tpu.memory_space<vmem>> -> memref<64x128xf32, #tpu.memory_space<vmem>>
      %dma_start3A_1045 = arith.constant 0 : i32
      %dma_start3A_1046 = tpu.memref_slice %arg4[%select_n3A_1020, %add3A_1039, %dma_start3A_1045] : memref<50x4096x128xf32, #tpu.memory_space<hbm>> -> memref<1x64x128xf32, #tpu.memory_space<hbm>>
      %dma_start3A_1047 = tpu.memref_squeeze %dma_start3A_1046 : memref<1x64x128xf32, #tpu.memory_space<hbm>> -> memref<64x128xf32, #tpu.memory_space<hbm>>
      %dma_start3A_1048 = arith.constant 0 : i32
      %dma_start3A_1049 = tpu.memref_slice %arg4[%select_n3A_1020, %add3A_1039, %dma_start3A_1048] : memref<50x4096x128xf32, #tpu.memory_space<hbm>> -> memref<1x64x128xf32, #tpu.memory_space<hbm>>
      %dma_start3A_1050 = tpu.memref_squeeze %dma_start3A_1049 : memref<1x64x128xf32, #tpu.memory_space<hbm>> -> memref<64x128xf32, #tpu.memory_space<hbm>>
      %dma_start3A_1051 = arith.constant 0 : i32
      %dma_start3A_1052 = arith.constant 0 : i32
      %dma_start3A_1053 = tpu.memref_slice %arg6[%dma_start3A_1040, %dma_start3A_1051, %dma_start3A_1052] : memref<10x64x128xf32, #tpu.memory_space<vmem>> -> memref<1x64x128xf32, #tpu.memory_space<vmem>>
      %dma_start3A_1054 = tpu.memref_squeeze %dma_start3A_1053 : memref<1x64x128xf32, #tpu.memory_space<vmem>> -> memref<64x128xf32, #tpu.memory_space<vmem>>
      tpu.enqueue_dma source(%dma_start3A_1054 : memref<64x128xf32, #tpu.memory_space<vmem>>) target(%dma_start3A_1050 : memref<64x128xf32, #tpu.memory_space<hbm>>) target_semaphore(%arg20 : memref<!tpu.dma_semaphore, #tpu.memory_space<semaphore_mem>>)
      %add3A_1055 = arith.constant 4 : i32
      %add3A_1056 = arith.addi %mul3A_608, %add3A_1055 : i32
      %jit3A_1057 = arith.constant 2 : i32
      %div3A_1058 = arith.divsi %add3A_1056, %jit3A_1057 : i32
      %sign3A_1059 = arith.constant 0 : i32
      %sign3A_1060 = arith.cmpi sgt, %add3A_1056, %sign3A_1059 : i32
      %sign3A_1061 = arith.extui %sign3A_1060 : i1 to i32
      %sign3A_1062 = arith.constant 0 : i32
      %sign3A_1063 = arith.cmpi slt, %add3A_1056, %sign3A_1062 : i32
      %sign3A_1064 = arith.extui %sign3A_1063 : i1 to i32
      %sign3A_1065 = arith.subi %sign3A_1061, %sign3A_1064 : i32
      %sign3A_1066 = arith.constant 0 : i32
      %sign3A_1067 = arith.cmpi sgt, %jit3A_1057, %sign3A_1066 : i32
      %sign3A_1068 = arith.extui %sign3A_1067 : i1 to i32
      %sign3A_1069 = arith.constant 0 : i32
      %sign3A_1070 = arith.cmpi slt, %jit3A_1057, %sign3A_1069 : i32
      %sign3A_1071 = arith.extui %sign3A_1070 : i1 to i32
      %sign3A_1072 = arith.subi %sign3A_1068, %sign3A_1071 : i32
      %ne3A_1073 = arith.cmpi ne, %sign3A_1065, %sign3A_1072 : i32
      %rem3A_1074 = arith.remsi %add3A_1056, %jit3A_1057 : i32
      %ne3A_1075 = arith.constant 0 : i32
      %ne3A_1076 = arith.cmpi ne, %rem3A_1074, %ne3A_1075 : i32
      %and3A_1077 = arith.andi %ne3A_1073, %ne3A_1076 : i1
      %sub3A_1078 = arith.constant 1 : i32
      %sub3A_1079 = arith.subi %div3A_1058, %sub3A_1078 : i32
      %select_n3A_1080 = arith.select %and3A_1077, %sub3A_1079, %div3A_1058 : i32
      %jit3A_1081 = arith.constant 2 : i32
      %eq3A_1082 = arith.constant 0 : i32
      %eq3A_1083 = arith.cmpi eq, %jit3A_1081, %eq3A_1082 : i32
      %jit3A_1084 = arith.constant 1 : i32
      %select_n3A_1085 = arith.select %eq3A_1083, %jit3A_1084, %jit3A_1081 : i32
      %rem3A_1086 = arith.remsi %add3A_1056, %select_n3A_1085 : i32
      %ne3A_1087 = arith.constant 0 : i32
      %ne3A_1088 = arith.cmpi ne, %rem3A_1086, %ne3A_1087 : i32
      %lt3A_1089 = arith.constant 0 : i32
      %lt3A_1090 = arith.cmpi slt, %rem3A_1086, %lt3A_1089 : i32
      %lt3A_1091 = arith.constant 0 : i32
      %lt3A_1092 = arith.cmpi slt, %select_n3A_1085, %lt3A_1091 : i32
      %ne3A_1093 = arith.xori %lt3A_1090, %lt3A_1092 : i1
      %and3A_1094 = arith.andi %ne3A_1093, %ne3A_1088 : i1
      %add3A_1095 = arith.addi %rem3A_1086, %select_n3A_1085 : i32
      %select_n3A_1096 = arith.select %and3A_1094, %add3A_1095, %rem3A_1086 : i32
      %mul3A_1097 = arith.constant 64 : i32
      %mul3A_1098 = arith.muli %select_n3A_1096, %mul3A_1097 : i32
      %dma_wait3A_1099 = arith.constant 4 : i32
      %dma_wait3A_1100 = arith.constant 0 : i32
      %dma_wait3A_1101 = arith.constant 0 : i32
      %dma_wait3A_1102 = tpu.memref_slice %arg6[%dma_wait3A_1099, %dma_wait3A_1100, %dma_wait3A_1101] : memref<10x64x128xf32, #tpu.memory_space<vmem>> -> memref<1x64x128xf32, #tpu.memory_space<vmem>>
      %dma_wait3A_1103 = tpu.memref_squeeze %dma_wait3A_1102 : memref<1x64x128xf32, #tpu.memory_space<vmem>> -> memref<64x128xf32, #tpu.memory_space<vmem>>
      %dma_wait3A_1104 = tpu.memref_slice %arg5[%select_n3A_1080, %mul3A_1098] : memref<50x128xi32, #tpu.memory_space<vmem>> -> memref<1x64xi32, #tpu.memory_space<vmem>>
      %dma_wait3A_1105 = tpu.memref_squeeze %dma_wait3A_1104 : memref<1x64xi32, #tpu.memory_space<vmem>> -> memref<64xi32, #tpu.memory_space<vmem>>
      %dma_wait3A_1106 = arith.constant 0 : i32
      %dma_wait3A_1107 = arith.constant 0 : i32
      %dma_wait3A_1108 = tpu.memref_slice %arg3[%dma_wait3A_1106, %dma_wait3A_1107] : memref<100000x128xf32, #tpu.memory_space<hbm>> -> memref<100000x128xf32, #tpu.memory_space<hbm>>
      tpu.wait_indirect_dma semaphore(%arg11 : memref<!tpu.dma_semaphore, #tpu.memory_space<semaphore_mem>>) src(%dma_wait3A_1108 : memref<100000x128xf32, #tpu.memory_space<hbm>>) dst(%dma_wait3A_1103 : memref<64x128xf32, #tpu.memory_space<vmem>>)
      %add3A_1109 = arith.constant 4 : i32
      %add3A_1110 = arith.addi %mul3A_608, %add3A_1109 : i32
      %jit3A_1111 = arith.constant 2 : i32
      %div3A_1112 = arith.divsi %add3A_1110, %jit3A_1111 : i32
      %sign3A_1113 = arith.constant 0 : i32
      %sign3A_1114 = arith.cmpi sgt, %add3A_1110, %sign3A_1113 : i32
      %sign3A_1115 = arith.extui %sign3A_1114 : i1 to i32
      %sign3A_1116 = arith.constant 0 : i32
      %sign3A_1117 = arith.cmpi slt, %add3A_1110, %sign3A_1116 : i32
      %sign3A_1118 = arith.extui %sign3A_1117 : i1 to i32
      %sign3A_1119 = arith.subi %sign3A_1115, %sign3A_1118 : i32
      %sign3A_1120 = arith.constant 0 : i32
      %sign3A_1121 = arith.cmpi sgt, %jit3A_1111, %sign3A_1120 : i32
      %sign3A_1122 = arith.extui %sign3A_1121 : i1 to i32
      %sign3A_1123 = arith.constant 0 : i32
      %sign3A_1124 = arith.cmpi slt, %jit3A_1111, %sign3A_1123 : i32
      %sign3A_1125 = arith.extui %sign3A_1124 : i1 to i32
      %sign3A_1126 = arith.subi %sign3A_1122, %sign3A_1125 : i32
      %ne3A_1127 = arith.cmpi ne, %sign3A_1119, %sign3A_1126 : i32
      %rem3A_1128 = arith.remsi %add3A_1110, %jit3A_1111 : i32
      %ne3A_1129 = arith.constant 0 : i32
      %ne3A_1130 = arith.cmpi ne, %rem3A_1128, %ne3A_1129 : i32
      %and3A_1131 = arith.andi %ne3A_1127, %ne3A_1130 : i1
      %sub3A_1132 = arith.constant 1 : i32
      %sub3A_1133 = arith.subi %div3A_1112, %sub3A_1132 : i32
      %select_n3A_1134 = arith.select %and3A_1131, %sub3A_1133, %div3A_1112 : i32
      %jit3A_1135 = arith.constant 2 : i32
      %eq3A_1136 = arith.constant 0 : i32
      %eq3A_1137 = arith.cmpi eq, %jit3A_1135, %eq3A_1136 : i32
      %jit3A_1138 = arith.constant 1 : i32
      %select_n3A_1139 = arith.select %eq3A_1137, %jit3A_1138, %jit3A_1135 : i32
      %rem3A_1140 = arith.remsi %add3A_1110, %select_n3A_1139 : i32
      %ne3A_1141 = arith.constant 0 : i32
      %ne3A_1142 = arith.cmpi ne, %rem3A_1140, %ne3A_1141 : i32
      %lt3A_1143 = arith.constant 0 : i32
      %lt3A_1144 = arith.cmpi slt, %rem3A_1140, %lt3A_1143 : i32
      %lt3A_1145 = arith.constant 0 : i32
      %lt3A_1146 = arith.cmpi slt, %select_n3A_1139, %lt3A_1145 : i32
      %ne3A_1147 = arith.xori %lt3A_1144, %lt3A_1146 : i1
      %and3A_1148 = arith.andi %ne3A_1147, %ne3A_1142 : i1
      %add3A_1149 = arith.addi %rem3A_1140, %select_n3A_1139 : i32
      %select_n3A_1150 = arith.select %and3A_1148, %add3A_1149, %rem3A_1140 : i32
      %mul3A_1151 = arith.constant 64 : i32
      %mul3A_1152 = arith.muli %select_n3A_1150, %mul3A_1151 : i32
      %add3A_1153 = arith.addi %mul3A_2, %mul3A_1152 : i32
      %dma_start3A_1154 = arith.constant 4 : i32
      %dma_start3A_1155 = arith.constant 0 : i32
      %dma_start3A_1156 = arith.constant 0 : i32
      %dma_start3A_1157 = tpu.memref_slice %arg6[%dma_start3A_1154, %dma_start3A_1155, %dma_start3A_1156] : memref<10x64x128xf32, #tpu.memory_space<vmem>> -> memref<1x64x128xf32, #tpu.memory_space<vmem>>
      %dma_start3A_1158 = tpu.memref_squeeze %dma_start3A_1157 : memref<1x64x128xf32, #tpu.memory_space<vmem>> -> memref<64x128xf32, #tpu.memory_space<vmem>>
      %dma_start3A_1159 = arith.constant 0 : i32
      %dma_start3A_1160 = tpu.memref_slice %arg4[%select_n3A_1134, %add3A_1153, %dma_start3A_1159] : memref<50x4096x128xf32, #tpu.memory_space<hbm>> -> memref<1x64x128xf32, #tpu.memory_space<hbm>>
      %dma_start3A_1161 = tpu.memref_squeeze %dma_start3A_1160 : memref<1x64x128xf32, #tpu.memory_space<hbm>> -> memref<64x128xf32, #tpu.memory_space<hbm>>
      %dma_start3A_1162 = arith.constant 0 : i32
      %dma_start3A_1163 = tpu.memref_slice %arg4[%select_n3A_1134, %add3A_1153, %dma_start3A_1162] : memref<50x4096x128xf32, #tpu.memory_space<hbm>> -> memref<1x64x128xf32, #tpu.memory_space<hbm>>
      %dma_start3A_1164 = tpu.memref_squeeze %dma_start3A_1163 : memref<1x64x128xf32, #tpu.memory_space<hbm>> -> memref<64x128xf32, #tpu.memory_space<hbm>>
      %dma_start3A_1165 = arith.constant 0 : i32
      %dma_start3A_1166 = arith.constant 0 : i32
      %dma_start3A_1167 = tpu.memref_slice %arg6[%dma_start3A_1154, %dma_start3A_1165, %dma_start3A_1166] : memref<10x64x128xf32, #tpu.memory_space<vmem>> -> memref<1x64x128xf32, #tpu.memory_space<vmem>>
      %dma_start3A_1168 = tpu.memref_squeeze %dma_start3A_1167 : memref<1x64x128xf32, #tpu.memory_space<vmem>> -> memref<64x128xf32, #tpu.memory_space<vmem>>
      tpu.enqueue_dma source(%dma_start3A_1168 : memref<64x128xf32, #tpu.memory_space<vmem>>) target(%dma_start3A_1164 : memref<64x128xf32, #tpu.memory_space<hbm>>) target_semaphore(%arg21 : memref<!tpu.dma_semaphore, #tpu.memory_space<semaphore_mem>>)
      %add3A_1169 = arith.constant 5 : i32
      %add3A_1170 = arith.addi %mul3A_608, %add3A_1169 : i32
      %jit3A_1171 = arith.constant 2 : i32
      %div3A_1172 = arith.divsi %add3A_1170, %jit3A_1171 : i32
      %sign3A_1173 = arith.constant 0 : i32
      %sign3A_1174 = arith.cmpi sgt, %add3A_1170, %sign3A_1173 : i32
      %sign3A_1175 = arith.extui %sign3A_1174 : i1 to i32
      %sign3A_1176 = arith.constant 0 : i32
      %sign3A_1177 = arith.cmpi slt, %add3A_1170, %sign3A_1176 : i32
      %sign3A_1178 = arith.extui %sign3A_1177 : i1 to i32
      %sign3A_1179 = arith.subi %sign3A_1175, %sign3A_1178 : i32
      %sign3A_1180 = arith.constant 0 : i32
      %sign3A_1181 = arith.cmpi sgt, %jit3A_1171, %sign3A_1180 : i32
      %sign3A_1182 = arith.extui %sign3A_1181 : i1 to i32
      %sign3A_1183 = arith.constant 0 : i32
      %sign3A_1184 = arith.cmpi slt, %jit3A_1171, %sign3A_1183 : i32
      %sign3A_1185 = arith.extui %sign3A_1184 : i1 to i32
      %sign3A_1186 = arith.subi %sign3A_1182, %sign3A_1185 : i32
      %ne3A_1187 = arith.cmpi ne, %sign3A_1179, %sign3A_1186 : i32
      %rem3A_1188 = arith.remsi %add3A_1170, %jit3A_1171 : i32
      %ne3A_1189 = arith.constant 0 : i32
      %ne3A_1190 = arith.cmpi ne, %rem3A_1188, %ne3A_1189 : i32
      %and3A_1191 = arith.andi %ne3A_1187, %ne3A_1190 : i1
      %sub3A_1192 = arith.constant 1 : i32
      %sub3A_1193 = arith.subi %div3A_1172, %sub3A_1192 : i32
      %select_n3A_1194 = arith.select %and3A_1191, %sub3A_1193, %div3A_1172 : i32
      %jit3A_1195 = arith.constant 2 : i32
      %eq3A_1196 = arith.constant 0 : i32
      %eq3A_1197 = arith.cmpi eq, %jit3A_1195, %eq3A_1196 : i32
      %jit3A_1198 = arith.constant 1 : i32
      %select_n3A_1199 = arith.select %eq3A_1197, %jit3A_1198, %jit3A_1195 : i32
      %rem3A_1200 = arith.remsi %add3A_1170, %select_n3A_1199 : i32
      %ne3A_1201 = arith.constant 0 : i32
      %ne3A_1202 = arith.cmpi ne, %rem3A_1200, %ne3A_1201 : i32
      %lt3A_1203 = arith.constant 0 : i32
      %lt3A_1204 = arith.cmpi slt, %rem3A_1200, %lt3A_1203 : i32
      %lt3A_1205 = arith.constant 0 : i32
      %lt3A_1206 = arith.cmpi slt, %select_n3A_1199, %lt3A_1205 : i32
      %ne3A_1207 = arith.xori %lt3A_1204, %lt3A_1206 : i1
      %and3A_1208 = arith.andi %ne3A_1207, %ne3A_1202 : i1
      %add3A_1209 = arith.addi %rem3A_1200, %select_n3A_1199 : i32
      %select_n3A_1210 = arith.select %and3A_1208, %add3A_1209, %rem3A_1200 : i32
      %mul3A_1211 = arith.constant 64 : i32
      %mul3A_1212 = arith.muli %select_n3A_1210, %mul3A_1211 : i32
      %dma_wait3A_1213 = arith.constant 5 : i32
      %dma_wait3A_1214 = arith.constant 0 : i32
      %dma_wait3A_1215 = arith.constant 0 : i32
      %dma_wait3A_1216 = tpu.memref_slice %arg6[%dma_wait3A_1213, %dma_wait3A_1214, %dma_wait3A_1215] : memref<10x64x128xf32, #tpu.memory_space<vmem>> -> memref<1x64x128xf32, #tpu.memory_space<vmem>>
      %dma_wait3A_1217 = tpu.memref_squeeze %dma_wait3A_1216 : memref<1x64x128xf32, #tpu.memory_space<vmem>> -> memref<64x128xf32, #tpu.memory_space<vmem>>
      %dma_wait3A_1218 = tpu.memref_slice %arg5[%select_n3A_1194, %mul3A_1212] : memref<50x128xi32, #tpu.memory_space<vmem>> -> memref<1x64xi32, #tpu.memory_space<vmem>>
      %dma_wait3A_1219 = tpu.memref_squeeze %dma_wait3A_1218 : memref<1x64xi32, #tpu.memory_space<vmem>> -> memref<64xi32, #tpu.memory_space<vmem>>
      %dma_wait3A_1220 = arith.constant 0 : i32
      %dma_wait3A_1221 = arith.constant 0 : i32
      %dma_wait3A_1222 = tpu.memref_slice %arg3[%dma_wait3A_1220, %dma_wait3A_1221] : memref<100000x128xf32, #tpu.memory_space<hbm>> -> memref<100000x128xf32, #tpu.memory_space<hbm>>
      tpu.wait_indirect_dma semaphore(%arg12 : memref<!tpu.dma_semaphore, #tpu.memory_space<semaphore_mem>>) src(%dma_wait3A_1222 : memref<100000x128xf32, #tpu.memory_space<hbm>>) dst(%dma_wait3A_1217 : memref<64x128xf32, #tpu.memory_space<vmem>>)
      %add3A_1223 = arith.constant 5 : i32
      %add3A_1224 = arith.addi %mul3A_608, %add3A_1223 : i32
      %jit3A_1225 = arith.constant 2 : i32
      %div3A_1226 = arith.divsi %add3A_1224, %jit3A_1225 : i32
      %sign3A_1227 = arith.constant 0 : i32
      %sign3A_1228 = arith.cmpi sgt, %add3A_1224, %sign3A_1227 : i32
      %sign3A_1229 = arith.extui %sign3A_1228 : i1 to i32
      %sign3A_1230 = arith.constant 0 : i32
      %sign3A_1231 = arith.cmpi slt, %add3A_1224, %sign3A_1230 : i32
      %sign3A_1232 = arith.extui %sign3A_1231 : i1 to i32
      %sign3A_1233 = arith.subi %sign3A_1229, %sign3A_1232 : i32
      %sign3A_1234 = arith.constant 0 : i32
      %sign3A_1235 = arith.cmpi sgt, %jit3A_1225, %sign3A_1234 : i32
      %sign3A_1236 = arith.extui %sign3A_1235 : i1 to i32
      %sign3A_1237 = arith.constant 0 : i32
      %sign3A_1238 = arith.cmpi slt, %jit3A_1225, %sign3A_1237 : i32
      %sign3A_1239 = arith.extui %sign3A_1238 : i1 to i32
      %sign3A_1240 = arith.subi %sign3A_1236, %sign3A_1239 : i32
      %ne3A_1241 = arith.cmpi ne, %sign3A_1233, %sign3A_1240 : i32
      %rem3A_1242 = arith.remsi %add3A_1224, %jit3A_1225 : i32
      %ne3A_1243 = arith.constant 0 : i32
      %ne3A_1244 = arith.cmpi ne, %rem3A_1242, %ne3A_1243 : i32
      %and3A_1245 = arith.andi %ne3A_1241, %ne3A_1244 : i1
      %sub3A_1246 = arith.constant 1 : i32
      %sub3A_1247 = arith.subi %div3A_1226, %sub3A_1246 : i32
      %select_n3A_1248 = arith.select %and3A_1245, %sub3A_1247, %div3A_1226 : i32
      %jit3A_1249 = arith.constant 2 : i32
      %eq3A_1250 = arith.constant 0 : i32
      %eq3A_1251 = arith.cmpi eq, %jit3A_1249, %eq3A_1250 : i32
      %jit3A_1252 = arith.constant 1 : i32
      %select_n3A_1253 = arith.select %eq3A_1251, %jit3A_1252, %jit3A_1249 : i32
      %rem3A_1254 = arith.remsi %add3A_1224, %select_n3A_1253 : i32
      %ne3A_1255 = arith.constant 0 : i32
      %ne3A_1256 = arith.cmpi ne, %rem3A_1254, %ne3A_1255 : i32
      %lt3A_1257 = arith.constant 0 : i32
      %lt3A_1258 = arith.cmpi slt, %rem3A_1254, %lt3A_1257 : i32
      %lt3A_1259 = arith.constant 0 : i32
      %lt3A_1260 = arith.cmpi slt, %select_n3A_1253, %lt3A_1259 : i32
      %ne3A_1261 = arith.xori %lt3A_1258, %lt3A_1260 : i1
      %and3A_1262 = arith.andi %ne3A_1261, %ne3A_1256 : i1
      %add3A_1263 = arith.addi %rem3A_1254, %select_n3A_1253 : i32
      %select_n3A_1264 = arith.select %and3A_1262, %add3A_1263, %rem3A_1254 : i32
      %mul3A_1265 = arith.constant 64 : i32
      %mul3A_1266 = arith.muli %select_n3A_1264, %mul3A_1265 : i32
      %add3A_1267 = arith.addi %mul3A_2, %mul3A_1266 : i32
      %dma_start3A_1268 = arith.constant 5 : i32
      %dma_start3A_1269 = arith.constant 0 : i32
      %dma_start3A_1270 = arith.constant 0 : i32
      %dma_start3A_1271 = tpu.memref_slice %arg6[%dma_start3A_1268, %dma_start3A_1269, %dma_start3A_1270] : memref<10x64x128xf32, #tpu.memory_space<vmem>> -> memref<1x64x128xf32, #tpu.memory_space<vmem>>
      %dma_start3A_1272 = tpu.memref_squeeze %dma_start3A_1271 : memref<1x64x128xf32, #tpu.memory_space<vmem>> -> memref<64x128xf32, #tpu.memory_space<vmem>>
      %dma_start3A_1273 = arith.constant 0 : i32
      %dma_start3A_1274 = tpu.memref_slice %arg4[%select_n3A_1248, %add3A_1267, %dma_start3A_1273] : memref<50x4096x128xf32, #tpu.memory_space<hbm>> -> memref<1x64x128xf32, #tpu.memory_space<hbm>>
      %dma_start3A_1275 = tpu.memref_squeeze %dma_start3A_1274 : memref<1x64x128xf32, #tpu.memory_space<hbm>> -> memref<64x128xf32, #tpu.memory_space<hbm>>
      %dma_start3A_1276 = arith.constant 0 : i32
      %dma_start3A_1277 = tpu.memref_slice %arg4[%select_n3A_1248, %add3A_1267, %dma_start3A_1276] : memref<50x4096x128xf32, #tpu.memory_space<hbm>> -> memref<1x64x128xf32, #tpu.memory_space<hbm>>
      %dma_start3A_1278 = tpu.memref_squeeze %dma_start3A_1277 : memref<1x64x128xf32, #tpu.memory_space<hbm>> -> memref<64x128xf32, #tpu.memory_space<hbm>>
      %dma_start3A_1279 = arith.constant 0 : i32
      %dma_start3A_1280 = arith.constant 0 : i32
      %dma_start3A_1281 = tpu.memref_slice %arg6[%dma_start3A_1268, %dma_start3A_1279, %dma_start3A_1280] : memref<10x64x128xf32, #tpu.memory_space<vmem>> -> memref<1x64x128xf32, #tpu.memory_space<vmem>>
      %dma_start3A_1282 = tpu.memref_squeeze %dma_start3A_1281 : memref<1x64x128xf32, #tpu.memory_space<vmem>> -> memref<64x128xf32, #tpu.memory_space<vmem>>
      tpu.enqueue_dma source(%dma_start3A_1282 : memref<64x128xf32, #tpu.memory_space<vmem>>) target(%dma_start3A_1278 : memref<64x128xf32, #tpu.memory_space<hbm>>) target_semaphore(%arg22 : memref<!tpu.dma_semaphore, #tpu.memory_space<semaphore_mem>>)
      %add3A_1283 = arith.constant 6 : i32
      %add3A_1284 = arith.addi %mul3A_608, %add3A_1283 : i32
      %jit3A_1285 = arith.constant 2 : i32
      %div3A_1286 = arith.divsi %add3A_1284, %jit3A_1285 : i32
      %sign3A_1287 = arith.constant 0 : i32
      %sign3A_1288 = arith.cmpi sgt, %add3A_1284, %sign3A_1287 : i32
      %sign3A_1289 = arith.extui %sign3A_1288 : i1 to i32
      %sign3A_1290 = arith.constant 0 : i32
      %sign3A_1291 = arith.cmpi slt, %add3A_1284, %sign3A_1290 : i32
      %sign3A_1292 = arith.extui %sign3A_1291 : i1 to i32
      %sign3A_1293 = arith.subi %sign3A_1289, %sign3A_1292 : i32
      %sign3A_1294 = arith.constant 0 : i32
      %sign3A_1295 = arith.cmpi sgt, %jit3A_1285, %sign3A_1294 : i32
      %sign3A_1296 = arith.extui %sign3A_1295 : i1 to i32
      %sign3A_1297 = arith.constant 0 : i32
      %sign3A_1298 = arith.cmpi slt, %jit3A_1285, %sign3A_1297 : i32
      %sign3A_1299 = arith.extui %sign3A_1298 : i1 to i32
      %sign3A_1300 = arith.subi %sign3A_1296, %sign3A_1299 : i32
      %ne3A_1301 = arith.cmpi ne, %sign3A_1293, %sign3A_1300 : i32
      %rem3A_1302 = arith.remsi %add3A_1284, %jit3A_1285 : i32
      %ne3A_1303 = arith.constant 0 : i32
      %ne3A_1304 = arith.cmpi ne, %rem3A_1302, %ne3A_1303 : i32
      %and3A_1305 = arith.andi %ne3A_1301, %ne3A_1304 : i1
      %sub3A_1306 = arith.constant 1 : i32
      %sub3A_1307 = arith.subi %div3A_1286, %sub3A_1306 : i32
      %select_n3A_1308 = arith.select %and3A_1305, %sub3A_1307, %div3A_1286 : i32
      %jit3A_1309 = arith.constant 2 : i32
      %eq3A_1310 = arith.constant 0 : i32
      %eq3A_1311 = arith.cmpi eq, %jit3A_1309, %eq3A_1310 : i32
      %jit3A_1312 = arith.constant 1 : i32
      %select_n3A_1313 = arith.select %eq3A_1311, %jit3A_1312, %jit3A_1309 : i32
      %rem3A_1314 = arith.remsi %add3A_1284, %select_n3A_1313 : i32
      %ne3A_1315 = arith.constant 0 : i32
      %ne3A_1316 = arith.cmpi ne, %rem3A_1314, %ne3A_1315 : i32
      %lt3A_1317 = arith.constant 0 : i32
      %lt3A_1318 = arith.cmpi slt, %rem3A_1314, %lt3A_1317 : i32
      %lt3A_1319 = arith.constant 0 : i32
      %lt3A_1320 = arith.cmpi slt, %select_n3A_1313, %lt3A_1319 : i32
      %ne3A_1321 = arith.xori %lt3A_1318, %lt3A_1320 : i1
      %and3A_1322 = arith.andi %ne3A_1321, %ne3A_1316 : i1
      %add3A_1323 = arith.addi %rem3A_1314, %select_n3A_1313 : i32
      %select_n3A_1324 = arith.select %and3A_1322, %add3A_1323, %rem3A_1314 : i32
      %mul3A_1325 = arith.constant 64 : i32
      %mul3A_1326 = arith.muli %select_n3A_1324, %mul3A_1325 : i32
      %dma_wait3A_1327 = arith.constant 6 : i32
      %dma_wait3A_1328 = arith.constant 0 : i32
      %dma_wait3A_1329 = arith.constant 0 : i32
      %dma_wait3A_1330 = tpu.memref_slice %arg6[%dma_wait3A_1327, %dma_wait3A_1328, %dma_wait3A_1329] : memref<10x64x128xf32, #tpu.memory_space<vmem>> -> memref<1x64x128xf32, #tpu.memory_space<vmem>>
      %dma_wait3A_1331 = tpu.memref_squeeze %dma_wait3A_1330 : memref<1x64x128xf32, #tpu.memory_space<vmem>> -> memref<64x128xf32, #tpu.memory_space<vmem>>
      %dma_wait3A_1332 = tpu.memref_slice %arg5[%select_n3A_1308, %mul3A_1326] : memref<50x128xi32, #tpu.memory_space<vmem>> -> memref<1x64xi32, #tpu.memory_space<vmem>>
      %dma_wait3A_1333 = tpu.memref_squeeze %dma_wait3A_1332 : memref<1x64xi32, #tpu.memory_space<vmem>> -> memref<64xi32, #tpu.memory_space<vmem>>
      %dma_wait3A_1334 = arith.constant 0 : i32
      %dma_wait3A_1335 = arith.constant 0 : i32
      %dma_wait3A_1336 = tpu.memref_slice %arg3[%dma_wait3A_1334, %dma_wait3A_1335] : memref<100000x128xf32, #tpu.memory_space<hbm>> -> memref<100000x128xf32, #tpu.memory_space<hbm>>
      tpu.wait_indirect_dma semaphore(%arg13 : memref<!tpu.dma_semaphore, #tpu.memory_space<semaphore_mem>>) src(%dma_wait3A_1336 : memref<100000x128xf32, #tpu.memory_space<hbm>>) dst(%dma_wait3A_1331 : memref<64x128xf32, #tpu.memory_space<vmem>>)
      %add3A_1337 = arith.constant 6 : i32
      %add3A_1338 = arith.addi %mul3A_608, %add3A_1337 : i32
      %jit3A_1339 = arith.constant 2 : i32
      %div3A_1340 = arith.divsi %add3A_1338, %jit3A_1339 : i32
      %sign3A_1341 = arith.constant 0 : i32
      %sign3A_1342 = arith.cmpi sgt, %add3A_1338, %sign3A_1341 : i32
      %sign3A_1343 = arith.extui %sign3A_1342 : i1 to i32
      %sign3A_1344 = arith.constant 0 : i32
      %sign3A_1345 = arith.cmpi slt, %add3A_1338, %sign3A_1344 : i32
      %sign3A_1346 = arith.extui %sign3A_1345 : i1 to i32
      %sign3A_1347 = arith.subi %sign3A_1343, %sign3A_1346 : i32
      %sign3A_1348 = arith.constant 0 : i32
      %sign3A_1349 = arith.cmpi sgt, %jit3A_1339, %sign3A_1348 : i32
      %sign3A_1350 = arith.extui %sign3A_1349 : i1 to i32
      %sign3A_1351 = arith.constant 0 : i32
      %sign3A_1352 = arith.cmpi slt, %jit3A_1339, %sign3A_1351 : i32
      %sign3A_1353 = arith.extui %sign3A_1352 : i1 to i32
      %sign3A_1354 = arith.subi %sign3A_1350, %sign3A_1353 : i32
      %ne3A_1355 = arith.cmpi ne, %sign3A_1347, %sign3A_1354 : i32
      %rem3A_1356 = arith.remsi %add3A_1338, %jit3A_1339 : i32
      %ne3A_1357 = arith.constant 0 : i32
      %ne3A_1358 = arith.cmpi ne, %rem3A_1356, %ne3A_1357 : i32
      %and3A_1359 = arith.andi %ne3A_1355, %ne3A_1358 : i1
      %sub3A_1360 = arith.constant 1 : i32
      %sub3A_1361 = arith.subi %div3A_1340, %sub3A_1360 : i32
      %select_n3A_1362 = arith.select %and3A_1359, %sub3A_1361, %div3A_1340 : i32
      %jit3A_1363 = arith.constant 2 : i32
      %eq3A_1364 = arith.constant 0 : i32
      %eq3A_1365 = arith.cmpi eq, %jit3A_1363, %eq3A_1364 : i32
      %jit3A_1366 = arith.constant 1 : i32
      %select_n3A_1367 = arith.select %eq3A_1365, %jit3A_1366, %jit3A_1363 : i32
      %rem3A_1368 = arith.remsi %add3A_1338, %select_n3A_1367 : i32
      %ne3A_1369 = arith.constant 0 : i32
      %ne3A_1370 = arith.cmpi ne, %rem3A_1368, %ne3A_1369 : i32
      %lt3A_1371 = arith.constant 0 : i32
      %lt3A_1372 = arith.cmpi slt, %rem3A_1368, %lt3A_1371 : i32
      %lt3A_1373 = arith.constant 0 : i32
      %lt3A_1374 = arith.cmpi slt, %select_n3A_1367, %lt3A_1373 : i32
      %ne3A_1375 = arith.xori %lt3A_1372, %lt3A_1374 : i1
      %and3A_1376 = arith.andi %ne3A_1375, %ne3A_1370 : i1
      %add3A_1377 = arith.addi %rem3A_1368, %select_n3A_1367 : i32
      %select_n3A_1378 = arith.select %and3A_1376, %add3A_1377, %rem3A_1368 : i32
      %mul3A_1379 = arith.constant 64 : i32
      %mul3A_1380 = arith.muli %select_n3A_1378, %mul3A_1379 : i32
      %add3A_1381 = arith.addi %mul3A_2, %mul3A_1380 : i32
      %dma_start3A_1382 = arith.constant 6 : i32
      %dma_start3A_1383 = arith.constant 0 : i32
      %dma_start3A_1384 = arith.constant 0 : i32
      %dma_start3A_1385 = tpu.memref_slice %arg6[%dma_start3A_1382, %dma_start3A_1383, %dma_start3A_1384] : memref<10x64x128xf32, #tpu.memory_space<vmem>> -> memref<1x64x128xf32, #tpu.memory_space<vmem>>
      %dma_start3A_1386 = tpu.memref_squeeze %dma_start3A_1385 : memref<1x64x128xf32, #tpu.memory_space<vmem>> -> memref<64x128xf32, #tpu.memory_space<vmem>>
      %dma_start3A_1387 = arith.constant 0 : i32
      %dma_start3A_1388 = tpu.memref_slice %arg4[%select_n3A_1362, %add3A_1381, %dma_start3A_1387] : memref<50x4096x128xf32, #tpu.memory_space<hbm>> -> memref<1x64x128xf32, #tpu.memory_space<hbm>>
      %dma_start3A_1389 = tpu.memref_squeeze %dma_start3A_1388 : memref<1x64x128xf32, #tpu.memory_space<hbm>> -> memref<64x128xf32, #tpu.memory_space<hbm>>
      %dma_start3A_1390 = arith.constant 0 : i32
      %dma_start3A_1391 = tpu.memref_slice %arg4[%select_n3A_1362, %add3A_1381, %dma_start3A_1390] : memref<50x4096x128xf32, #tpu.memory_space<hbm>> -> memref<1x64x128xf32, #tpu.memory_space<hbm>>
      %dma_start3A_1392 = tpu.memref_squeeze %dma_start3A_1391 : memref<1x64x128xf32, #tpu.memory_space<hbm>> -> memref<64x128xf32, #tpu.memory_space<hbm>>
      %dma_start3A_1393 = arith.constant 0 : i32
      %dma_start3A_1394 = arith.constant 0 : i32
      %dma_start3A_1395 = tpu.memref_slice %arg6[%dma_start3A_1382, %dma_start3A_1393, %dma_start3A_1394] : memref<10x64x128xf32, #tpu.memory_space<vmem>> -> memref<1x64x128xf32, #tpu.memory_space<vmem>>
      %dma_start3A_1396 = tpu.memref_squeeze %dma_start3A_1395 : memref<1x64x128xf32, #tpu.memory_space<vmem>> -> memref<64x128xf32, #tpu.memory_space<vmem>>
      tpu.enqueue_dma source(%dma_start3A_1396 : memref<64x128xf32, #tpu.memory_space<vmem>>) target(%dma_start3A_1392 : memref<64x128xf32, #tpu.memory_space<hbm>>) target_semaphore(%arg23 : memref<!tpu.dma_semaphore, #tpu.memory_space<semaphore_mem>>)
      %add3A_1397 = arith.constant 7 : i32
      %add3A_1398 = arith.addi %mul3A_608, %add3A_1397 : i32
      %jit3A_1399 = arith.constant 2 : i32
      %div3A_1400 = arith.divsi %add3A_1398, %jit3A_1399 : i32
      %sign3A_1401 = arith.constant 0 : i32
      %sign3A_1402 = arith.cmpi sgt, %add3A_1398, %sign3A_1401 : i32
      %sign3A_1403 = arith.extui %sign3A_1402 : i1 to i32
      %sign3A_1404 = arith.constant 0 : i32
      %sign3A_1405 = arith.cmpi slt, %add3A_1398, %sign3A_1404 : i32
      %sign3A_1406 = arith.extui %sign3A_1405 : i1 to i32
      %sign3A_1407 = arith.subi %sign3A_1403, %sign3A_1406 : i32
      %sign3A_1408 = arith.constant 0 : i32
      %sign3A_1409 = arith.cmpi sgt, %jit3A_1399, %sign3A_1408 : i32
      %sign3A_1410 = arith.extui %sign3A_1409 : i1 to i32
      %sign3A_1411 = arith.constant 0 : i32
      %sign3A_1412 = arith.cmpi slt, %jit3A_1399, %sign3A_1411 : i32
      %sign3A_1413 = arith.extui %sign3A_1412 : i1 to i32
      %sign3A_1414 = arith.subi %sign3A_1410, %sign3A_1413 : i32
      %ne3A_1415 = arith.cmpi ne, %sign3A_1407, %sign3A_1414 : i32
      %rem3A_1416 = arith.remsi %add3A_1398, %jit3A_1399 : i32
      %ne3A_1417 = arith.constant 0 : i32
      %ne3A_1418 = arith.cmpi ne, %rem3A_1416, %ne3A_1417 : i32
      %and3A_1419 = arith.andi %ne3A_1415, %ne3A_1418 : i1
      %sub3A_1420 = arith.constant 1 : i32
      %sub3A_1421 = arith.subi %div3A_1400, %sub3A_1420 : i32
      %select_n3A_1422 = arith.select %and3A_1419, %sub3A_1421, %div3A_1400 : i32
      %jit3A_1423 = arith.constant 2 : i32
      %eq3A_1424 = arith.constant 0 : i32
      %eq3A_1425 = arith.cmpi eq, %jit3A_1423, %eq3A_1424 : i32
      %jit3A_1426 = arith.constant 1 : i32
      %select_n3A_1427 = arith.select %eq3A_1425, %jit3A_1426, %jit3A_1423 : i32
      %rem3A_1428 = arith.remsi %add3A_1398, %select_n3A_1427 : i32
      %ne3A_1429 = arith.constant 0 : i32
      %ne3A_1430 = arith.cmpi ne, %rem3A_1428, %ne3A_1429 : i32
      %lt3A_1431 = arith.constant 0 : i32
      %lt3A_1432 = arith.cmpi slt, %rem3A_1428, %lt3A_1431 : i32
      %lt3A_1433 = arith.constant 0 : i32
      %lt3A_1434 = arith.cmpi slt, %select_n3A_1427, %lt3A_1433 : i32
      %ne3A_1435 = arith.xori %lt3A_1432, %lt3A_1434 : i1
      %and3A_1436 = arith.andi %ne3A_1435, %ne3A_1430 : i1
      %add3A_1437 = arith.addi %rem3A_1428, %select_n3A_1427 : i32
      %select_n3A_1438 = arith.select %and3A_1436, %add3A_1437, %rem3A_1428 : i32
      %mul3A_1439 = arith.constant 64 : i32
      %mul3A_1440 = arith.muli %select_n3A_1438, %mul3A_1439 : i32
      %dma_wait3A_1441 = arith.constant 7 : i32
      %dma_wait3A_1442 = arith.constant 0 : i32
      %dma_wait3A_1443 = arith.constant 0 : i32
      %dma_wait3A_1444 = tpu.memref_slice %arg6[%dma_wait3A_1441, %dma_wait3A_1442, %dma_wait3A_1443] : memref<10x64x128xf32, #tpu.memory_space<vmem>> -> memref<1x64x128xf32, #tpu.memory_space<vmem>>
      %dma_wait3A_1445 = tpu.memref_squeeze %dma_wait3A_1444 : memref<1x64x128xf32, #tpu.memory_space<vmem>> -> memref<64x128xf32, #tpu.memory_space<vmem>>
      %dma_wait3A_1446 = tpu.memref_slice %arg5[%select_n3A_1422, %mul3A_1440] : memref<50x128xi32, #tpu.memory_space<vmem>> -> memref<1x64xi32, #tpu.memory_space<vmem>>
      %dma_wait3A_1447 = tpu.memref_squeeze %dma_wait3A_1446 : memref<1x64xi32, #tpu.memory_space<vmem>> -> memref<64xi32, #tpu.memory_space<vmem>>
      %dma_wait3A_1448 = arith.constant 0 : i32
      %dma_wait3A_1449 = arith.constant 0 : i32
      %dma_wait3A_1450 = tpu.memref_slice %arg3[%dma_wait3A_1448, %dma_wait3A_1449] : memref<100000x128xf32, #tpu.memory_space<hbm>> -> memref<100000x128xf32, #tpu.memory_space<hbm>>
      tpu.wait_indirect_dma semaphore(%arg14 : memref<!tpu.dma_semaphore, #tpu.memory_space<semaphore_mem>>) src(%dma_wait3A_1450 : memref<100000x128xf32, #tpu.memory_space<hbm>>) dst(%dma_wait3A_1445 : memref<64x128xf32, #tpu.memory_space<vmem>>)
      %add3A_1451 = arith.constant 7 : i32
      %add3A_1452 = arith.addi %mul3A_608, %add3A_1451 : i32
      %jit3A_1453 = arith.constant 2 : i32
      %div3A_1454 = arith.divsi %add3A_1452, %jit3A_1453 : i32
      %sign3A_1455 = arith.constant 0 : i32
      %sign3A_1456 = arith.cmpi sgt, %add3A_1452, %sign3A_1455 : i32
      %sign3A_1457 = arith.extui %sign3A_1456 : i1 to i32
      %sign3A_1458 = arith.constant 0 : i32
      %sign3A_1459 = arith.cmpi slt, %add3A_1452, %sign3A_1458 : i32
      %sign3A_1460 = arith.extui %sign3A_1459 : i1 to i32
      %sign3A_1461 = arith.subi %sign3A_1457, %sign3A_1460 : i32
      %sign3A_1462 = arith.constant 0 : i32
      %sign3A_1463 = arith.cmpi sgt, %jit3A_1453, %sign3A_1462 : i32
      %sign3A_1464 = arith.extui %sign3A_1463 : i1 to i32
      %sign3A_1465 = arith.constant 0 : i32
      %sign3A_1466 = arith.cmpi slt, %jit3A_1453, %sign3A_1465 : i32
      %sign3A_1467 = arith.extui %sign3A_1466 : i1 to i32
      %sign3A_1468 = arith.subi %sign3A_1464, %sign3A_1467 : i32
      %ne3A_1469 = arith.cmpi ne, %sign3A_1461, %sign3A_1468 : i32
      %rem3A_1470 = arith.remsi %add3A_1452, %jit3A_1453 : i32
      %ne3A_1471 = arith.constant 0 : i32
      %ne3A_1472 = arith.cmpi ne, %rem3A_1470, %ne3A_1471 : i32
      %and3A_1473 = arith.andi %ne3A_1469, %ne3A_1472 : i1
      %sub3A_1474 = arith.constant 1 : i32
      %sub3A_1475 = arith.subi %div3A_1454, %sub3A_1474 : i32
      %select_n3A_1476 = arith.select %and3A_1473, %sub3A_1475, %div3A_1454 : i32
      %jit3A_1477 = arith.constant 2 : i32
      %eq3A_1478 = arith.constant 0 : i32
      %eq3A_1479 = arith.cmpi eq, %jit3A_1477, %eq3A_1478 : i32
      %jit3A_1480 = arith.constant 1 : i32
      %select_n3A_1481 = arith.select %eq3A_1479, %jit3A_1480, %jit3A_1477 : i32
      %rem3A_1482 = arith.remsi %add3A_1452, %select_n3A_1481 : i32
      %ne3A_1483 = arith.constant 0 : i32
      %ne3A_1484 = arith.cmpi ne, %rem3A_1482, %ne3A_1483 : i32
      %lt3A_1485 = arith.constant 0 : i32
      %lt3A_1486 = arith.cmpi slt, %rem3A_1482, %lt3A_1485 : i32
      %lt3A_1487 = arith.constant 0 : i32
      %lt3A_1488 = arith.cmpi slt, %select_n3A_1481, %lt3A_1487 : i32
      %ne3A_1489 = arith.xori %lt3A_1486, %lt3A_1488 : i1
      %and3A_1490 = arith.andi %ne3A_1489, %ne3A_1484 : i1
      %add3A_1491 = arith.addi %rem3A_1482, %select_n3A_1481 : i32
      %select_n3A_1492 = arith.select %and3A_1490, %add3A_1491, %rem3A_1482 : i32
      %mul3A_1493 = arith.constant 64 : i32
      %mul3A_1494 = arith.muli %select_n3A_1492, %mul3A_1493 : i32
      %add3A_1495 = arith.addi %mul3A_2, %mul3A_1494 : i32
      %dma_start3A_1496 = arith.constant 7 : i32
      %dma_start3A_1497 = arith.constant 0 : i32
      %dma_start3A_1498 = arith.constant 0 : i32
      %dma_start3A_1499 = tpu.memref_slice %arg6[%dma_start3A_1496, %dma_start3A_1497, %dma_start3A_1498] : memref<10x64x128xf32, #tpu.memory_space<vmem>> -> memref<1x64x128xf32, #tpu.memory_space<vmem>>
      %dma_start3A_1500 = tpu.memref_squeeze %dma_start3A_1499 : memref<1x64x128xf32, #tpu.memory_space<vmem>> -> memref<64x128xf32, #tpu.memory_space<vmem>>
      %dma_start3A_1501 = arith.constant 0 : i32
      %dma_start3A_1502 = tpu.memref_slice %arg4[%select_n3A_1476, %add3A_1495, %dma_start3A_1501] : memref<50x4096x128xf32, #tpu.memory_space<hbm>> -> memref<1x64x128xf32, #tpu.memory_space<hbm>>
      %dma_start3A_1503 = tpu.memref_squeeze %dma_start3A_1502 : memref<1x64x128xf32, #tpu.memory_space<hbm>> -> memref<64x128xf32, #tpu.memory_space<hbm>>
      %dma_start3A_1504 = arith.constant 0 : i32
      %dma_start3A_1505 = tpu.memref_slice %arg4[%select_n3A_1476, %add3A_1495, %dma_start3A_1504] : memref<50x4096x128xf32, #tpu.memory_space<hbm>> -> memref<1x64x128xf32, #tpu.memory_space<hbm>>
      %dma_start3A_1506 = tpu.memref_squeeze %dma_start3A_1505 : memref<1x64x128xf32, #tpu.memory_space<hbm>> -> memref<64x128xf32, #tpu.memory_space<hbm>>
      %dma_start3A_1507 = arith.constant 0 : i32
      %dma_start3A_1508 = arith.constant 0 : i32
      %dma_start3A_1509 = tpu.memref_slice %arg6[%dma_start3A_1496, %dma_start3A_1507, %dma_start3A_1508] : memref<10x64x128xf32, #tpu.memory_space<vmem>> -> memref<1x64x128xf32, #tpu.memory_space<vmem>>
      %dma_start3A_1510 = tpu.memref_squeeze %dma_start3A_1509 : memref<1x64x128xf32, #tpu.memory_space<vmem>> -> memref<64x128xf32, #tpu.memory_space<vmem>>
      tpu.enqueue_dma source(%dma_start3A_1510 : memref<64x128xf32, #tpu.memory_space<vmem>>) target(%dma_start3A_1506 : memref<64x128xf32, #tpu.memory_space<hbm>>) target_semaphore(%arg24 : memref<!tpu.dma_semaphore, #tpu.memory_space<semaphore_mem>>)
      %add3A_1511 = arith.constant 8 : i32
      %add3A_1512 = arith.addi %mul3A_608, %add3A_1511 : i32
      %jit3A_1513 = arith.constant 2 : i32
      %div3A_1514 = arith.divsi %add3A_1512, %jit3A_1513 : i32
      %sign3A_1515 = arith.constant 0 : i32
      %sign3A_1516 = arith.cmpi sgt, %add3A_1512, %sign3A_1515 : i32
      %sign3A_1517 = arith.extui %sign3A_1516 : i1 to i32
      %sign3A_1518 = arith.constant 0 : i32
      %sign3A_1519 = arith.cmpi slt, %add3A_1512, %sign3A_1518 : i32
      %sign3A_1520 = arith.extui %sign3A_1519 : i1 to i32
      %sign3A_1521 = arith.subi %sign3A_1517, %sign3A_1520 : i32
      %sign3A_1522 = arith.constant 0 : i32
      %sign3A_1523 = arith.cmpi sgt, %jit3A_1513, %sign3A_1522 : i32
      %sign3A_1524 = arith.extui %sign3A_1523 : i1 to i32
      %sign3A_1525 = arith.constant 0 : i32
      %sign3A_1526 = arith.cmpi slt, %jit3A_1513, %sign3A_1525 : i32
      %sign3A_1527 = arith.extui %sign3A_1526 : i1 to i32
      %sign3A_1528 = arith.subi %sign3A_1524, %sign3A_1527 : i32
      %ne3A_1529 = arith.cmpi ne, %sign3A_1521, %sign3A_1528 : i32
      %rem3A_1530 = arith.remsi %add3A_1512, %jit3A_1513 : i32
      %ne3A_1531 = arith.constant 0 : i32
      %ne3A_1532 = arith.cmpi ne, %rem3A_1530, %ne3A_1531 : i32
      %and3A_1533 = arith.andi %ne3A_1529, %ne3A_1532 : i1
      %sub3A_1534 = arith.constant 1 : i32
      %sub3A_1535 = arith.subi %div3A_1514, %sub3A_1534 : i32
      %select_n3A_1536 = arith.select %and3A_1533, %sub3A_1535, %div3A_1514 : i32
      %jit3A_1537 = arith.constant 2 : i32
      %eq3A_1538 = arith.constant 0 : i32
      %eq3A_1539 = arith.cmpi eq, %jit3A_1537, %eq3A_1538 : i32
      %jit3A_1540 = arith.constant 1 : i32
      %select_n3A_1541 = arith.select %eq3A_1539, %jit3A_1540, %jit3A_1537 : i32
      %rem3A_1542 = arith.remsi %add3A_1512, %select_n3A_1541 : i32
      %ne3A_1543 = arith.constant 0 : i32
      %ne3A_1544 = arith.cmpi ne, %rem3A_1542, %ne3A_1543 : i32
      %lt3A_1545 = arith.constant 0 : i32
      %lt3A_1546 = arith.cmpi slt, %rem3A_1542, %lt3A_1545 : i32
      %lt3A_1547 = arith.constant 0 : i32
      %lt3A_1548 = arith.cmpi slt, %select_n3A_1541, %lt3A_1547 : i32
      %ne3A_1549 = arith.xori %lt3A_1546, %lt3A_1548 : i1
      %and3A_1550 = arith.andi %ne3A_1549, %ne3A_1544 : i1
      %add3A_1551 = arith.addi %rem3A_1542, %select_n3A_1541 : i32
      %select_n3A_1552 = arith.select %and3A_1550, %add3A_1551, %rem3A_1542 : i32
      %mul3A_1553 = arith.constant 64 : i32
      %mul3A_1554 = arith.muli %select_n3A_1552, %mul3A_1553 : i32
      %dma_wait3A_1555 = arith.constant 8 : i32
      %dma_wait3A_1556 = arith.constant 0 : i32
      %dma_wait3A_1557 = arith.constant 0 : i32
      %dma_wait3A_1558 = tpu.memref_slice %arg6[%dma_wait3A_1555, %dma_wait3A_1556, %dma_wait3A_1557] : memref<10x64x128xf32, #tpu.memory_space<vmem>> -> memref<1x64x128xf32, #tpu.memory_space<vmem>>
      %dma_wait3A_1559 = tpu.memref_squeeze %dma_wait3A_1558 : memref<1x64x128xf32, #tpu.memory_space<vmem>> -> memref<64x128xf32, #tpu.memory_space<vmem>>
      %dma_wait3A_1560 = tpu.memref_slice %arg5[%select_n3A_1536, %mul3A_1554] : memref<50x128xi32, #tpu.memory_space<vmem>> -> memref<1x64xi32, #tpu.memory_space<vmem>>
      %dma_wait3A_1561 = tpu.memref_squeeze %dma_wait3A_1560 : memref<1x64xi32, #tpu.memory_space<vmem>> -> memref<64xi32, #tpu.memory_space<vmem>>
      %dma_wait3A_1562 = arith.constant 0 : i32
      %dma_wait3A_1563 = arith.constant 0 : i32
      %dma_wait3A_1564 = tpu.memref_slice %arg3[%dma_wait3A_1562, %dma_wait3A_1563] : memref<100000x128xf32, #tpu.memory_space<hbm>> -> memref<100000x128xf32, #tpu.memory_space<hbm>>
      tpu.wait_indirect_dma semaphore(%arg15 : memref<!tpu.dma_semaphore, #tpu.memory_space<semaphore_mem>>) src(%dma_wait3A_1564 : memref<100000x128xf32, #tpu.memory_space<hbm>>) dst(%dma_wait3A_1559 : memref<64x128xf32, #tpu.memory_space<vmem>>)
      %add3A_1565 = arith.constant 8 : i32
      %add3A_1566 = arith.addi %mul3A_608, %add3A_1565 : i32
      %jit3A_1567 = arith.constant 2 : i32
      %div3A_1568 = arith.divsi %add3A_1566, %jit3A_1567 : i32
      %sign3A_1569 = arith.constant 0 : i32
      %sign3A_1570 = arith.cmpi sgt, %add3A_1566, %sign3A_1569 : i32
      %sign3A_1571 = arith.extui %sign3A_1570 : i1 to i32
      %sign3A_1572 = arith.constant 0 : i32
      %sign3A_1573 = arith.cmpi slt, %add3A_1566, %sign3A_1572 : i32
      %sign3A_1574 = arith.extui %sign3A_1573 : i1 to i32
      %sign3A_1575 = arith.subi %sign3A_1571, %sign3A_1574 : i32
      %sign3A_1576 = arith.constant 0 : i32
      %sign3A_1577 = arith.cmpi sgt, %jit3A_1567, %sign3A_1576 : i32
      %sign3A_1578 = arith.extui %sign3A_1577 : i1 to i32
      %sign3A_1579 = arith.constant 0 : i32
      %sign3A_1580 = arith.cmpi slt, %jit3A_1567, %sign3A_1579 : i32
      %sign3A_1581 = arith.extui %sign3A_1580 : i1 to i32
      %sign3A_1582 = arith.subi %sign3A_1578, %sign3A_1581 : i32
      %ne3A_1583 = arith.cmpi ne, %sign3A_1575, %sign3A_1582 : i32
      %rem3A_1584 = arith.remsi %add3A_1566, %jit3A_1567 : i32
      %ne3A_1585 = arith.constant 0 : i32
      %ne3A_1586 = arith.cmpi ne, %rem3A_1584, %ne3A_1585 : i32
      %and3A_1587 = arith.andi %ne3A_1583, %ne3A_1586 : i1
      %sub3A_1588 = arith.constant 1 : i32
      %sub3A_1589 = arith.subi %div3A_1568, %sub3A_1588 : i32
      %select_n3A_1590 = arith.select %and3A_1587, %sub3A_1589, %div3A_1568 : i32
      %jit3A_1591 = arith.constant 2 : i32
      %eq3A_1592 = arith.constant 0 : i32
      %eq3A_1593 = arith.cmpi eq, %jit3A_1591, %eq3A_1592 : i32
      %jit3A_1594 = arith.constant 1 : i32
      %select_n3A_1595 = arith.select %eq3A_1593, %jit3A_1594, %jit3A_1591 : i32
      %rem3A_1596 = arith.remsi %add3A_1566, %select_n3A_1595 : i32
      %ne3A_1597 = arith.constant 0 : i32
      %ne3A_1598 = arith.cmpi ne, %rem3A_1596, %ne3A_1597 : i32
      %lt3A_1599 = arith.constant 0 : i32
      %lt3A_1600 = arith.cmpi slt, %rem3A_1596, %lt3A_1599 : i32
      %lt3A_1601 = arith.constant 0 : i32
      %lt3A_1602 = arith.cmpi slt, %select_n3A_1595, %lt3A_1601 : i32
      %ne3A_1603 = arith.xori %lt3A_1600, %lt3A_1602 : i1
      %and3A_1604 = arith.andi %ne3A_1603, %ne3A_1598 : i1
      %add3A_1605 = arith.addi %rem3A_1596, %select_n3A_1595 : i32
      %select_n3A_1606 = arith.select %and3A_1604, %add3A_1605, %rem3A_1596 : i32
      %mul3A_1607 = arith.constant 64 : i32
      %mul3A_1608 = arith.muli %select_n3A_1606, %mul3A_1607 : i32
      %add3A_1609 = arith.addi %mul3A_2, %mul3A_1608 : i32
      %dma_start3A_1610 = arith.constant 8 : i32
      %dma_start3A_1611 = arith.constant 0 : i32
      %dma_start3A_1612 = arith.constant 0 : i32
      %dma_start3A_1613 = tpu.memref_slice %arg6[%dma_start3A_1610, %dma_start3A_1611, %dma_start3A_1612] : memref<10x64x128xf32, #tpu.memory_space<vmem>> -> memref<1x64x128xf32, #tpu.memory_space<vmem>>
      %dma_start3A_1614 = tpu.memref_squeeze %dma_start3A_1613 : memref<1x64x128xf32, #tpu.memory_space<vmem>> -> memref<64x128xf32, #tpu.memory_space<vmem>>
      %dma_start3A_1615 = arith.constant 0 : i32
      %dma_start3A_1616 = tpu.memref_slice %arg4[%select_n3A_1590, %add3A_1609, %dma_start3A_1615] : memref<50x4096x128xf32, #tpu.memory_space<hbm>> -> memref<1x64x128xf32, #tpu.memory_space<hbm>>
      %dma_start3A_1617 = tpu.memref_squeeze %dma_start3A_1616 : memref<1x64x128xf32, #tpu.memory_space<hbm>> -> memref<64x128xf32, #tpu.memory_space<hbm>>
      %dma_start3A_1618 = arith.constant 0 : i32
      %dma_start3A_1619 = tpu.memref_slice %arg4[%select_n3A_1590, %add3A_1609, %dma_start3A_1618] : memref<50x4096x128xf32, #tpu.memory_space<hbm>> -> memref<1x64x128xf32, #tpu.memory_space<hbm>>
      %dma_start3A_1620 = tpu.memref_squeeze %dma_start3A_1619 : memref<1x64x128xf32, #tpu.memory_space<hbm>> -> memref<64x128xf32, #tpu.memory_space<hbm>>
      %dma_start3A_1621 = arith.constant 0 : i32
      %dma_start3A_1622 = arith.constant 0 : i32
      %dma_start3A_1623 = tpu.memref_slice %arg6[%dma_start3A_1610, %dma_start3A_1621, %dma_start3A_1622] : memref<10x64x128xf32, #tpu.memory_space<vmem>> -> memref<1x64x128xf32, #tpu.memory_space<vmem>>
      %dma_start3A_1624 = tpu.memref_squeeze %dma_start3A_1623 : memref<1x64x128xf32, #tpu.memory_space<vmem>> -> memref<64x128xf32, #tpu.memory_space<vmem>>
      tpu.enqueue_dma source(%dma_start3A_1624 : memref<64x128xf32, #tpu.memory_space<vmem>>) target(%dma_start3A_1620 : memref<64x128xf32, #tpu.memory_space<hbm>>) target_semaphore(%arg25 : memref<!tpu.dma_semaphore, #tpu.memory_space<semaphore_mem>>)
      %add3A_1625 = arith.constant 9 : i32
      %add3A_1626 = arith.addi %mul3A_608, %add3A_1625 : i32
      %jit3A_1627 = arith.constant 2 : i32
      %div3A_1628 = arith.divsi %add3A_1626, %jit3A_1627 : i32
      %sign3A_1629 = arith.constant 0 : i32
      %sign3A_1630 = arith.cmpi sgt, %add3A_1626, %sign3A_1629 : i32
      %sign3A_1631 = arith.extui %sign3A_1630 : i1 to i32
      %sign3A_1632 = arith.constant 0 : i32
      %sign3A_1633 = arith.cmpi slt, %add3A_1626, %sign3A_1632 : i32
      %sign3A_1634 = arith.extui %sign3A_1633 : i1 to i32
      %sign3A_1635 = arith.subi %sign3A_1631, %sign3A_1634 : i32
      %sign3A_1636 = arith.constant 0 : i32
      %sign3A_1637 = arith.cmpi sgt, %jit3A_1627, %sign3A_1636 : i32
      %sign3A_1638 = arith.extui %sign3A_1637 : i1 to i32
      %sign3A_1639 = arith.constant 0 : i32
      %sign3A_1640 = arith.cmpi slt, %jit3A_1627, %sign3A_1639 : i32
      %sign3A_1641 = arith.extui %sign3A_1640 : i1 to i32
      %sign3A_1642 = arith.subi %sign3A_1638, %sign3A_1641 : i32
      %ne3A_1643 = arith.cmpi ne, %sign3A_1635, %sign3A_1642 : i32
      %rem3A_1644 = arith.remsi %add3A_1626, %jit3A_1627 : i32
      %ne3A_1645 = arith.constant 0 : i32
      %ne3A_1646 = arith.cmpi ne, %rem3A_1644, %ne3A_1645 : i32
      %and3A_1647 = arith.andi %ne3A_1643, %ne3A_1646 : i1
      %sub3A_1648 = arith.constant 1 : i32
      %sub3A_1649 = arith.subi %div3A_1628, %sub3A_1648 : i32
      %select_n3A_1650 = arith.select %and3A_1647, %sub3A_1649, %div3A_1628 : i32
      %jit3A_1651 = arith.constant 2 : i32
      %eq3A_1652 = arith.constant 0 : i32
      %eq3A_1653 = arith.cmpi eq, %jit3A_1651, %eq3A_1652 : i32
      %jit3A_1654 = arith.constant 1 : i32
      %select_n3A_1655 = arith.select %eq3A_1653, %jit3A_1654, %jit3A_1651 : i32
      %rem3A_1656 = arith.remsi %add3A_1626, %select_n3A_1655 : i32
      %ne3A_1657 = arith.constant 0 : i32
      %ne3A_1658 = arith.cmpi ne, %rem3A_1656, %ne3A_1657 : i32
      %lt3A_1659 = arith.constant 0 : i32
      %lt3A_1660 = arith.cmpi slt, %rem3A_1656, %lt3A_1659 : i32
      %lt3A_1661 = arith.constant 0 : i32
      %lt3A_1662 = arith.cmpi slt, %select_n3A_1655, %lt3A_1661 : i32
      %ne3A_1663 = arith.xori %lt3A_1660, %lt3A_1662 : i1
      %and3A_1664 = arith.andi %ne3A_1663, %ne3A_1658 : i1
      %add3A_1665 = arith.addi %rem3A_1656, %select_n3A_1655 : i32
      %select_n3A_1666 = arith.select %and3A_1664, %add3A_1665, %rem3A_1656 : i32
      %mul3A_1667 = arith.constant 64 : i32
      %mul3A_1668 = arith.muli %select_n3A_1666, %mul3A_1667 : i32
      %dma_wait3A_1669 = arith.constant 9 : i32
      %dma_wait3A_1670 = arith.constant 0 : i32
      %dma_wait3A_1671 = arith.constant 0 : i32
      %dma_wait3A_1672 = tpu.memref_slice %arg6[%dma_wait3A_1669, %dma_wait3A_1670, %dma_wait3A_1671] : memref<10x64x128xf32, #tpu.memory_space<vmem>> -> memref<1x64x128xf32, #tpu.memory_space<vmem>>
      %dma_wait3A_1673 = tpu.memref_squeeze %dma_wait3A_1672 : memref<1x64x128xf32, #tpu.memory_space<vmem>> -> memref<64x128xf32, #tpu.memory_space<vmem>>
      %dma_wait3A_1674 = tpu.memref_slice %arg5[%select_n3A_1650, %mul3A_1668] : memref<50x128xi32, #tpu.memory_space<vmem>> -> memref<1x64xi32, #tpu.memory_space<vmem>>
      %dma_wait3A_1675 = tpu.memref_squeeze %dma_wait3A_1674 : memref<1x64xi32, #tpu.memory_space<vmem>> -> memref<64xi32, #tpu.memory_space<vmem>>
      %dma_wait3A_1676 = arith.constant 0 : i32
      %dma_wait3A_1677 = arith.constant 0 : i32
      %dma_wait3A_1678 = tpu.memref_slice %arg3[%dma_wait3A_1676, %dma_wait3A_1677] : memref<100000x128xf32, #tpu.memory_space<hbm>> -> memref<100000x128xf32, #tpu.memory_space<hbm>>
      tpu.wait_indirect_dma semaphore(%arg16 : memref<!tpu.dma_semaphore, #tpu.memory_space<semaphore_mem>>) src(%dma_wait3A_1678 : memref<100000x128xf32, #tpu.memory_space<hbm>>) dst(%dma_wait3A_1673 : memref<64x128xf32, #tpu.memory_space<vmem>>)
      %add3A_1679 = arith.constant 9 : i32
      %add3A_1680 = arith.addi %mul3A_608, %add3A_1679 : i32
      %jit3A_1681 = arith.constant 2 : i32
      %div3A_1682 = arith.divsi %add3A_1680, %jit3A_1681 : i32
      %sign3A_1683 = arith.constant 0 : i32
      %sign3A_1684 = arith.cmpi sgt, %add3A_1680, %sign3A_1683 : i32
      %sign3A_1685 = arith.extui %sign3A_1684 : i1 to i32
      %sign3A_1686 = arith.constant 0 : i32
      %sign3A_1687 = arith.cmpi slt, %add3A_1680, %sign3A_1686 : i32
      %sign3A_1688 = arith.extui %sign3A_1687 : i1 to i32
      %sign3A_1689 = arith.subi %sign3A_1685, %sign3A_1688 : i32
      %sign3A_1690 = arith.constant 0 : i32
      %sign3A_1691 = arith.cmpi sgt, %jit3A_1681, %sign3A_1690 : i32
      %sign3A_1692 = arith.extui %sign3A_1691 : i1 to i32
      %sign3A_1693 = arith.constant 0 : i32
      %sign3A_1694 = arith.cmpi slt, %jit3A_1681, %sign3A_1693 : i32
      %sign3A_1695 = arith.extui %sign3A_1694 : i1 to i32
      %sign3A_1696 = arith.subi %sign3A_1692, %sign3A_1695 : i32
      %ne3A_1697 = arith.cmpi ne, %sign3A_1689, %sign3A_1696 : i32
      %rem3A_1698 = arith.remsi %add3A_1680, %jit3A_1681 : i32
      %ne3A_1699 = arith.constant 0 : i32
      %ne3A_1700 = arith.cmpi ne, %rem3A_1698, %ne3A_1699 : i32
      %and3A_1701 = arith.andi %ne3A_1697, %ne3A_1700 : i1
      %sub3A_1702 = arith.constant 1 : i32
      %sub3A_1703 = arith.subi %div3A_1682, %sub3A_1702 : i32
      %select_n3A_1704 = arith.select %and3A_1701, %sub3A_1703, %div3A_1682 : i32
      %jit3A_1705 = arith.constant 2 : i32
      %eq3A_1706 = arith.constant 0 : i32
      %eq3A_1707 = arith.cmpi eq, %jit3A_1705, %eq3A_1706 : i32
      %jit3A_1708 = arith.constant 1 : i32
      %select_n3A_1709 = arith.select %eq3A_1707, %jit3A_1708, %jit3A_1705 : i32
      %rem3A_1710 = arith.remsi %add3A_1680, %select_n3A_1709 : i32
      %ne3A_1711 = arith.constant 0 : i32
      %ne3A_1712 = arith.cmpi ne, %rem3A_1710, %ne3A_1711 : i32
      %lt3A_1713 = arith.constant 0 : i32
      %lt3A_1714 = arith.cmpi slt, %rem3A_1710, %lt3A_1713 : i32
      %lt3A_1715 = arith.constant 0 : i32
      %lt3A_1716 = arith.cmpi slt, %select_n3A_1709, %lt3A_1715 : i32
      %ne3A_1717 = arith.xori %lt3A_1714, %lt3A_1716 : i1
      %and3A_1718 = arith.andi %ne3A_1717, %ne3A_1712 : i1
      %add3A_1719 = arith.addi %rem3A_1710, %select_n3A_1709 : i32
      %select_n3A_1720 = arith.select %and3A_1718, %add3A_1719, %rem3A_1710 : i32
      %mul3A_1721 = arith.constant 64 : i32
      %mul3A_1722 = arith.muli %select_n3A_1720, %mul3A_1721 : i32
      %add3A_1723 = arith.addi %mul3A_2, %mul3A_1722 : i32
      %dma_start3A_1724 = arith.constant 9 : i32
      %dma_start3A_1725 = arith.constant 0 : i32
      %dma_start3A_1726 = arith.constant 0 : i32
      %dma_start3A_1727 = tpu.memref_slice %arg6[%dma_start3A_1724, %dma_start3A_1725, %dma_start3A_1726] : memref<10x64x128xf32, #tpu.memory_space<vmem>> -> memref<1x64x128xf32, #tpu.memory_space<vmem>>
      %dma_start3A_1728 = tpu.memref_squeeze %dma_start3A_1727 : memref<1x64x128xf32, #tpu.memory_space<vmem>> -> memref<64x128xf32, #tpu.memory_space<vmem>>
      %dma_start3A_1729 = arith.constant 0 : i32
      %dma_start3A_1730 = tpu.memref_slice %arg4[%select_n3A_1704, %add3A_1723, %dma_start3A_1729] : memref<50x4096x128xf32, #tpu.memory_space<hbm>> -> memref<1x64x128xf32, #tpu.memory_space<hbm>>
      %dma_start3A_1731 = tpu.memref_squeeze %dma_start3A_1730 : memref<1x64x128xf32, #tpu.memory_space<hbm>> -> memref<64x128xf32, #tpu.memory_space<hbm>>
      %dma_start3A_1732 = arith.constant 0 : i32
      %dma_start3A_1733 = tpu.memref_slice %arg4[%select_n3A_1704, %add3A_1723, %dma_start3A_1732] : memref<50x4096x128xf32, #tpu.memory_space<hbm>> -> memref<1x64x128xf32, #tpu.memory_space<hbm>>
      %dma_start3A_1734 = tpu.memref_squeeze %dma_start3A_1733 : memref<1x64x128xf32, #tpu.memory_space<hbm>> -> memref<64x128xf32, #tpu.memory_space<hbm>>
      %dma_start3A_1735 = arith.constant 0 : i32
      %dma_start3A_1736 = arith.constant 0 : i32
      %dma_start3A_1737 = tpu.memref_slice %arg6[%dma_start3A_1724, %dma_start3A_1735, %dma_start3A_1736] : memref<10x64x128xf32, #tpu.memory_space<vmem>> -> memref<1x64x128xf32, #tpu.memory_space<vmem>>
      %dma_start3A_1738 = tpu.memref_squeeze %dma_start3A_1737 : memref<1x64x128xf32, #tpu.memory_space<vmem>> -> memref<64x128xf32, #tpu.memory_space<vmem>>
      tpu.enqueue_dma source(%dma_start3A_1738 : memref<64x128xf32, #tpu.memory_space<vmem>>) target(%dma_start3A_1734 : memref<64x128xf32, #tpu.memory_space<hbm>>) target_semaphore(%arg26 : memref<!tpu.dma_semaphore, #tpu.memory_space<semaphore_mem>>)
      %add3A_1739 = arith.constant 0 : i32
      %add3A_1740 = arith.addi %mul3A_608, %add3A_1739 : i32
      %jit3A_1741 = arith.constant 2 : i32
      %div3A_1742 = arith.divsi %add3A_1740, %jit3A_1741 : i32
      %sign3A_1743 = arith.constant 0 : i32
      %sign3A_1744 = arith.cmpi sgt, %add3A_1740, %sign3A_1743 : i32
      %sign3A_1745 = arith.extui %sign3A_1744 : i1 to i32
      %sign3A_1746 = arith.constant 0 : i32
      %sign3A_1747 = arith.cmpi slt, %add3A_1740, %sign3A_1746 : i32
      %sign3A_1748 = arith.extui %sign3A_1747 : i1 to i32
      %sign3A_1749 = arith.subi %sign3A_1745, %sign3A_1748 : i32
      %sign3A_1750 = arith.constant 0 : i32
      %sign3A_1751 = arith.cmpi sgt, %jit3A_1741, %sign3A_1750 : i32
      %sign3A_1752 = arith.extui %sign3A_1751 : i1 to i32
      %sign3A_1753 = arith.constant 0 : i32
      %sign3A_1754 = arith.cmpi slt, %jit3A_1741, %sign3A_1753 : i32
      %sign3A_1755 = arith.extui %sign3A_1754 : i1 to i32
      %sign3A_1756 = arith.subi %sign3A_1752, %sign3A_1755 : i32
      %ne3A_1757 = arith.cmpi ne, %sign3A_1749, %sign3A_1756 : i32
      %rem3A_1758 = arith.remsi %add3A_1740, %jit3A_1741 : i32
      %ne3A_1759 = arith.constant 0 : i32
      %ne3A_1760 = arith.cmpi ne, %rem3A_1758, %ne3A_1759 : i32
      %and3A_1761 = arith.andi %ne3A_1757, %ne3A_1760 : i1
      %sub3A_1762 = arith.constant 1 : i32
      %sub3A_1763 = arith.subi %div3A_1742, %sub3A_1762 : i32
      %select_n3A_1764 = arith.select %and3A_1761, %sub3A_1763, %div3A_1742 : i32
      %jit3A_1765 = arith.constant 2 : i32
      %eq3A_1766 = arith.constant 0 : i32
      %eq3A_1767 = arith.cmpi eq, %jit3A_1765, %eq3A_1766 : i32
      %jit3A_1768 = arith.constant 1 : i32
      %select_n3A_1769 = arith.select %eq3A_1767, %jit3A_1768, %jit3A_1765 : i32
      %rem3A_1770 = arith.remsi %add3A_1740, %select_n3A_1769 : i32
      %ne3A_1771 = arith.constant 0 : i32
      %ne3A_1772 = arith.cmpi ne, %rem3A_1770, %ne3A_1771 : i32
      %lt3A_1773 = arith.constant 0 : i32
      %lt3A_1774 = arith.cmpi slt, %rem3A_1770, %lt3A_1773 : i32
      %lt3A_1775 = arith.constant 0 : i32
      %lt3A_1776 = arith.cmpi slt, %select_n3A_1769, %lt3A_1775 : i32
      %ne3A_1777 = arith.xori %lt3A_1774, %lt3A_1776 : i1
      %and3A_1778 = arith.andi %ne3A_1777, %ne3A_1772 : i1
      %add3A_1779 = arith.addi %rem3A_1770, %select_n3A_1769 : i32
      %select_n3A_1780 = arith.select %and3A_1778, %add3A_1779, %rem3A_1770 : i32
      %mul3A_1781 = arith.constant 64 : i32
      %mul3A_1782 = arith.muli %select_n3A_1780, %mul3A_1781 : i32
      %add3A_1783 = arith.addi %mul3A_2, %mul3A_1782 : i32
      %dma_wait3A_1784 = arith.constant 0 : i32
      %dma_wait3A_1785 = arith.constant 0 : i32
      %dma_wait3A_1786 = arith.constant 0 : i32
      %dma_wait3A_1787 = tpu.memref_slice %arg6[%dma_wait3A_1784, %dma_wait3A_1785, %dma_wait3A_1786] : memref<10x64x128xf32, #tpu.memory_space<vmem>> -> memref<1x64x128xf32, #tpu.memory_space<vmem>>
      %dma_wait3A_1788 = tpu.memref_squeeze %dma_wait3A_1787 : memref<1x64x128xf32, #tpu.memory_space<vmem>> -> memref<64x128xf32, #tpu.memory_space<vmem>>
      %dma_wait3A_1789 = arith.constant 0 : i32
      %dma_wait3A_1790 = tpu.memref_slice %arg4[%select_n3A_1764, %add3A_1783, %dma_wait3A_1789] : memref<50x4096x128xf32, #tpu.memory_space<hbm>> -> memref<1x64x128xf32, #tpu.memory_space<hbm>>
      %dma_wait3A_1791 = tpu.memref_squeeze %dma_wait3A_1790 : memref<1x64x128xf32, #tpu.memory_space<hbm>> -> memref<64x128xf32, #tpu.memory_space<hbm>>
      %dma_wait3A_1792 = arith.constant 0 : i32
      %dma_wait3A_1793 = tpu.memref_slice %arg4[%select_n3A_1764, %add3A_1783, %dma_wait3A_1792] : memref<50x4096x128xf32, #tpu.memory_space<hbm>> -> memref<1x64x128xf32, #tpu.memory_space<hbm>>
      %dma_wait3A_1794 = tpu.memref_squeeze %dma_wait3A_1793 : memref<1x64x128xf32, #tpu.memory_space<hbm>> -> memref<64x128xf32, #tpu.memory_space<hbm>>
      %dma_wait3A_1795 = arith.constant 0 : i32
      %dma_wait3A_1796 = arith.constant 0 : i32
      %dma_wait3A_1797 = tpu.memref_slice %arg6[%dma_wait3A_1784, %dma_wait3A_1795, %dma_wait3A_1796] : memref<10x64x128xf32, #tpu.memory_space<vmem>> -> memref<1x64x128xf32, #tpu.memory_space<vmem>>
      %dma_wait3A_1798 = tpu.memref_squeeze %dma_wait3A_1797 : memref<1x64x128xf32, #tpu.memory_space<vmem>> -> memref<64x128xf32, #tpu.memory_space<vmem>>
      tpu.wait_dma2 semaphore(%arg17 : memref<!tpu.dma_semaphore, #tpu.memory_space<semaphore_mem>>) src(%dma_wait3A_1798 : memref<64x128xf32, #tpu.memory_space<vmem>>) dst(%dma_wait3A_1794 : memref<64x128xf32, #tpu.memory_space<hbm>>)
      %add3A_1799 = arith.constant 0 : i32
      %add3A_1800 = arith.addi %mul3A_608, %add3A_1799 : i32
      %add3A_1801 = arith.constant 10 : i32
      %add3A_1802 = arith.addi %add3A_1800, %add3A_1801 : i32
      %jit3A_1803 = arith.constant 2 : i32
      %div3A_1804 = arith.divsi %add3A_1802, %jit3A_1803 : i32
      %sign3A_1805 = arith.constant 0 : i32
      %sign3A_1806 = arith.cmpi sgt, %add3A_1802, %sign3A_1805 : i32
      %sign3A_1807 = arith.extui %sign3A_1806 : i1 to i32
      %sign3A_1808 = arith.constant 0 : i32
      %sign3A_1809 = arith.cmpi slt, %add3A_1802, %sign3A_1808 : i32
      %sign3A_1810 = arith.extui %sign3A_1809 : i1 to i32
      %sign3A_1811 = arith.subi %sign3A_1807, %sign3A_1810 : i32
      %sign3A_1812 = arith.constant 0 : i32
      %sign3A_1813 = arith.cmpi sgt, %jit3A_1803, %sign3A_1812 : i32
      %sign3A_1814 = arith.extui %sign3A_1813 : i1 to i32
      %sign3A_1815 = arith.constant 0 : i32
      %sign3A_1816 = arith.cmpi slt, %jit3A_1803, %sign3A_1815 : i32
      %sign3A_1817 = arith.extui %sign3A_1816 : i1 to i32
      %sign3A_1818 = arith.subi %sign3A_1814, %sign3A_1817 : i32
      %ne3A_1819 = arith.cmpi ne, %sign3A_1811, %sign3A_1818 : i32
      %rem3A_1820 = arith.remsi %add3A_1802, %jit3A_1803 : i32
      %ne3A_1821 = arith.constant 0 : i32
      %ne3A_1822 = arith.cmpi ne, %rem3A_1820, %ne3A_1821 : i32
      %and3A_1823 = arith.andi %ne3A_1819, %ne3A_1822 : i1
      %sub3A_1824 = arith.constant 1 : i32
      %sub3A_1825 = arith.subi %div3A_1804, %sub3A_1824 : i32
      %select_n3A_1826 = arith.select %and3A_1823, %sub3A_1825, %div3A_1804 : i32
      %jit3A_1827 = arith.constant 2 : i32
      %eq3A_1828 = arith.constant 0 : i32
      %eq3A_1829 = arith.cmpi eq, %jit3A_1827, %eq3A_1828 : i32
      %jit3A_1830 = arith.constant 1 : i32
      %select_n3A_1831 = arith.select %eq3A_1829, %jit3A_1830, %jit3A_1827 : i32
      %rem3A_1832 = arith.remsi %add3A_1802, %select_n3A_1831 : i32
      %ne3A_1833 = arith.constant 0 : i32
      %ne3A_1834 = arith.cmpi ne, %rem3A_1832, %ne3A_1833 : i32
      %lt3A_1835 = arith.constant 0 : i32
      %lt3A_1836 = arith.cmpi slt, %rem3A_1832, %lt3A_1835 : i32
      %lt3A_1837 = arith.constant 0 : i32
      %lt3A_1838 = arith.cmpi slt, %select_n3A_1831, %lt3A_1837 : i32
      %ne3A_1839 = arith.xori %lt3A_1836, %lt3A_1838 : i1
      %and3A_1840 = arith.andi %ne3A_1839, %ne3A_1834 : i1
      %add3A_1841 = arith.addi %rem3A_1832, %select_n3A_1831 : i32
      %select_n3A_1842 = arith.select %and3A_1840, %add3A_1841, %rem3A_1832 : i32
      %mul3A_1843 = arith.constant 64 : i32
      %mul3A_1844 = arith.muli %select_n3A_1842, %mul3A_1843 : i32
      %dma_start3A_1845 = arith.constant 0 : i32
      %dma_start3A_1846 = arith.constant 0 : i32
      %dma_start3A_1847 = arith.constant 0 : i32
      %dma_start3A_1848 = tpu.memref_slice %arg6[%dma_start3A_1845, %dma_start3A_1846, %dma_start3A_1847] : memref<10x64x128xf32, #tpu.memory_space<vmem>> -> memref<1x64x128xf32, #tpu.memory_space<vmem>>
      %dma_start3A_1849 = tpu.memref_squeeze %dma_start3A_1848 : memref<1x64x128xf32, #tpu.memory_space<vmem>> -> memref<64x128xf32, #tpu.memory_space<vmem>>
      %dma_start3A_1850 = tpu.memref_slice %arg5[%select_n3A_1826, %mul3A_1844] : memref<50x128xi32, #tpu.memory_space<vmem>> -> memref<1x64xi32, #tpu.memory_space<vmem>>
      %dma_start3A_1851 = tpu.memref_squeeze %dma_start3A_1850 : memref<1x64xi32, #tpu.memory_space<vmem>> -> memref<64xi32, #tpu.memory_space<vmem>>
      %dma_start3A_1852 = arith.constant 0 : i32
      %dma_start3A_1853 = arith.constant 0 : i32
      %dma_start3A_1854 = tpu.memref_slice %arg3[%dma_start3A_1852, %dma_start3A_1853] : memref<100000x128xf32, #tpu.memory_space<hbm>> -> memref<100000x128xf32, #tpu.memory_space<hbm>>
      tpu.enqueue_indirect_dma source(%dma_start3A_1854 : memref<100000x128xf32, #tpu.memory_space<hbm>>) target(%dma_start3A_1849 : memref<64x128xf32, #tpu.memory_space<vmem>>) offsets(%dma_start3A_1851 : memref<64xi32, #tpu.memory_space<vmem>>) semaphore(%arg7 : memref<!tpu.dma_semaphore, #tpu.memory_space<semaphore_mem>>)
      %add3A_1855 = arith.constant 1 : i32
      %add3A_1856 = arith.addi %mul3A_608, %add3A_1855 : i32
      %jit3A_1857 = arith.constant 2 : i32
      %div3A_1858 = arith.divsi %add3A_1856, %jit3A_1857 : i32
      %sign3A_1859 = arith.constant 0 : i32
      %sign3A_1860 = arith.cmpi sgt, %add3A_1856, %sign3A_1859 : i32
      %sign3A_1861 = arith.extui %sign3A_1860 : i1 to i32
      %sign3A_1862 = arith.constant 0 : i32
      %sign3A_1863 = arith.cmpi slt, %add3A_1856, %sign3A_1862 : i32
      %sign3A_1864 = arith.extui %sign3A_1863 : i1 to i32
      %sign3A_1865 = arith.subi %sign3A_1861, %sign3A_1864 : i32
      %sign3A_1866 = arith.constant 0 : i32
      %sign3A_1867 = arith.cmpi sgt, %jit3A_1857, %sign3A_1866 : i32
      %sign3A_1868 = arith.extui %sign3A_1867 : i1 to i32
      %sign3A_1869 = arith.constant 0 : i32
      %sign3A_1870 = arith.cmpi slt, %jit3A_1857, %sign3A_1869 : i32
      %sign3A_1871 = arith.extui %sign3A_1870 : i1 to i32
      %sign3A_1872 = arith.subi %sign3A_1868, %sign3A_1871 : i32
      %ne3A_1873 = arith.cmpi ne, %sign3A_1865, %sign3A_1872 : i32
      %rem3A_1874 = arith.remsi %add3A_1856, %jit3A_1857 : i32
      %ne3A_1875 = arith.constant 0 : i32
      %ne3A_1876 = arith.cmpi ne, %rem3A_1874, %ne3A_1875 : i32
      %and3A_1877 = arith.andi %ne3A_1873, %ne3A_1876 : i1
      %sub3A_1878 = arith.constant 1 : i32
      %sub3A_1879 = arith.subi %div3A_1858, %sub3A_1878 : i32
      %select_n3A_1880 = arith.select %and3A_1877, %sub3A_1879, %div3A_1858 : i32
      %jit3A_1881 = arith.constant 2 : i32
      %eq3A_1882 = arith.constant 0 : i32
      %eq3A_1883 = arith.cmpi eq, %jit3A_1881, %eq3A_1882 : i32
      %jit3A_1884 = arith.constant 1 : i32
      %select_n3A_1885 = arith.select %eq3A_1883, %jit3A_1884, %jit3A_1881 : i32
      %rem3A_1886 = arith.remsi %add3A_1856, %select_n3A_1885 : i32
      %ne3A_1887 = arith.constant 0 : i32
      %ne3A_1888 = arith.cmpi ne, %rem3A_1886, %ne3A_1887 : i32
      %lt3A_1889 = arith.constant 0 : i32
      %lt3A_1890 = arith.cmpi slt, %rem3A_1886, %lt3A_1889 : i32
      %lt3A_1891 = arith.constant 0 : i32
      %lt3A_1892 = arith.cmpi slt, %select_n3A_1885, %lt3A_1891 : i32
      %ne3A_1893 = arith.xori %lt3A_1890, %lt3A_1892 : i1
      %and3A_1894 = arith.andi %ne3A_1893, %ne3A_1888 : i1
      %add3A_1895 = arith.addi %rem3A_1886, %select_n3A_1885 : i32
      %select_n3A_1896 = arith.select %and3A_1894, %add3A_1895, %rem3A_1886 : i32
      %mul3A_1897 = arith.constant 64 : i32
      %mul3A_1898 = arith.muli %select_n3A_1896, %mul3A_1897 : i32
      %add3A_1899 = arith.addi %mul3A_2, %mul3A_1898 : i32
      %dma_wait3A_1900 = arith.constant 1 : i32
      %dma_wait3A_1901 = arith.constant 0 : i32
      %dma_wait3A_1902 = arith.constant 0 : i32
      %dma_wait3A_1903 = tpu.memref_slice %arg6[%dma_wait3A_1900, %dma_wait3A_1901, %dma_wait3A_1902] : memref<10x64x128xf32, #tpu.memory_space<vmem>> -> memref<1x64x128xf32, #tpu.memory_space<vmem>>
      %dma_wait3A_1904 = tpu.memref_squeeze %dma_wait3A_1903 : memref<1x64x128xf32, #tpu.memory_space<vmem>> -> memref<64x128xf32, #tpu.memory_space<vmem>>
      %dma_wait3A_1905 = arith.constant 0 : i32
      %dma_wait3A_1906 = tpu.memref_slice %arg4[%select_n3A_1880, %add3A_1899, %dma_wait3A_1905] : memref<50x4096x128xf32, #tpu.memory_space<hbm>> -> memref<1x64x128xf32, #tpu.memory_space<hbm>>
      %dma_wait3A_1907 = tpu.memref_squeeze %dma_wait3A_1906 : memref<1x64x128xf32, #tpu.memory_space<hbm>> -> memref<64x128xf32, #tpu.memory_space<hbm>>
      %dma_wait3A_1908 = arith.constant 0 : i32
      %dma_wait3A_1909 = tpu.memref_slice %arg4[%select_n3A_1880, %add3A_1899, %dma_wait3A_1908] : memref<50x4096x128xf32, #tpu.memory_space<hbm>> -> memref<1x64x128xf32, #tpu.memory_space<hbm>>
      %dma_wait3A_1910 = tpu.memref_squeeze %dma_wait3A_1909 : memref<1x64x128xf32, #tpu.memory_space<hbm>> -> memref<64x128xf32, #tpu.memory_space<hbm>>
      %dma_wait3A_1911 = arith.constant 0 : i32
      %dma_wait3A_1912 = arith.constant 0 : i32
      %dma_wait3A_1913 = tpu.memref_slice %arg6[%dma_wait3A_1900, %dma_wait3A_1911, %dma_wait3A_1912] : memref<10x64x128xf32, #tpu.memory_space<vmem>> -> memref<1x64x128xf32, #tpu.memory_space<vmem>>
      %dma_wait3A_1914 = tpu.memref_squeeze %dma_wait3A_1913 : memref<1x64x128xf32, #tpu.memory_space<vmem>> -> memref<64x128xf32, #tpu.memory_space<vmem>>
      tpu.wait_dma2 semaphore(%arg18 : memref<!tpu.dma_semaphore, #tpu.memory_space<semaphore_mem>>) src(%dma_wait3A_1914 : memref<64x128xf32, #tpu.memory_space<vmem>>) dst(%dma_wait3A_1910 : memref<64x128xf32, #tpu.memory_space<hbm>>)
      %add3A_1915 = arith.constant 1 : i32
      %add3A_1916 = arith.addi %mul3A_608, %add3A_1915 : i32
      %add3A_1917 = arith.constant 10 : i32
      %add3A_1918 = arith.addi %add3A_1916, %add3A_1917 : i32
      %jit3A_1919 = arith.constant 2 : i32
      %div3A_1920 = arith.divsi %add3A_1918, %jit3A_1919 : i32
      %sign3A_1921 = arith.constant 0 : i32
      %sign3A_1922 = arith.cmpi sgt, %add3A_1918, %sign3A_1921 : i32
      %sign3A_1923 = arith.extui %sign3A_1922 : i1 to i32
      %sign3A_1924 = arith.constant 0 : i32
      %sign3A_1925 = arith.cmpi slt, %add3A_1918, %sign3A_1924 : i32
      %sign3A_1926 = arith.extui %sign3A_1925 : i1 to i32
      %sign3A_1927 = arith.subi %sign3A_1923, %sign3A_1926 : i32
      %sign3A_1928 = arith.constant 0 : i32
      %sign3A_1929 = arith.cmpi sgt, %jit3A_1919, %sign3A_1928 : i32
      %sign3A_1930 = arith.extui %sign3A_1929 : i1 to i32
      %sign3A_1931 = arith.constant 0 : i32
      %sign3A_1932 = arith.cmpi slt, %jit3A_1919, %sign3A_1931 : i32
      %sign3A_1933 = arith.extui %sign3A_1932 : i1 to i32
      %sign3A_1934 = arith.subi %sign3A_1930, %sign3A_1933 : i32
      %ne3A_1935 = arith.cmpi ne, %sign3A_1927, %sign3A_1934 : i32
      %rem3A_1936 = arith.remsi %add3A_1918, %jit3A_1919 : i32
      %ne3A_1937 = arith.constant 0 : i32
      %ne3A_1938 = arith.cmpi ne, %rem3A_1936, %ne3A_1937 : i32
      %and3A_1939 = arith.andi %ne3A_1935, %ne3A_1938 : i1
      %sub3A_1940 = arith.constant 1 : i32
      %sub3A_1941 = arith.subi %div3A_1920, %sub3A_1940 : i32
      %select_n3A_1942 = arith.select %and3A_1939, %sub3A_1941, %div3A_1920 : i32
      %jit3A_1943 = arith.constant 2 : i32
      %eq3A_1944 = arith.constant 0 : i32
      %eq3A_1945 = arith.cmpi eq, %jit3A_1943, %eq3A_1944 : i32
      %jit3A_1946 = arith.constant 1 : i32
      %select_n3A_1947 = arith.select %eq3A_1945, %jit3A_1946, %jit3A_1943 : i32
      %rem3A_1948 = arith.remsi %add3A_1918, %select_n3A_1947 : i32
      %ne3A_1949 = arith.constant 0 : i32
      %ne3A_1950 = arith.cmpi ne, %rem3A_1948, %ne3A_1949 : i32
      %lt3A_1951 = arith.constant 0 : i32
      %lt3A_1952 = arith.cmpi slt, %rem3A_1948, %lt3A_1951 : i32
      %lt3A_1953 = arith.constant 0 : i32
      %lt3A_1954 = arith.cmpi slt, %select_n3A_1947, %lt3A_1953 : i32
      %ne3A_1955 = arith.xori %lt3A_1952, %lt3A_1954 : i1
      %and3A_1956 = arith.andi %ne3A_1955, %ne3A_1950 : i1
      %add3A_1957 = arith.addi %rem3A_1948, %select_n3A_1947 : i32
      %select_n3A_1958 = arith.select %and3A_1956, %add3A_1957, %rem3A_1948 : i32
      %mul3A_1959 = arith.constant 64 : i32
      %mul3A_1960 = arith.muli %select_n3A_1958, %mul3A_1959 : i32
      %dma_start3A_1961 = arith.constant 1 : i32
      %dma_start3A_1962 = arith.constant 0 : i32
      %dma_start3A_1963 = arith.constant 0 : i32
      %dma_start3A_1964 = tpu.memref_slice %arg6[%dma_start3A_1961, %dma_start3A_1962, %dma_start3A_1963] : memref<10x64x128xf32, #tpu.memory_space<vmem>> -> memref<1x64x128xf32, #tpu.memory_space<vmem>>
      %dma_start3A_1965 = tpu.memref_squeeze %dma_start3A_1964 : memref<1x64x128xf32, #tpu.memory_space<vmem>> -> memref<64x128xf32, #tpu.memory_space<vmem>>
      %dma_start3A_1966 = tpu.memref_slice %arg5[%select_n3A_1942, %mul3A_1960] : memref<50x128xi32, #tpu.memory_space<vmem>> -> memref<1x64xi32, #tpu.memory_space<vmem>>
      %dma_start3A_1967 = tpu.memref_squeeze %dma_start3A_1966 : memref<1x64xi32, #tpu.memory_space<vmem>> -> memref<64xi32, #tpu.memory_space<vmem>>
      %dma_start3A_1968 = arith.constant 0 : i32
      %dma_start3A_1969 = arith.constant 0 : i32
      %dma_start3A_1970 = tpu.memref_slice %arg3[%dma_start3A_1968, %dma_start3A_1969] : memref<100000x128xf32, #tpu.memory_space<hbm>> -> memref<100000x128xf32, #tpu.memory_space<hbm>>
      tpu.enqueue_indirect_dma source(%dma_start3A_1970 : memref<100000x128xf32, #tpu.memory_space<hbm>>) target(%dma_start3A_1965 : memref<64x128xf32, #tpu.memory_space<vmem>>) offsets(%dma_start3A_1967 : memref<64xi32, #tpu.memory_space<vmem>>) semaphore(%arg8 : memref<!tpu.dma_semaphore, #tpu.memory_space<semaphore_mem>>)
      %add3A_1971 = arith.constant 2 : i32
      %add3A_1972 = arith.addi %mul3A_608, %add3A_1971 : i32
      %jit3A_1973 = arith.constant 2 : i32
      %div3A_1974 = arith.divsi %add3A_1972, %jit3A_1973 : i32
      %sign3A_1975 = arith.constant 0 : i32
      %sign3A_1976 = arith.cmpi sgt, %add3A_1972, %sign3A_1975 : i32
      %sign3A_1977 = arith.extui %sign3A_1976 : i1 to i32
      %sign3A_1978 = arith.constant 0 : i32
      %sign3A_1979 = arith.cmpi slt, %add3A_1972, %sign3A_1978 : i32
      %sign3A_1980 = arith.extui %sign3A_1979 : i1 to i32
      %sign3A_1981 = arith.subi %sign3A_1977, %sign3A_1980 : i32
      %sign3A_1982 = arith.constant 0 : i32
      %sign3A_1983 = arith.cmpi sgt, %jit3A_1973, %sign3A_1982 : i32
      %sign3A_1984 = arith.extui %sign3A_1983 : i1 to i32
      %sign3A_1985 = arith.constant 0 : i32
      %sign3A_1986 = arith.cmpi slt, %jit3A_1973, %sign3A_1985 : i32
      %sign3A_1987 = arith.extui %sign3A_1986 : i1 to i32
      %sign3A_1988 = arith.subi %sign3A_1984, %sign3A_1987 : i32
      %ne3A_1989 = arith.cmpi ne, %sign3A_1981, %sign3A_1988 : i32
      %rem3A_1990 = arith.remsi %add3A_1972, %jit3A_1973 : i32
      %ne3A_1991 = arith.constant 0 : i32
      %ne3A_1992 = arith.cmpi ne, %rem3A_1990, %ne3A_1991 : i32
      %and3A_1993 = arith.andi %ne3A_1989, %ne3A_1992 : i1
      %sub3A_1994 = arith.constant 1 : i32
      %sub3A_1995 = arith.subi %div3A_1974, %sub3A_1994 : i32
      %select_n3A_1996 = arith.select %and3A_1993, %sub3A_1995, %div3A_1974 : i32
      %jit3A_1997 = arith.constant 2 : i32
      %eq3A_1998 = arith.constant 0 : i32
      %eq3A_1999 = arith.cmpi eq, %jit3A_1997, %eq3A_1998 : i32
      %jit3A_2000 = arith.constant 1 : i32
      %select_n3A_2001 = arith.select %eq3A_1999, %jit3A_2000, %jit3A_1997 : i32
      %rem3A_2002 = arith.remsi %add3A_1972, %select_n3A_2001 : i32
      %ne3A_2003 = arith.constant 0 : i32
      %ne3A_2004 = arith.cmpi ne, %rem3A_2002, %ne3A_2003 : i32
      %lt3A_2005 = arith.constant 0 : i32
      %lt3A_2006 = arith.cmpi slt, %rem3A_2002, %lt3A_2005 : i32
      %lt3A_2007 = arith.constant 0 : i32
      %lt3A_2008 = arith.cmpi slt, %select_n3A_2001, %lt3A_2007 : i32
      %ne3A_2009 = arith.xori %lt3A_2006, %lt3A_2008 : i1
      %and3A_2010 = arith.andi %ne3A_2009, %ne3A_2004 : i1
      %add3A_2011 = arith.addi %rem3A_2002, %select_n3A_2001 : i32
      %select_n3A_2012 = arith.select %and3A_2010, %add3A_2011, %rem3A_2002 : i32
      %mul3A_2013 = arith.constant 64 : i32
      %mul3A_2014 = arith.muli %select_n3A_2012, %mul3A_2013 : i32
      %add3A_2015 = arith.addi %mul3A_2, %mul3A_2014 : i32
      %dma_wait3A_2016 = arith.constant 2 : i32
      %dma_wait3A_2017 = arith.constant 0 : i32
      %dma_wait3A_2018 = arith.constant 0 : i32
      %dma_wait3A_2019 = tpu.memref_slice %arg6[%dma_wait3A_2016, %dma_wait3A_2017, %dma_wait3A_2018] : memref<10x64x128xf32, #tpu.memory_space<vmem>> -> memref<1x64x128xf32, #tpu.memory_space<vmem>>
      %dma_wait3A_2020 = tpu.memref_squeeze %dma_wait3A_2019 : memref<1x64x128xf32, #tpu.memory_space<vmem>> -> memref<64x128xf32, #tpu.memory_space<vmem>>
      %dma_wait3A_2021 = arith.constant 0 : i32
      %dma_wait3A_2022 = tpu.memref_slice %arg4[%select_n3A_1996, %add3A_2015, %dma_wait3A_2021] : memref<50x4096x128xf32, #tpu.memory_space<hbm>> -> memref<1x64x128xf32, #tpu.memory_space<hbm>>
      %dma_wait3A_2023 = tpu.memref_squeeze %dma_wait3A_2022 : memref<1x64x128xf32, #tpu.memory_space<hbm>> -> memref<64x128xf32, #tpu.memory_space<hbm>>
      %dma_wait3A_2024 = arith.constant 0 : i32
      %dma_wait3A_2025 = tpu.memref_slice %arg4[%select_n3A_1996, %add3A_2015, %dma_wait3A_2024] : memref<50x4096x128xf32, #tpu.memory_space<hbm>> -> memref<1x64x128xf32, #tpu.memory_space<hbm>>
      %dma_wait3A_2026 = tpu.memref_squeeze %dma_wait3A_2025 : memref<1x64x128xf32, #tpu.memory_space<hbm>> -> memref<64x128xf32, #tpu.memory_space<hbm>>
      %dma_wait3A_2027 = arith.constant 0 : i32
      %dma_wait3A_2028 = arith.constant 0 : i32
      %dma_wait3A_2029 = tpu.memref_slice %arg6[%dma_wait3A_2016, %dma_wait3A_2027, %dma_wait3A_2028] : memref<10x64x128xf32, #tpu.memory_space<vmem>> -> memref<1x64x128xf32, #tpu.memory_space<vmem>>
      %dma_wait3A_2030 = tpu.memref_squeeze %dma_wait3A_2029 : memref<1x64x128xf32, #tpu.memory_space<vmem>> -> memref<64x128xf32, #tpu.memory_space<vmem>>
      tpu.wait_dma2 semaphore(%arg19 : memref<!tpu.dma_semaphore, #tpu.memory_space<semaphore_mem>>) src(%dma_wait3A_2030 : memref<64x128xf32, #tpu.memory_space<vmem>>) dst(%dma_wait3A_2026 : memref<64x128xf32, #tpu.memory_space<hbm>>)
      %add3A_2031 = arith.constant 2 : i32
      %add3A_2032 = arith.addi %mul3A_608, %add3A_2031 : i32
      %add3A_2033 = arith.constant 10 : i32
      %add3A_2034 = arith.addi %add3A_2032, %add3A_2033 : i32
      %jit3A_2035 = arith.constant 2 : i32
      %div3A_2036 = arith.divsi %add3A_2034, %jit3A_2035 : i32
      %sign3A_2037 = arith.constant 0 : i32
      %sign3A_2038 = arith.cmpi sgt, %add3A_2034, %sign3A_2037 : i32
      %sign3A_2039 = arith.extui %sign3A_2038 : i1 to i32
      %sign3A_2040 = arith.constant 0 : i32
      %sign3A_2041 = arith.cmpi slt, %add3A_2034, %sign3A_2040 : i32
      %sign3A_2042 = arith.extui %sign3A_2041 : i1 to i32
      %sign3A_2043 = arith.subi %sign3A_2039, %sign3A_2042 : i32
      %sign3A_2044 = arith.constant 0 : i32
      %sign3A_2045 = arith.cmpi sgt, %jit3A_2035, %sign3A_2044 : i32
      %sign3A_2046 = arith.extui %sign3A_2045 : i1 to i32
      %sign3A_2047 = arith.constant 0 : i32
      %sign3A_2048 = arith.cmpi slt, %jit3A_2035, %sign3A_2047 : i32
      %sign3A_2049 = arith.extui %sign3A_2048 : i1 to i32
      %sign3A_2050 = arith.subi %sign3A_2046, %sign3A_2049 : i32
      %ne3A_2051 = arith.cmpi ne, %sign3A_2043, %sign3A_2050 : i32
      %rem3A_2052 = arith.remsi %add3A_2034, %jit3A_2035 : i32
      %ne3A_2053 = arith.constant 0 : i32
      %ne3A_2054 = arith.cmpi ne, %rem3A_2052, %ne3A_2053 : i32
      %and3A_2055 = arith.andi %ne3A_2051, %ne3A_2054 : i1
      %sub3A_2056 = arith.constant 1 : i32
      %sub3A_2057 = arith.subi %div3A_2036, %sub3A_2056 : i32
      %select_n3A_2058 = arith.select %and3A_2055, %sub3A_2057, %div3A_2036 : i32
      %jit3A_2059 = arith.constant 2 : i32
      %eq3A_2060 = arith.constant 0 : i32
      %eq3A_2061 = arith.cmpi eq, %jit3A_2059, %eq3A_2060 : i32
      %jit3A_2062 = arith.constant 1 : i32
      %select_n3A_2063 = arith.select %eq3A_2061, %jit3A_2062, %jit3A_2059 : i32
      %rem3A_2064 = arith.remsi %add3A_2034, %select_n3A_2063 : i32
      %ne3A_2065 = arith.constant 0 : i32
      %ne3A_2066 = arith.cmpi ne, %rem3A_2064, %ne3A_2065 : i32
      %lt3A_2067 = arith.constant 0 : i32
      %lt3A_2068 = arith.cmpi slt, %rem3A_2064, %lt3A_2067 : i32
      %lt3A_2069 = arith.constant 0 : i32
      %lt3A_2070 = arith.cmpi slt, %select_n3A_2063, %lt3A_2069 : i32
      %ne3A_2071 = arith.xori %lt3A_2068, %lt3A_2070 : i1
      %and3A_2072 = arith.andi %ne3A_2071, %ne3A_2066 : i1
      %add3A_2073 = arith.addi %rem3A_2064, %select_n3A_2063 : i32
      %select_n3A_2074 = arith.select %and3A_2072, %add3A_2073, %rem3A_2064 : i32
      %mul3A_2075 = arith.constant 64 : i32
      %mul3A_2076 = arith.muli %select_n3A_2074, %mul3A_2075 : i32
      %dma_start3A_2077 = arith.constant 2 : i32
      %dma_start3A_2078 = arith.constant 0 : i32
      %dma_start3A_2079 = arith.constant 0 : i32
      %dma_start3A_2080 = tpu.memref_slice %arg6[%dma_start3A_2077, %dma_start3A_2078, %dma_start3A_2079] : memref<10x64x128xf32, #tpu.memory_space<vmem>> -> memref<1x64x128xf32, #tpu.memory_space<vmem>>
      %dma_start3A_2081 = tpu.memref_squeeze %dma_start3A_2080 : memref<1x64x128xf32, #tpu.memory_space<vmem>> -> memref<64x128xf32, #tpu.memory_space<vmem>>
      %dma_start3A_2082 = tpu.memref_slice %arg5[%select_n3A_2058, %mul3A_2076] : memref<50x128xi32, #tpu.memory_space<vmem>> -> memref<1x64xi32, #tpu.memory_space<vmem>>
      %dma_start3A_2083 = tpu.memref_squeeze %dma_start3A_2082 : memref<1x64xi32, #tpu.memory_space<vmem>> -> memref<64xi32, #tpu.memory_space<vmem>>
      %dma_start3A_2084 = arith.constant 0 : i32
      %dma_start3A_2085 = arith.constant 0 : i32
      %dma_start3A_2086 = tpu.memref_slice %arg3[%dma_start3A_2084, %dma_start3A_2085] : memref<100000x128xf32, #tpu.memory_space<hbm>> -> memref<100000x128xf32, #tpu.memory_space<hbm>>
      tpu.enqueue_indirect_dma source(%dma_start3A_2086 : memref<100000x128xf32, #tpu.memory_space<hbm>>) target(%dma_start3A_2081 : memref<64x128xf32, #tpu.memory_space<vmem>>) offsets(%dma_start3A_2083 : memref<64xi32, #tpu.memory_space<vmem>>) semaphore(%arg9 : memref<!tpu.dma_semaphore, #tpu.memory_space<semaphore_mem>>)
      %add3A_2087 = arith.constant 3 : i32
      %add3A_2088 = arith.addi %mul3A_608, %add3A_2087 : i32
      %jit3A_2089 = arith.constant 2 : i32
      %div3A_2090 = arith.divsi %add3A_2088, %jit3A_2089 : i32
      %sign3A_2091 = arith.constant 0 : i32
      %sign3A_2092 = arith.cmpi sgt, %add3A_2088, %sign3A_2091 : i32
      %sign3A_2093 = arith.extui %sign3A_2092 : i1 to i32
      %sign3A_2094 = arith.constant 0 : i32
      %sign3A_2095 = arith.cmpi slt, %add3A_2088, %sign3A_2094 : i32
      %sign3A_2096 = arith.extui %sign3A_2095 : i1 to i32
      %sign3A_2097 = arith.subi %sign3A_2093, %sign3A_2096 : i32
      %sign3A_2098 = arith.constant 0 : i32
      %sign3A_2099 = arith.cmpi sgt, %jit3A_2089, %sign3A_2098 : i32
      %sign3A_2100 = arith.extui %sign3A_2099 : i1 to i32
      %sign3A_2101 = arith.constant 0 : i32
      %sign3A_2102 = arith.cmpi slt, %jit3A_2089, %sign3A_2101 : i32
      %sign3A_2103 = arith.extui %sign3A_2102 : i1 to i32
      %sign3A_2104 = arith.subi %sign3A_2100, %sign3A_2103 : i32
      %ne3A_2105 = arith.cmpi ne, %sign3A_2097, %sign3A_2104 : i32
      %rem3A_2106 = arith.remsi %add3A_2088, %jit3A_2089 : i32
      %ne3A_2107 = arith.constant 0 : i32
      %ne3A_2108 = arith.cmpi ne, %rem3A_2106, %ne3A_2107 : i32
      %and3A_2109 = arith.andi %ne3A_2105, %ne3A_2108 : i1
      %sub3A_2110 = arith.constant 1 : i32
      %sub3A_2111 = arith.subi %div3A_2090, %sub3A_2110 : i32
      %select_n3A_2112 = arith.select %and3A_2109, %sub3A_2111, %div3A_2090 : i32
      %jit3A_2113 = arith.constant 2 : i32
      %eq3A_2114 = arith.constant 0 : i32
      %eq3A_2115 = arith.cmpi eq, %jit3A_2113, %eq3A_2114 : i32
      %jit3A_2116 = arith.constant 1 : i32
      %select_n3A_2117 = arith.select %eq3A_2115, %jit3A_2116, %jit3A_2113 : i32
      %rem3A_2118 = arith.remsi %add3A_2088, %select_n3A_2117 : i32
      %ne3A_2119 = arith.constant 0 : i32
      %ne3A_2120 = arith.cmpi ne, %rem3A_2118, %ne3A_2119 : i32
      %lt3A_2121 = arith.constant 0 : i32
      %lt3A_2122 = arith.cmpi slt, %rem3A_2118, %lt3A_2121 : i32
      %lt3A_2123 = arith.constant 0 : i32
      %lt3A_2124 = arith.cmpi slt, %select_n3A_2117, %lt3A_2123 : i32
      %ne3A_2125 = arith.xori %lt3A_2122, %lt3A_2124 : i1
      %and3A_2126 = arith.andi %ne3A_2125, %ne3A_2120 : i1
      %add3A_2127 = arith.addi %rem3A_2118, %select_n3A_2117 : i32
      %select_n3A_2128 = arith.select %and3A_2126, %add3A_2127, %rem3A_2118 : i32
      %mul3A_2129 = arith.constant 64 : i32
      %mul3A_2130 = arith.muli %select_n3A_2128, %mul3A_2129 : i32
      %add3A_2131 = arith.addi %mul3A_2, %mul3A_2130 : i32
      %dma_wait3A_2132 = arith.constant 3 : i32
      %dma_wait3A_2133 = arith.constant 0 : i32
      %dma_wait3A_2134 = arith.constant 0 : i32
      %dma_wait3A_2135 = tpu.memref_slice %arg6[%dma_wait3A_2132, %dma_wait3A_2133, %dma_wait3A_2134] : memref<10x64x128xf32, #tpu.memory_space<vmem>> -> memref<1x64x128xf32, #tpu.memory_space<vmem>>
      %dma_wait3A_2136 = tpu.memref_squeeze %dma_wait3A_2135 : memref<1x64x128xf32, #tpu.memory_space<vmem>> -> memref<64x128xf32, #tpu.memory_space<vmem>>
      %dma_wait3A_2137 = arith.constant 0 : i32
      %dma_wait3A_2138 = tpu.memref_slice %arg4[%select_n3A_2112, %add3A_2131, %dma_wait3A_2137] : memref<50x4096x128xf32, #tpu.memory_space<hbm>> -> memref<1x64x128xf32, #tpu.memory_space<hbm>>
      %dma_wait3A_2139 = tpu.memref_squeeze %dma_wait3A_2138 : memref<1x64x128xf32, #tpu.memory_space<hbm>> -> memref<64x128xf32, #tpu.memory_space<hbm>>
      %dma_wait3A_2140 = arith.constant 0 : i32
      %dma_wait3A_2141 = tpu.memref_slice %arg4[%select_n3A_2112, %add3A_2131, %dma_wait3A_2140] : memref<50x4096x128xf32, #tpu.memory_space<hbm>> -> memref<1x64x128xf32, #tpu.memory_space<hbm>>
      %dma_wait3A_2142 = tpu.memref_squeeze %dma_wait3A_2141 : memref<1x64x128xf32, #tpu.memory_space<hbm>> -> memref<64x128xf32, #tpu.memory_space<hbm>>
      %dma_wait3A_2143 = arith.constant 0 : i32
      %dma_wait3A_2144 = arith.constant 0 : i32
      %dma_wait3A_2145 = tpu.memref_slice %arg6[%dma_wait3A_2132, %dma_wait3A_2143, %dma_wait3A_2144] : memref<10x64x128xf32, #tpu.memory_space<vmem>> -> memref<1x64x128xf32, #tpu.memory_space<vmem>>
      %dma_wait3A_2146 = tpu.memref_squeeze %dma_wait3A_2145 : memref<1x64x128xf32, #tpu.memory_space<vmem>> -> memref<64x128xf32, #tpu.memory_space<vmem>>
      tpu.wait_dma2 semaphore(%arg20 : memref<!tpu.dma_semaphore, #tpu.memory_space<semaphore_mem>>) src(%dma_wait3A_2146 : memref<64x128xf32, #tpu.memory_space<vmem>>) dst(%dma_wait3A_2142 : memref<64x128xf32, #tpu.memory_space<hbm>>)
      %add3A_2147 = arith.constant 3 : i32
      %add3A_2148 = arith.addi %mul3A_608, %add3A_2147 : i32
      %add3A_2149 = arith.constant 10 : i32
      %add3A_2150 = arith.addi %add3A_2148, %add3A_2149 : i32
      %jit3A_2151 = arith.constant 2 : i32
      %div3A_2152 = arith.divsi %add3A_2150, %jit3A_2151 : i32
      %sign3A_2153 = arith.constant 0 : i32
      %sign3A_2154 = arith.cmpi sgt, %add3A_2150, %sign3A_2153 : i32
      %sign3A_2155 = arith.extui %sign3A_2154 : i1 to i32
      %sign3A_2156 = arith.constant 0 : i32
      %sign3A_2157 = arith.cmpi slt, %add3A_2150, %sign3A_2156 : i32
      %sign3A_2158 = arith.extui %sign3A_2157 : i1 to i32
      %sign3A_2159 = arith.subi %sign3A_2155, %sign3A_2158 : i32
      %sign3A_2160 = arith.constant 0 : i32
      %sign3A_2161 = arith.cmpi sgt, %jit3A_2151, %sign3A_2160 : i32
      %sign3A_2162 = arith.extui %sign3A_2161 : i1 to i32
      %sign3A_2163 = arith.constant 0 : i32
      %sign3A_2164 = arith.cmpi slt, %jit3A_2151, %sign3A_2163 : i32
      %sign3A_2165 = arith.extui %sign3A_2164 : i1 to i32
      %sign3A_2166 = arith.subi %sign3A_2162, %sign3A_2165 : i32
      %ne3A_2167 = arith.cmpi ne, %sign3A_2159, %sign3A_2166 : i32
      %rem3A_2168 = arith.remsi %add3A_2150, %jit3A_2151 : i32
      %ne3A_2169 = arith.constant 0 : i32
      %ne3A_2170 = arith.cmpi ne, %rem3A_2168, %ne3A_2169 : i32
      %and3A_2171 = arith.andi %ne3A_2167, %ne3A_2170 : i1
      %sub3A_2172 = arith.constant 1 : i32
      %sub3A_2173 = arith.subi %div3A_2152, %sub3A_2172 : i32
      %select_n3A_2174 = arith.select %and3A_2171, %sub3A_2173, %div3A_2152 : i32
      %jit3A_2175 = arith.constant 2 : i32
      %eq3A_2176 = arith.constant 0 : i32
      %eq3A_2177 = arith.cmpi eq, %jit3A_2175, %eq3A_2176 : i32
      %jit3A_2178 = arith.constant 1 : i32
      %select_n3A_2179 = arith.select %eq3A_2177, %jit3A_2178, %jit3A_2175 : i32
      %rem3A_2180 = arith.remsi %add3A_2150, %select_n3A_2179 : i32
      %ne3A_2181 = arith.constant 0 : i32
      %ne3A_2182 = arith.cmpi ne, %rem3A_2180, %ne3A_2181 : i32
      %lt3A_2183 = arith.constant 0 : i32
      %lt3A_2184 = arith.cmpi slt, %rem3A_2180, %lt3A_2183 : i32
      %lt3A_2185 = arith.constant 0 : i32
      %lt3A_2186 = arith.cmpi slt, %select_n3A_2179, %lt3A_2185 : i32
      %ne3A_2187 = arith.xori %lt3A_2184, %lt3A_2186 : i1
      %and3A_2188 = arith.andi %ne3A_2187, %ne3A_2182 : i1
      %add3A_2189 = arith.addi %rem3A_2180, %select_n3A_2179 : i32
      %select_n3A_2190 = arith.select %and3A_2188, %add3A_2189, %rem3A_2180 : i32
      %mul3A_2191 = arith.constant 64 : i32
      %mul3A_2192 = arith.muli %select_n3A_2190, %mul3A_2191 : i32
      %dma_start3A_2193 = arith.constant 3 : i32
      %dma_start3A_2194 = arith.constant 0 : i32
      %dma_start3A_2195 = arith.constant 0 : i32
      %dma_start3A_2196 = tpu.memref_slice %arg6[%dma_start3A_2193, %dma_start3A_2194, %dma_start3A_2195] : memref<10x64x128xf32, #tpu.memory_space<vmem>> -> memref<1x64x128xf32, #tpu.memory_space<vmem>>
      %dma_start3A_2197 = tpu.memref_squeeze %dma_start3A_2196 : memref<1x64x128xf32, #tpu.memory_space<vmem>> -> memref<64x128xf32, #tpu.memory_space<vmem>>
      %dma_start3A_2198 = tpu.memref_slice %arg5[%select_n3A_2174, %mul3A_2192] : memref<50x128xi32, #tpu.memory_space<vmem>> -> memref<1x64xi32, #tpu.memory_space<vmem>>
      %dma_start3A_2199 = tpu.memref_squeeze %dma_start3A_2198 : memref<1x64xi32, #tpu.memory_space<vmem>> -> memref<64xi32, #tpu.memory_space<vmem>>
      %dma_start3A_2200 = arith.constant 0 : i32
      %dma_start3A_2201 = arith.constant 0 : i32
      %dma_start3A_2202 = tpu.memref_slice %arg3[%dma_start3A_2200, %dma_start3A_2201] : memref<100000x128xf32, #tpu.memory_space<hbm>> -> memref<100000x128xf32, #tpu.memory_space<hbm>>
      tpu.enqueue_indirect_dma source(%dma_start3A_2202 : memref<100000x128xf32, #tpu.memory_space<hbm>>) target(%dma_start3A_2197 : memref<64x128xf32, #tpu.memory_space<vmem>>) offsets(%dma_start3A_2199 : memref<64xi32, #tpu.memory_space<vmem>>) semaphore(%arg10 : memref<!tpu.dma_semaphore, #tpu.memory_space<semaphore_mem>>)
      %add3A_2203 = arith.constant 4 : i32
      %add3A_2204 = arith.addi %mul3A_608, %add3A_2203 : i32
      %jit3A_2205 = arith.constant 2 : i32
      %div3A_2206 = arith.divsi %add3A_2204, %jit3A_2205 : i32
      %sign3A_2207 = arith.constant 0 : i32
      %sign3A_2208 = arith.cmpi sgt, %add3A_2204, %sign3A_2207 : i32
      %sign3A_2209 = arith.extui %sign3A_2208 : i1 to i32
      %sign3A_2210 = arith.constant 0 : i32
      %sign3A_2211 = arith.cmpi slt, %add3A_2204, %sign3A_2210 : i32
      %sign3A_2212 = arith.extui %sign3A_2211 : i1 to i32
      %sign3A_2213 = arith.subi %sign3A_2209, %sign3A_2212 : i32
      %sign3A_2214 = arith.constant 0 : i32
      %sign3A_2215 = arith.cmpi sgt, %jit3A_2205, %sign3A_2214 : i32
      %sign3A_2216 = arith.extui %sign3A_2215 : i1 to i32
      %sign3A_2217 = arith.constant 0 : i32
      %sign3A_2218 = arith.cmpi slt, %jit3A_2205, %sign3A_2217 : i32
      %sign3A_2219 = arith.extui %sign3A_2218 : i1 to i32
      %sign3A_2220 = arith.subi %sign3A_2216, %sign3A_2219 : i32
      %ne3A_2221 = arith.cmpi ne, %sign3A_2213, %sign3A_2220 : i32
      %rem3A_2222 = arith.remsi %add3A_2204, %jit3A_2205 : i32
      %ne3A_2223 = arith.constant 0 : i32
      %ne3A_2224 = arith.cmpi ne, %rem3A_2222, %ne3A_2223 : i32
      %and3A_2225 = arith.andi %ne3A_2221, %ne3A_2224 : i1
      %sub3A_2226 = arith.constant 1 : i32
      %sub3A_2227 = arith.subi %div3A_2206, %sub3A_2226 : i32
      %select_n3A_2228 = arith.select %and3A_2225, %sub3A_2227, %div3A_2206 : i32
      %jit3A_2229 = arith.constant 2 : i32
      %eq3A_2230 = arith.constant 0 : i32
      %eq3A_2231 = arith.cmpi eq, %jit3A_2229, %eq3A_2230 : i32
      %jit3A_2232 = arith.constant 1 : i32
      %select_n3A_2233 = arith.select %eq3A_2231, %jit3A_2232, %jit3A_2229 : i32
      %rem3A_2234 = arith.remsi %add3A_2204, %select_n3A_2233 : i32
      %ne3A_2235 = arith.constant 0 : i32
      %ne3A_2236 = arith.cmpi ne, %rem3A_2234, %ne3A_2235 : i32
      %lt3A_2237 = arith.constant 0 : i32
      %lt3A_2238 = arith.cmpi slt, %rem3A_2234, %lt3A_2237 : i32
      %lt3A_2239 = arith.constant 0 : i32
      %lt3A_2240 = arith.cmpi slt, %select_n3A_2233, %lt3A_2239 : i32
      %ne3A_2241 = arith.xori %lt3A_2238, %lt3A_2240 : i1
      %and3A_2242 = arith.andi %ne3A_2241, %ne3A_2236 : i1
      %add3A_2243 = arith.addi %rem3A_2234, %select_n3A_2233 : i32
      %select_n3A_2244 = arith.select %and3A_2242, %add3A_2243, %rem3A_2234 : i32
      %mul3A_2245 = arith.constant 64 : i32
      %mul3A_2246 = arith.muli %select_n3A_2244, %mul3A_2245 : i32
      %add3A_2247 = arith.addi %mul3A_2, %mul3A_2246 : i32
      %dma_wait3A_2248 = arith.constant 4 : i32
      %dma_wait3A_2249 = arith.constant 0 : i32
      %dma_wait3A_2250 = arith.constant 0 : i32
      %dma_wait3A_2251 = tpu.memref_slice %arg6[%dma_wait3A_2248, %dma_wait3A_2249, %dma_wait3A_2250] : memref<10x64x128xf32, #tpu.memory_space<vmem>> -> memref<1x64x128xf32, #tpu.memory_space<vmem>>
      %dma_wait3A_2252 = tpu.memref_squeeze %dma_wait3A_2251 : memref<1x64x128xf32, #tpu.memory_space<vmem>> -> memref<64x128xf32, #tpu.memory_space<vmem>>
      %dma_wait3A_2253 = arith.constant 0 : i32
      %dma_wait3A_2254 = tpu.memref_slice %arg4[%select_n3A_2228, %add3A_2247, %dma_wait3A_2253] : memref<50x4096x128xf32, #tpu.memory_space<hbm>> -> memref<1x64x128xf32, #tpu.memory_space<hbm>>
      %dma_wait3A_2255 = tpu.memref_squeeze %dma_wait3A_2254 : memref<1x64x128xf32, #tpu.memory_space<hbm>> -> memref<64x128xf32, #tpu.memory_space<hbm>>
      %dma_wait3A_2256 = arith.constant 0 : i32
      %dma_wait3A_2257 = tpu.memref_slice %arg4[%select_n3A_2228, %add3A_2247, %dma_wait3A_2256] : memref<50x4096x128xf32, #tpu.memory_space<hbm>> -> memref<1x64x128xf32, #tpu.memory_space<hbm>>
      %dma_wait3A_2258 = tpu.memref_squeeze %dma_wait3A_2257 : memref<1x64x128xf32, #tpu.memory_space<hbm>> -> memref<64x128xf32, #tpu.memory_space<hbm>>
      %dma_wait3A_2259 = arith.constant 0 : i32
      %dma_wait3A_2260 = arith.constant 0 : i32
      %dma_wait3A_2261 = tpu.memref_slice %arg6[%dma_wait3A_2248, %dma_wait3A_2259, %dma_wait3A_2260] : memref<10x64x128xf32, #tpu.memory_space<vmem>> -> memref<1x64x128xf32, #tpu.memory_space<vmem>>
      %dma_wait3A_2262 = tpu.memref_squeeze %dma_wait3A_2261 : memref<1x64x128xf32, #tpu.memory_space<vmem>> -> memref<64x128xf32, #tpu.memory_space<vmem>>
      tpu.wait_dma2 semaphore(%arg21 : memref<!tpu.dma_semaphore, #tpu.memory_space<semaphore_mem>>) src(%dma_wait3A_2262 : memref<64x128xf32, #tpu.memory_space<vmem>>) dst(%dma_wait3A_2258 : memref<64x128xf32, #tpu.memory_space<hbm>>)
      %add3A_2263 = arith.constant 4 : i32
      %add3A_2264 = arith.addi %mul3A_608, %add3A_2263 : i32
      %add3A_2265 = arith.constant 10 : i32
      %add3A_2266 = arith.addi %add3A_2264, %add3A_2265 : i32
      %jit3A_2267 = arith.constant 2 : i32
      %div3A_2268 = arith.divsi %add3A_2266, %jit3A_2267 : i32
      %sign3A_2269 = arith.constant 0 : i32
      %sign3A_2270 = arith.cmpi sgt, %add3A_2266, %sign3A_2269 : i32
      %sign3A_2271 = arith.extui %sign3A_2270 : i1 to i32
      %sign3A_2272 = arith.constant 0 : i32
      %sign3A_2273 = arith.cmpi slt, %add3A_2266, %sign3A_2272 : i32
      %sign3A_2274 = arith.extui %sign3A_2273 : i1 to i32
      %sign3A_2275 = arith.subi %sign3A_2271, %sign3A_2274 : i32
      %sign3A_2276 = arith.constant 0 : i32
      %sign3A_2277 = arith.cmpi sgt, %jit3A_2267, %sign3A_2276 : i32
      %sign3A_2278 = arith.extui %sign3A_2277 : i1 to i32
      %sign3A_2279 = arith.constant 0 : i32
      %sign3A_2280 = arith.cmpi slt, %jit3A_2267, %sign3A_2279 : i32
      %sign3A_2281 = arith.extui %sign3A_2280 : i1 to i32
      %sign3A_2282 = arith.subi %sign3A_2278, %sign3A_2281 : i32
      %ne3A_2283 = arith.cmpi ne, %sign3A_2275, %sign3A_2282 : i32
      %rem3A_2284 = arith.remsi %add3A_2266, %jit3A_2267 : i32
      %ne3A_2285 = arith.constant 0 : i32
      %ne3A_2286 = arith.cmpi ne, %rem3A_2284, %ne3A_2285 : i32
      %and3A_2287 = arith.andi %ne3A_2283, %ne3A_2286 : i1
      %sub3A_2288 = arith.constant 1 : i32
      %sub3A_2289 = arith.subi %div3A_2268, %sub3A_2288 : i32
      %select_n3A_2290 = arith.select %and3A_2287, %sub3A_2289, %div3A_2268 : i32
      %jit3A_2291 = arith.constant 2 : i32
      %eq3A_2292 = arith.constant 0 : i32
      %eq3A_2293 = arith.cmpi eq, %jit3A_2291, %eq3A_2292 : i32
      %jit3A_2294 = arith.constant 1 : i32
      %select_n3A_2295 = arith.select %eq3A_2293, %jit3A_2294, %jit3A_2291 : i32
      %rem3A_2296 = arith.remsi %add3A_2266, %select_n3A_2295 : i32
      %ne3A_2297 = arith.constant 0 : i32
      %ne3A_2298 = arith.cmpi ne, %rem3A_2296, %ne3A_2297 : i32
      %lt3A_2299 = arith.constant 0 : i32
      %lt3A_2300 = arith.cmpi slt, %rem3A_2296, %lt3A_2299 : i32
      %lt3A_2301 = arith.constant 0 : i32
      %lt3A_2302 = arith.cmpi slt, %select_n3A_2295, %lt3A_2301 : i32
      %ne3A_2303 = arith.xori %lt3A_2300, %lt3A_2302 : i1
      %and3A_2304 = arith.andi %ne3A_2303, %ne3A_2298 : i1
      %add3A_2305 = arith.addi %rem3A_2296, %select_n3A_2295 : i32
      %select_n3A_2306 = arith.select %and3A_2304, %add3A_2305, %rem3A_2296 : i32
      %mul3A_2307 = arith.constant 64 : i32
      %mul3A_2308 = arith.muli %select_n3A_2306, %mul3A_2307 : i32
      %dma_start3A_2309 = arith.constant 4 : i32
      %dma_start3A_2310 = arith.constant 0 : i32
      %dma_start3A_2311 = arith.constant 0 : i32
      %dma_start3A_2312 = tpu.memref_slice %arg6[%dma_start3A_2309, %dma_start3A_2310, %dma_start3A_2311] : memref<10x64x128xf32, #tpu.memory_space<vmem>> -> memref<1x64x128xf32, #tpu.memory_space<vmem>>
      %dma_start3A_2313 = tpu.memref_squeeze %dma_start3A_2312 : memref<1x64x128xf32, #tpu.memory_space<vmem>> -> memref<64x128xf32, #tpu.memory_space<vmem>>
      %dma_start3A_2314 = tpu.memref_slice %arg5[%select_n3A_2290, %mul3A_2308] : memref<50x128xi32, #tpu.memory_space<vmem>> -> memref<1x64xi32, #tpu.memory_space<vmem>>
      %dma_start3A_2315 = tpu.memref_squeeze %dma_start3A_2314 : memref<1x64xi32, #tpu.memory_space<vmem>> -> memref<64xi32, #tpu.memory_space<vmem>>
      %dma_start3A_2316 = arith.constant 0 : i32
      %dma_start3A_2317 = arith.constant 0 : i32
      %dma_start3A_2318 = tpu.memref_slice %arg3[%dma_start3A_2316, %dma_start3A_2317] : memref<100000x128xf32, #tpu.memory_space<hbm>> -> memref<100000x128xf32, #tpu.memory_space<hbm>>
      tpu.enqueue_indirect_dma source(%dma_start3A_2318 : memref<100000x128xf32, #tpu.memory_space<hbm>>) target(%dma_start3A_2313 : memref<64x128xf32, #tpu.memory_space<vmem>>) offsets(%dma_start3A_2315 : memref<64xi32, #tpu.memory_space<vmem>>) semaphore(%arg11 : memref<!tpu.dma_semaphore, #tpu.memory_space<semaphore_mem>>)
      %add3A_2319 = arith.constant 5 : i32
      %add3A_2320 = arith.addi %mul3A_608, %add3A_2319 : i32
      %jit3A_2321 = arith.constant 2 : i32
      %div3A_2322 = arith.divsi %add3A_2320, %jit3A_2321 : i32
      %sign3A_2323 = arith.constant 0 : i32
      %sign3A_2324 = arith.cmpi sgt, %add3A_2320, %sign3A_2323 : i32
      %sign3A_2325 = arith.extui %sign3A_2324 : i1 to i32
      %sign3A_2326 = arith.constant 0 : i32
      %sign3A_2327 = arith.cmpi slt, %add3A_2320, %sign3A_2326 : i32
      %sign3A_2328 = arith.extui %sign3A_2327 : i1 to i32
      %sign3A_2329 = arith.subi %sign3A_2325, %sign3A_2328 : i32
      %sign3A_2330 = arith.constant 0 : i32
      %sign3A_2331 = arith.cmpi sgt, %jit3A_2321, %sign3A_2330 : i32
      %sign3A_2332 = arith.extui %sign3A_2331 : i1 to i32
      %sign3A_2333 = arith.constant 0 : i32
      %sign3A_2334 = arith.cmpi slt, %jit3A_2321, %sign3A_2333 : i32
      %sign3A_2335 = arith.extui %sign3A_2334 : i1 to i32
      %sign3A_2336 = arith.subi %sign3A_2332, %sign3A_2335 : i32
      %ne3A_2337 = arith.cmpi ne, %sign3A_2329, %sign3A_2336 : i32
      %rem3A_2338 = arith.remsi %add3A_2320, %jit3A_2321 : i32
      %ne3A_2339 = arith.constant 0 : i32
      %ne3A_2340 = arith.cmpi ne, %rem3A_2338, %ne3A_2339 : i32
      %and3A_2341 = arith.andi %ne3A_2337, %ne3A_2340 : i1
      %sub3A_2342 = arith.constant 1 : i32
      %sub3A_2343 = arith.subi %div3A_2322, %sub3A_2342 : i32
      %select_n3A_2344 = arith.select %and3A_2341, %sub3A_2343, %div3A_2322 : i32
      %jit3A_2345 = arith.constant 2 : i32
      %eq3A_2346 = arith.constant 0 : i32
      %eq3A_2347 = arith.cmpi eq, %jit3A_2345, %eq3A_2346 : i32
      %jit3A_2348 = arith.constant 1 : i32
      %select_n3A_2349 = arith.select %eq3A_2347, %jit3A_2348, %jit3A_2345 : i32
      %rem3A_2350 = arith.remsi %add3A_2320, %select_n3A_2349 : i32
      %ne3A_2351 = arith.constant 0 : i32
      %ne3A_2352 = arith.cmpi ne, %rem3A_2350, %ne3A_2351 : i32
      %lt3A_2353 = arith.constant 0 : i32
      %lt3A_2354 = arith.cmpi slt, %rem3A_2350, %lt3A_2353 : i32
      %lt3A_2355 = arith.constant 0 : i32
      %lt3A_2356 = arith.cmpi slt, %select_n3A_2349, %lt3A_2355 : i32
      %ne3A_2357 = arith.xori %lt3A_2354, %lt3A_2356 : i1
      %and3A_2358 = arith.andi %ne3A_2357, %ne3A_2352 : i1
      %add3A_2359 = arith.addi %rem3A_2350, %select_n3A_2349 : i32
      %select_n3A_2360 = arith.select %and3A_2358, %add3A_2359, %rem3A_2350 : i32
      %mul3A_2361 = arith.constant 64 : i32
      %mul3A_2362 = arith.muli %select_n3A_2360, %mul3A_2361 : i32
      %add3A_2363 = arith.addi %mul3A_2, %mul3A_2362 : i32
      %dma_wait3A_2364 = arith.constant 5 : i32
      %dma_wait3A_2365 = arith.constant 0 : i32
      %dma_wait3A_2366 = arith.constant 0 : i32
      %dma_wait3A_2367 = tpu.memref_slice %arg6[%dma_wait3A_2364, %dma_wait3A_2365, %dma_wait3A_2366] : memref<10x64x128xf32, #tpu.memory_space<vmem>> -> memref<1x64x128xf32, #tpu.memory_space<vmem>>
      %dma_wait3A_2368 = tpu.memref_squeeze %dma_wait3A_2367 : memref<1x64x128xf32, #tpu.memory_space<vmem>> -> memref<64x128xf32, #tpu.memory_space<vmem>>
      %dma_wait3A_2369 = arith.constant 0 : i32
      %dma_wait3A_2370 = tpu.memref_slice %arg4[%select_n3A_2344, %add3A_2363, %dma_wait3A_2369] : memref<50x4096x128xf32, #tpu.memory_space<hbm>> -> memref<1x64x128xf32, #tpu.memory_space<hbm>>
      %dma_wait3A_2371 = tpu.memref_squeeze %dma_wait3A_2370 : memref<1x64x128xf32, #tpu.memory_space<hbm>> -> memref<64x128xf32, #tpu.memory_space<hbm>>
      %dma_wait3A_2372 = arith.constant 0 : i32
      %dma_wait3A_2373 = tpu.memref_slice %arg4[%select_n3A_2344, %add3A_2363, %dma_wait3A_2372] : memref<50x4096x128xf32, #tpu.memory_space<hbm>> -> memref<1x64x128xf32, #tpu.memory_space<hbm>>
      %dma_wait3A_2374 = tpu.memref_squeeze %dma_wait3A_2373 : memref<1x64x128xf32, #tpu.memory_space<hbm>> -> memref<64x128xf32, #tpu.memory_space<hbm>>
      %dma_wait3A_2375 = arith.constant 0 : i32
      %dma_wait3A_2376 = arith.constant 0 : i32
      %dma_wait3A_2377 = tpu.memref_slice %arg6[%dma_wait3A_2364, %dma_wait3A_2375, %dma_wait3A_2376] : memref<10x64x128xf32, #tpu.memory_space<vmem>> -> memref<1x64x128xf32, #tpu.memory_space<vmem>>
      %dma_wait3A_2378 = tpu.memref_squeeze %dma_wait3A_2377 : memref<1x64x128xf32, #tpu.memory_space<vmem>> -> memref<64x128xf32, #tpu.memory_space<vmem>>
      tpu.wait_dma2 semaphore(%arg22 : memref<!tpu.dma_semaphore, #tpu.memory_space<semaphore_mem>>) src(%dma_wait3A_2378 : memref<64x128xf32, #tpu.memory_space<vmem>>) dst(%dma_wait3A_2374 : memref<64x128xf32, #tpu.memory_space<hbm>>)
      %add3A_2379 = arith.constant 5 : i32
      %add3A_2380 = arith.addi %mul3A_608, %add3A_2379 : i32
      %add3A_2381 = arith.constant 10 : i32
      %add3A_2382 = arith.addi %add3A_2380, %add3A_2381 : i32
      %jit3A_2383 = arith.constant 2 : i32
      %div3A_2384 = arith.divsi %add3A_2382, %jit3A_2383 : i32
      %sign3A_2385 = arith.constant 0 : i32
      %sign3A_2386 = arith.cmpi sgt, %add3A_2382, %sign3A_2385 : i32
      %sign3A_2387 = arith.extui %sign3A_2386 : i1 to i32
      %sign3A_2388 = arith.constant 0 : i32
      %sign3A_2389 = arith.cmpi slt, %add3A_2382, %sign3A_2388 : i32
      %sign3A_2390 = arith.extui %sign3A_2389 : i1 to i32
      %sign3A_2391 = arith.subi %sign3A_2387, %sign3A_2390 : i32
      %sign3A_2392 = arith.constant 0 : i32
      %sign3A_2393 = arith.cmpi sgt, %jit3A_2383, %sign3A_2392 : i32
      %sign3A_2394 = arith.extui %sign3A_2393 : i1 to i32
      %sign3A_2395 = arith.constant 0 : i32
      %sign3A_2396 = arith.cmpi slt, %jit3A_2383, %sign3A_2395 : i32
      %sign3A_2397 = arith.extui %sign3A_2396 : i1 to i32
      %sign3A_2398 = arith.subi %sign3A_2394, %sign3A_2397 : i32
      %ne3A_2399 = arith.cmpi ne, %sign3A_2391, %sign3A_2398 : i32
      %rem3A_2400 = arith.remsi %add3A_2382, %jit3A_2383 : i32
      %ne3A_2401 = arith.constant 0 : i32
      %ne3A_2402 = arith.cmpi ne, %rem3A_2400, %ne3A_2401 : i32
      %and3A_2403 = arith.andi %ne3A_2399, %ne3A_2402 : i1
      %sub3A_2404 = arith.constant 1 : i32
      %sub3A_2405 = arith.subi %div3A_2384, %sub3A_2404 : i32
      %select_n3A_2406 = arith.select %and3A_2403, %sub3A_2405, %div3A_2384 : i32
      %jit3A_2407 = arith.constant 2 : i32
      %eq3A_2408 = arith.constant 0 : i32
      %eq3A_2409 = arith.cmpi eq, %jit3A_2407, %eq3A_2408 : i32
      %jit3A_2410 = arith.constant 1 : i32
      %select_n3A_2411 = arith.select %eq3A_2409, %jit3A_2410, %jit3A_2407 : i32
      %rem3A_2412 = arith.remsi %add3A_2382, %select_n3A_2411 : i32
      %ne3A_2413 = arith.constant 0 : i32
      %ne3A_2414 = arith.cmpi ne, %rem3A_2412, %ne3A_2413 : i32
      %lt3A_2415 = arith.constant 0 : i32
      %lt3A_2416 = arith.cmpi slt, %rem3A_2412, %lt3A_2415 : i32
      %lt3A_2417 = arith.constant 0 : i32
      %lt3A_2418 = arith.cmpi slt, %select_n3A_2411, %lt3A_2417 : i32
      %ne3A_2419 = arith.xori %lt3A_2416, %lt3A_2418 : i1
      %and3A_2420 = arith.andi %ne3A_2419, %ne3A_2414 : i1
      %add3A_2421 = arith.addi %rem3A_2412, %select_n3A_2411 : i32
      %select_n3A_2422 = arith.select %and3A_2420, %add3A_2421, %rem3A_2412 : i32
      %mul3A_2423 = arith.constant 64 : i32
      %mul3A_2424 = arith.muli %select_n3A_2422, %mul3A_2423 : i32
      %dma_start3A_2425 = arith.constant 5 : i32
      %dma_start3A_2426 = arith.constant 0 : i32
      %dma_start3A_2427 = arith.constant 0 : i32
      %dma_start3A_2428 = tpu.memref_slice %arg6[%dma_start3A_2425, %dma_start3A_2426, %dma_start3A_2427] : memref<10x64x128xf32, #tpu.memory_space<vmem>> -> memref<1x64x128xf32, #tpu.memory_space<vmem>>
      %dma_start3A_2429 = tpu.memref_squeeze %dma_start3A_2428 : memref<1x64x128xf32, #tpu.memory_space<vmem>> -> memref<64x128xf32, #tpu.memory_space<vmem>>
      %dma_start3A_2430 = tpu.memref_slice %arg5[%select_n3A_2406, %mul3A_2424] : memref<50x128xi32, #tpu.memory_space<vmem>> -> memref<1x64xi32, #tpu.memory_space<vmem>>
      %dma_start3A_2431 = tpu.memref_squeeze %dma_start3A_2430 : memref<1x64xi32, #tpu.memory_space<vmem>> -> memref<64xi32, #tpu.memory_space<vmem>>
      %dma_start3A_2432 = arith.constant 0 : i32
      %dma_start3A_2433 = arith.constant 0 : i32
      %dma_start3A_2434 = tpu.memref_slice %arg3[%dma_start3A_2432, %dma_start3A_2433] : memref<100000x128xf32, #tpu.memory_space<hbm>> -> memref<100000x128xf32, #tpu.memory_space<hbm>>
      tpu.enqueue_indirect_dma source(%dma_start3A_2434 : memref<100000x128xf32, #tpu.memory_space<hbm>>) target(%dma_start3A_2429 : memref<64x128xf32, #tpu.memory_space<vmem>>) offsets(%dma_start3A_2431 : memref<64xi32, #tpu.memory_space<vmem>>) semaphore(%arg12 : memref<!tpu.dma_semaphore, #tpu.memory_space<semaphore_mem>>)
      %add3A_2435 = arith.constant 6 : i32
      %add3A_2436 = arith.addi %mul3A_608, %add3A_2435 : i32
      %jit3A_2437 = arith.constant 2 : i32
      %div3A_2438 = arith.divsi %add3A_2436, %jit3A_2437 : i32
      %sign3A_2439 = arith.constant 0 : i32
      %sign3A_2440 = arith.cmpi sgt, %add3A_2436, %sign3A_2439 : i32
      %sign3A_2441 = arith.extui %sign3A_2440 : i1 to i32
      %sign3A_2442 = arith.constant 0 : i32
      %sign3A_2443 = arith.cmpi slt, %add3A_2436, %sign3A_2442 : i32
      %sign3A_2444 = arith.extui %sign3A_2443 : i1 to i32
      %sign3A_2445 = arith.subi %sign3A_2441, %sign3A_2444 : i32
      %sign3A_2446 = arith.constant 0 : i32
      %sign3A_2447 = arith.cmpi sgt, %jit3A_2437, %sign3A_2446 : i32
      %sign3A_2448 = arith.extui %sign3A_2447 : i1 to i32
      %sign3A_2449 = arith.constant 0 : i32
      %sign3A_2450 = arith.cmpi slt, %jit3A_2437, %sign3A_2449 : i32
      %sign3A_2451 = arith.extui %sign3A_2450 : i1 to i32
      %sign3A_2452 = arith.subi %sign3A_2448, %sign3A_2451 : i32
      %ne3A_2453 = arith.cmpi ne, %sign3A_2445, %sign3A_2452 : i32
      %rem3A_2454 = arith.remsi %add3A_2436, %jit3A_2437 : i32
      %ne3A_2455 = arith.constant 0 : i32
      %ne3A_2456 = arith.cmpi ne, %rem3A_2454, %ne3A_2455 : i32
      %and3A_2457 = arith.andi %ne3A_2453, %ne3A_2456 : i1
      %sub3A_2458 = arith.constant 1 : i32
      %sub3A_2459 = arith.subi %div3A_2438, %sub3A_2458 : i32
      %select_n3A_2460 = arith.select %and3A_2457, %sub3A_2459, %div3A_2438 : i32
      %jit3A_2461 = arith.constant 2 : i32
      %eq3A_2462 = arith.constant 0 : i32
      %eq3A_2463 = arith.cmpi eq, %jit3A_2461, %eq3A_2462 : i32
      %jit3A_2464 = arith.constant 1 : i32
      %select_n3A_2465 = arith.select %eq3A_2463, %jit3A_2464, %jit3A_2461 : i32
      %rem3A_2466 = arith.remsi %add3A_2436, %select_n3A_2465 : i32
      %ne3A_2467 = arith.constant 0 : i32
      %ne3A_2468 = arith.cmpi ne, %rem3A_2466, %ne3A_2467 : i32
      %lt3A_2469 = arith.constant 0 : i32
      %lt3A_2470 = arith.cmpi slt, %rem3A_2466, %lt3A_2469 : i32
      %lt3A_2471 = arith.constant 0 : i32
      %lt3A_2472 = arith.cmpi slt, %select_n3A_2465, %lt3A_2471 : i32
      %ne3A_2473 = arith.xori %lt3A_2470, %lt3A_2472 : i1
      %and3A_2474 = arith.andi %ne3A_2473, %ne3A_2468 : i1
      %add3A_2475 = arith.addi %rem3A_2466, %select_n3A_2465 : i32
      %select_n3A_2476 = arith.select %and3A_2474, %add3A_2475, %rem3A_2466 : i32
      %mul3A_2477 = arith.constant 64 : i32
      %mul3A_2478 = arith.muli %select_n3A_2476, %mul3A_2477 : i32
      %add3A_2479 = arith.addi %mul3A_2, %mul3A_2478 : i32
      %dma_wait3A_2480 = arith.constant 6 : i32
      %dma_wait3A_2481 = arith.constant 0 : i32
      %dma_wait3A_2482 = arith.constant 0 : i32
      %dma_wait3A_2483 = tpu.memref_slice %arg6[%dma_wait3A_2480, %dma_wait3A_2481, %dma_wait3A_2482] : memref<10x64x128xf32, #tpu.memory_space<vmem>> -> memref<1x64x128xf32, #tpu.memory_space<vmem>>
      %dma_wait3A_2484 = tpu.memref_squeeze %dma_wait3A_2483 : memref<1x64x128xf32, #tpu.memory_space<vmem>> -> memref<64x128xf32, #tpu.memory_space<vmem>>
      %dma_wait3A_2485 = arith.constant 0 : i32
      %dma_wait3A_2486 = tpu.memref_slice %arg4[%select_n3A_2460, %add3A_2479, %dma_wait3A_2485] : memref<50x4096x128xf32, #tpu.memory_space<hbm>> -> memref<1x64x128xf32, #tpu.memory_space<hbm>>
      %dma_wait3A_2487 = tpu.memref_squeeze %dma_wait3A_2486 : memref<1x64x128xf32, #tpu.memory_space<hbm>> -> memref<64x128xf32, #tpu.memory_space<hbm>>
      %dma_wait3A_2488 = arith.constant 0 : i32
      %dma_wait3A_2489 = tpu.memref_slice %arg4[%select_n3A_2460, %add3A_2479, %dma_wait3A_2488] : memref<50x4096x128xf32, #tpu.memory_space<hbm>> -> memref<1x64x128xf32, #tpu.memory_space<hbm>>
      %dma_wait3A_2490 = tpu.memref_squeeze %dma_wait3A_2489 : memref<1x64x128xf32, #tpu.memory_space<hbm>> -> memref<64x128xf32, #tpu.memory_space<hbm>>
      %dma_wait3A_2491 = arith.constant 0 : i32
      %dma_wait3A_2492 = arith.constant 0 : i32
      %dma_wait3A_2493 = tpu.memref_slice %arg6[%dma_wait3A_2480, %dma_wait3A_2491, %dma_wait3A_2492] : memref<10x64x128xf32, #tpu.memory_space<vmem>> -> memref<1x64x128xf32, #tpu.memory_space<vmem>>
      %dma_wait3A_2494 = tpu.memref_squeeze %dma_wait3A_2493 : memref<1x64x128xf32, #tpu.memory_space<vmem>> -> memref<64x128xf32, #tpu.memory_space<vmem>>
      tpu.wait_dma2 semaphore(%arg23 : memref<!tpu.dma_semaphore, #tpu.memory_space<semaphore_mem>>) src(%dma_wait3A_2494 : memref<64x128xf32, #tpu.memory_space<vmem>>) dst(%dma_wait3A_2490 : memref<64x128xf32, #tpu.memory_space<hbm>>)
      %add3A_2495 = arith.constant 6 : i32
      %add3A_2496 = arith.addi %mul3A_608, %add3A_2495 : i32
      %add3A_2497 = arith.constant 10 : i32
      %add3A_2498 = arith.addi %add3A_2496, %add3A_2497 : i32
      %jit3A_2499 = arith.constant 2 : i32
      %div3A_2500 = arith.divsi %add3A_2498, %jit3A_2499 : i32
      %sign3A_2501 = arith.constant 0 : i32
      %sign3A_2502 = arith.cmpi sgt, %add3A_2498, %sign3A_2501 : i32
      %sign3A_2503 = arith.extui %sign3A_2502 : i1 to i32
      %sign3A_2504 = arith.constant 0 : i32
      %sign3A_2505 = arith.cmpi slt, %add3A_2498, %sign3A_2504 : i32
      %sign3A_2506 = arith.extui %sign3A_2505 : i1 to i32
      %sign3A_2507 = arith.subi %sign3A_2503, %sign3A_2506 : i32
      %sign3A_2508 = arith.constant 0 : i32
      %sign3A_2509 = arith.cmpi sgt, %jit3A_2499, %sign3A_2508 : i32
      %sign3A_2510 = arith.extui %sign3A_2509 : i1 to i32
      %sign3A_2511 = arith.constant 0 : i32
      %sign3A_2512 = arith.cmpi slt, %jit3A_2499, %sign3A_2511 : i32
      %sign3A_2513 = arith.extui %sign3A_2512 : i1 to i32
      %sign3A_2514 = arith.subi %sign3A_2510, %sign3A_2513 : i32
      %ne3A_2515 = arith.cmpi ne, %sign3A_2507, %sign3A_2514 : i32
      %rem3A_2516 = arith.remsi %add3A_2498, %jit3A_2499 : i32
      %ne3A_2517 = arith.constant 0 : i32
      %ne3A_2518 = arith.cmpi ne, %rem3A_2516, %ne3A_2517 : i32
      %and3A_2519 = arith.andi %ne3A_2515, %ne3A_2518 : i1
      %sub3A_2520 = arith.constant 1 : i32
      %sub3A_2521 = arith.subi %div3A_2500, %sub3A_2520 : i32
      %select_n3A_2522 = arith.select %and3A_2519, %sub3A_2521, %div3A_2500 : i32
      %jit3A_2523 = arith.constant 2 : i32
      %eq3A_2524 = arith.constant 0 : i32
      %eq3A_2525 = arith.cmpi eq, %jit3A_2523, %eq3A_2524 : i32
      %jit3A_2526 = arith.constant 1 : i32
      %select_n3A_2527 = arith.select %eq3A_2525, %jit3A_2526, %jit3A_2523 : i32
      %rem3A_2528 = arith.remsi %add3A_2498, %select_n3A_2527 : i32
      %ne3A_2529 = arith.constant 0 : i32
      %ne3A_2530 = arith.cmpi ne, %rem3A_2528, %ne3A_2529 : i32
      %lt3A_2531 = arith.constant 0 : i32
      %lt3A_2532 = arith.cmpi slt, %rem3A_2528, %lt3A_2531 : i32
      %lt3A_2533 = arith.constant 0 : i32
      %lt3A_2534 = arith.cmpi slt, %select_n3A_2527, %lt3A_2533 : i32
      %ne3A_2535 = arith.xori %lt3A_2532, %lt3A_2534 : i1
      %and3A_2536 = arith.andi %ne3A_2535, %ne3A_2530 : i1
      %add3A_2537 = arith.addi %rem3A_2528, %select_n3A_2527 : i32
      %select_n3A_2538 = arith.select %and3A_2536, %add3A_2537, %rem3A_2528 : i32
      %mul3A_2539 = arith.constant 64 : i32
      %mul3A_2540 = arith.muli %select_n3A_2538, %mul3A_2539 : i32
      %dma_start3A_2541 = arith.constant 6 : i32
      %dma_start3A_2542 = arith.constant 0 : i32
      %dma_start3A_2543 = arith.constant 0 : i32
      %dma_start3A_2544 = tpu.memref_slice %arg6[%dma_start3A_2541, %dma_start3A_2542, %dma_start3A_2543] : memref<10x64x128xf32, #tpu.memory_space<vmem>> -> memref<1x64x128xf32, #tpu.memory_space<vmem>>
      %dma_start3A_2545 = tpu.memref_squeeze %dma_start3A_2544 : memref<1x64x128xf32, #tpu.memory_space<vmem>> -> memref<64x128xf32, #tpu.memory_space<vmem>>
      %dma_start3A_2546 = tpu.memref_slice %arg5[%select_n3A_2522, %mul3A_2540] : memref<50x128xi32, #tpu.memory_space<vmem>> -> memref<1x64xi32, #tpu.memory_space<vmem>>
      %dma_start3A_2547 = tpu.memref_squeeze %dma_start3A_2546 : memref<1x64xi32, #tpu.memory_space<vmem>> -> memref<64xi32, #tpu.memory_space<vmem>>
      %dma_start3A_2548 = arith.constant 0 : i32
      %dma_start3A_2549 = arith.constant 0 : i32
      %dma_start3A_2550 = tpu.memref_slice %arg3[%dma_start3A_2548, %dma_start3A_2549] : memref<100000x128xf32, #tpu.memory_space<hbm>> -> memref<100000x128xf32, #tpu.memory_space<hbm>>
      tpu.enqueue_indirect_dma source(%dma_start3A_2550 : memref<100000x128xf32, #tpu.memory_space<hbm>>) target(%dma_start3A_2545 : memref<64x128xf32, #tpu.memory_space<vmem>>) offsets(%dma_start3A_2547 : memref<64xi32, #tpu.memory_space<vmem>>) semaphore(%arg13 : memref<!tpu.dma_semaphore, #tpu.memory_space<semaphore_mem>>)
      %add3A_2551 = arith.constant 7 : i32
      %add3A_2552 = arith.addi %mul3A_608, %add3A_2551 : i32
      %jit3A_2553 = arith.constant 2 : i32
      %div3A_2554 = arith.divsi %add3A_2552, %jit3A_2553 : i32
      %sign3A_2555 = arith.constant 0 : i32
      %sign3A_2556 = arith.cmpi sgt, %add3A_2552, %sign3A_2555 : i32
      %sign3A_2557 = arith.extui %sign3A_2556 : i1 to i32
      %sign3A_2558 = arith.constant 0 : i32
      %sign3A_2559 = arith.cmpi slt, %add3A_2552, %sign3A_2558 : i32
      %sign3A_2560 = arith.extui %sign3A_2559 : i1 to i32
      %sign3A_2561 = arith.subi %sign3A_2557, %sign3A_2560 : i32
      %sign3A_2562 = arith.constant 0 : i32
      %sign3A_2563 = arith.cmpi sgt, %jit3A_2553, %sign3A_2562 : i32
      %sign3A_2564 = arith.extui %sign3A_2563 : i1 to i32
      %sign3A_2565 = arith.constant 0 : i32
      %sign3A_2566 = arith.cmpi slt, %jit3A_2553, %sign3A_2565 : i32
      %sign3A_2567 = arith.extui %sign3A_2566 : i1 to i32
      %sign3A_2568 = arith.subi %sign3A_2564, %sign3A_2567 : i32
      %ne3A_2569 = arith.cmpi ne, %sign3A_2561, %sign3A_2568 : i32
      %rem3A_2570 = arith.remsi %add3A_2552, %jit3A_2553 : i32
      %ne3A_2571 = arith.constant 0 : i32
      %ne3A_2572 = arith.cmpi ne, %rem3A_2570, %ne3A_2571 : i32
      %and3A_2573 = arith.andi %ne3A_2569, %ne3A_2572 : i1
      %sub3A_2574 = arith.constant 1 : i32
      %sub3A_2575 = arith.subi %div3A_2554, %sub3A_2574 : i32
      %select_n3A_2576 = arith.select %and3A_2573, %sub3A_2575, %div3A_2554 : i32
      %jit3A_2577 = arith.constant 2 : i32
      %eq3A_2578 = arith.constant 0 : i32
      %eq3A_2579 = arith.cmpi eq, %jit3A_2577, %eq3A_2578 : i32
      %jit3A_2580 = arith.constant 1 : i32
      %select_n3A_2581 = arith.select %eq3A_2579, %jit3A_2580, %jit3A_2577 : i32
      %rem3A_2582 = arith.remsi %add3A_2552, %select_n3A_2581 : i32
      %ne3A_2583 = arith.constant 0 : i32
      %ne3A_2584 = arith.cmpi ne, %rem3A_2582, %ne3A_2583 : i32
      %lt3A_2585 = arith.constant 0 : i32
      %lt3A_2586 = arith.cmpi slt, %rem3A_2582, %lt3A_2585 : i32
      %lt3A_2587 = arith.constant 0 : i32
      %lt3A_2588 = arith.cmpi slt, %select_n3A_2581, %lt3A_2587 : i32
      %ne3A_2589 = arith.xori %lt3A_2586, %lt3A_2588 : i1
      %and3A_2590 = arith.andi %ne3A_2589, %ne3A_2584 : i1
      %add3A_2591 = arith.addi %rem3A_2582, %select_n3A_2581 : i32
      %select_n3A_2592 = arith.select %and3A_2590, %add3A_2591, %rem3A_2582 : i32
      %mul3A_2593 = arith.constant 64 : i32
      %mul3A_2594 = arith.muli %select_n3A_2592, %mul3A_2593 : i32
      %add3A_2595 = arith.addi %mul3A_2, %mul3A_2594 : i32
      %dma_wait3A_2596 = arith.constant 7 : i32
      %dma_wait3A_2597 = arith.constant 0 : i32
      %dma_wait3A_2598 = arith.constant 0 : i32
      %dma_wait3A_2599 = tpu.memref_slice %arg6[%dma_wait3A_2596, %dma_wait3A_2597, %dma_wait3A_2598] : memref<10x64x128xf32, #tpu.memory_space<vmem>> -> memref<1x64x128xf32, #tpu.memory_space<vmem>>
      %dma_wait3A_2600 = tpu.memref_squeeze %dma_wait3A_2599 : memref<1x64x128xf32, #tpu.memory_space<vmem>> -> memref<64x128xf32, #tpu.memory_space<vmem>>
      %dma_wait3A_2601 = arith.constant 0 : i32
      %dma_wait3A_2602 = tpu.memref_slice %arg4[%select_n3A_2576, %add3A_2595, %dma_wait3A_2601] : memref<50x4096x128xf32, #tpu.memory_space<hbm>> -> memref<1x64x128xf32, #tpu.memory_space<hbm>>
      %dma_wait3A_2603 = tpu.memref_squeeze %dma_wait3A_2602 : memref<1x64x128xf32, #tpu.memory_space<hbm>> -> memref<64x128xf32, #tpu.memory_space<hbm>>
      %dma_wait3A_2604 = arith.constant 0 : i32
      %dma_wait3A_2605 = tpu.memref_slice %arg4[%select_n3A_2576, %add3A_2595, %dma_wait3A_2604] : memref<50x4096x128xf32, #tpu.memory_space<hbm>> -> memref<1x64x128xf32, #tpu.memory_space<hbm>>
      %dma_wait3A_2606 = tpu.memref_squeeze %dma_wait3A_2605 : memref<1x64x128xf32, #tpu.memory_space<hbm>> -> memref<64x128xf32, #tpu.memory_space<hbm>>
      %dma_wait3A_2607 = arith.constant 0 : i32
      %dma_wait3A_2608 = arith.constant 0 : i32
      %dma_wait3A_2609 = tpu.memref_slice %arg6[%dma_wait3A_2596, %dma_wait3A_2607, %dma_wait3A_2608] : memref<10x64x128xf32, #tpu.memory_space<vmem>> -> memref<1x64x128xf32, #tpu.memory_space<vmem>>
      %dma_wait3A_2610 = tpu.memref_squeeze %dma_wait3A_2609 : memref<1x64x128xf32, #tpu.memory_space<vmem>> -> memref<64x128xf32, #tpu.memory_space<vmem>>
      tpu.wait_dma2 semaphore(%arg24 : memref<!tpu.dma_semaphore, #tpu.memory_space<semaphore_mem>>) src(%dma_wait3A_2610 : memref<64x128xf32, #tpu.memory_space<vmem>>) dst(%dma_wait3A_2606 : memref<64x128xf32, #tpu.memory_space<hbm>>)
      %add3A_2611 = arith.constant 7 : i32
      %add3A_2612 = arith.addi %mul3A_608, %add3A_2611 : i32
      %add3A_2613 = arith.constant 10 : i32
      %add3A_2614 = arith.addi %add3A_2612, %add3A_2613 : i32
      %jit3A_2615 = arith.constant 2 : i32
      %div3A_2616 = arith.divsi %add3A_2614, %jit3A_2615 : i32
      %sign3A_2617 = arith.constant 0 : i32
      %sign3A_2618 = arith.cmpi sgt, %add3A_2614, %sign3A_2617 : i32
      %sign3A_2619 = arith.extui %sign3A_2618 : i1 to i32
      %sign3A_2620 = arith.constant 0 : i32
      %sign3A_2621 = arith.cmpi slt, %add3A_2614, %sign3A_2620 : i32
      %sign3A_2622 = arith.extui %sign3A_2621 : i1 to i32
      %sign3A_2623 = arith.subi %sign3A_2619, %sign3A_2622 : i32
      %sign3A_2624 = arith.constant 0 : i32
      %sign3A_2625 = arith.cmpi sgt, %jit3A_2615, %sign3A_2624 : i32
      %sign3A_2626 = arith.extui %sign3A_2625 : i1 to i32
      %sign3A_2627 = arith.constant 0 : i32
      %sign3A_2628 = arith.cmpi slt, %jit3A_2615, %sign3A_2627 : i32
      %sign3A_2629 = arith.extui %sign3A_2628 : i1 to i32
      %sign3A_2630 = arith.subi %sign3A_2626, %sign3A_2629 : i32
      %ne3A_2631 = arith.cmpi ne, %sign3A_2623, %sign3A_2630 : i32
      %rem3A_2632 = arith.remsi %add3A_2614, %jit3A_2615 : i32
      %ne3A_2633 = arith.constant 0 : i32
      %ne3A_2634 = arith.cmpi ne, %rem3A_2632, %ne3A_2633 : i32
      %and3A_2635 = arith.andi %ne3A_2631, %ne3A_2634 : i1
      %sub3A_2636 = arith.constant 1 : i32
      %sub3A_2637 = arith.subi %div3A_2616, %sub3A_2636 : i32
      %select_n3A_2638 = arith.select %and3A_2635, %sub3A_2637, %div3A_2616 : i32
      %jit3A_2639 = arith.constant 2 : i32
      %eq3A_2640 = arith.constant 0 : i32
      %eq3A_2641 = arith.cmpi eq, %jit3A_2639, %eq3A_2640 : i32
      %jit3A_2642 = arith.constant 1 : i32
      %select_n3A_2643 = arith.select %eq3A_2641, %jit3A_2642, %jit3A_2639 : i32
      %rem3A_2644 = arith.remsi %add3A_2614, %select_n3A_2643 : i32
      %ne3A_2645 = arith.constant 0 : i32
      %ne3A_2646 = arith.cmpi ne, %rem3A_2644, %ne3A_2645 : i32
      %lt3A_2647 = arith.constant 0 : i32
      %lt3A_2648 = arith.cmpi slt, %rem3A_2644, %lt3A_2647 : i32
      %lt3A_2649 = arith.constant 0 : i32
      %lt3A_2650 = arith.cmpi slt, %select_n3A_2643, %lt3A_2649 : i32
      %ne3A_2651 = arith.xori %lt3A_2648, %lt3A_2650 : i1
      %and3A_2652 = arith.andi %ne3A_2651, %ne3A_2646 : i1
      %add3A_2653 = arith.addi %rem3A_2644, %select_n3A_2643 : i32
      %select_n3A_2654 = arith.select %and3A_2652, %add3A_2653, %rem3A_2644 : i32
      %mul3A_2655 = arith.constant 64 : i32
      %mul3A_2656 = arith.muli %select_n3A_2654, %mul3A_2655 : i32
      %dma_start3A_2657 = arith.constant 7 : i32
      %dma_start3A_2658 = arith.constant 0 : i32
      %dma_start3A_2659 = arith.constant 0 : i32
      %dma_start3A_2660 = tpu.memref_slice %arg6[%dma_start3A_2657, %dma_start3A_2658, %dma_start3A_2659] : memref<10x64x128xf32, #tpu.memory_space<vmem>> -> memref<1x64x128xf32, #tpu.memory_space<vmem>>
      %dma_start3A_2661 = tpu.memref_squeeze %dma_start3A_2660 : memref<1x64x128xf32, #tpu.memory_space<vmem>> -> memref<64x128xf32, #tpu.memory_space<vmem>>
      %dma_start3A_2662 = tpu.memref_slice %arg5[%select_n3A_2638, %mul3A_2656] : memref<50x128xi32, #tpu.memory_space<vmem>> -> memref<1x64xi32, #tpu.memory_space<vmem>>
      %dma_start3A_2663 = tpu.memref_squeeze %dma_start3A_2662 : memref<1x64xi32, #tpu.memory_space<vmem>> -> memref<64xi32, #tpu.memory_space<vmem>>
      %dma_start3A_2664 = arith.constant 0 : i32
      %dma_start3A_2665 = arith.constant 0 : i32
      %dma_start3A_2666 = tpu.memref_slice %arg3[%dma_start3A_2664, %dma_start3A_2665] : memref<100000x128xf32, #tpu.memory_space<hbm>> -> memref<100000x128xf32, #tpu.memory_space<hbm>>
      tpu.enqueue_indirect_dma source(%dma_start3A_2666 : memref<100000x128xf32, #tpu.memory_space<hbm>>) target(%dma_start3A_2661 : memref<64x128xf32, #tpu.memory_space<vmem>>) offsets(%dma_start3A_2663 : memref<64xi32, #tpu.memory_space<vmem>>) semaphore(%arg14 : memref<!tpu.dma_semaphore, #tpu.memory_space<semaphore_mem>>)
      %add3A_2667 = arith.constant 8 : i32
      %add3A_2668 = arith.addi %mul3A_608, %add3A_2667 : i32
      %jit3A_2669 = arith.constant 2 : i32
      %div3A_2670 = arith.divsi %add3A_2668, %jit3A_2669 : i32
      %sign3A_2671 = arith.constant 0 : i32
      %sign3A_2672 = arith.cmpi sgt, %add3A_2668, %sign3A_2671 : i32
      %sign3A_2673 = arith.extui %sign3A_2672 : i1 to i32
      %sign3A_2674 = arith.constant 0 : i32
      %sign3A_2675 = arith.cmpi slt, %add3A_2668, %sign3A_2674 : i32
      %sign3A_2676 = arith.extui %sign3A_2675 : i1 to i32
      %sign3A_2677 = arith.subi %sign3A_2673, %sign3A_2676 : i32
      %sign3A_2678 = arith.constant 0 : i32
      %sign3A_2679 = arith.cmpi sgt, %jit3A_2669, %sign3A_2678 : i32
      %sign3A_2680 = arith.extui %sign3A_2679 : i1 to i32
      %sign3A_2681 = arith.constant 0 : i32
      %sign3A_2682 = arith.cmpi slt, %jit3A_2669, %sign3A_2681 : i32
      %sign3A_2683 = arith.extui %sign3A_2682 : i1 to i32
      %sign3A_2684 = arith.subi %sign3A_2680, %sign3A_2683 : i32
      %ne3A_2685 = arith.cmpi ne, %sign3A_2677, %sign3A_2684 : i32
      %rem3A_2686 = arith.remsi %add3A_2668, %jit3A_2669 : i32
      %ne3A_2687 = arith.constant 0 : i32
      %ne3A_2688 = arith.cmpi ne, %rem3A_2686, %ne3A_2687 : i32
      %and3A_2689 = arith.andi %ne3A_2685, %ne3A_2688 : i1
      %sub3A_2690 = arith.constant 1 : i32
      %sub3A_2691 = arith.subi %div3A_2670, %sub3A_2690 : i32
      %select_n3A_2692 = arith.select %and3A_2689, %sub3A_2691, %div3A_2670 : i32
      %jit3A_2693 = arith.constant 2 : i32
      %eq3A_2694 = arith.constant 0 : i32
      %eq3A_2695 = arith.cmpi eq, %jit3A_2693, %eq3A_2694 : i32
      %jit3A_2696 = arith.constant 1 : i32
      %select_n3A_2697 = arith.select %eq3A_2695, %jit3A_2696, %jit3A_2693 : i32
      %rem3A_2698 = arith.remsi %add3A_2668, %select_n3A_2697 : i32
      %ne3A_2699 = arith.constant 0 : i32
      %ne3A_2700 = arith.cmpi ne, %rem3A_2698, %ne3A_2699 : i32
      %lt3A_2701 = arith.constant 0 : i32
      %lt3A_2702 = arith.cmpi slt, %rem3A_2698, %lt3A_2701 : i32
      %lt3A_2703 = arith.constant 0 : i32
      %lt3A_2704 = arith.cmpi slt, %select_n3A_2697, %lt3A_2703 : i32
      %ne3A_2705 = arith.xori %lt3A_2702, %lt3A_2704 : i1
      %and3A_2706 = arith.andi %ne3A_2705, %ne3A_2700 : i1
      %add3A_2707 = arith.addi %rem3A_2698, %select_n3A_2697 : i32
      %select_n3A_2708 = arith.select %and3A_2706, %add3A_2707, %rem3A_2698 : i32
      %mul3A_2709 = arith.constant 64 : i32
      %mul3A_2710 = arith.muli %select_n3A_2708, %mul3A_2709 : i32
      %add3A_2711 = arith.addi %mul3A_2, %mul3A_2710 : i32
      %dma_wait3A_2712 = arith.constant 8 : i32
      %dma_wait3A_2713 = arith.constant 0 : i32
      %dma_wait3A_2714 = arith.constant 0 : i32
      %dma_wait3A_2715 = tpu.memref_slice %arg6[%dma_wait3A_2712, %dma_wait3A_2713, %dma_wait3A_2714] : memref<10x64x128xf32, #tpu.memory_space<vmem>> -> memref<1x64x128xf32, #tpu.memory_space<vmem>>
      %dma_wait3A_2716 = tpu.memref_squeeze %dma_wait3A_2715 : memref<1x64x128xf32, #tpu.memory_space<vmem>> -> memref<64x128xf32, #tpu.memory_space<vmem>>
      %dma_wait3A_2717 = arith.constant 0 : i32
      %dma_wait3A_2718 = tpu.memref_slice %arg4[%select_n3A_2692, %add3A_2711, %dma_wait3A_2717] : memref<50x4096x128xf32, #tpu.memory_space<hbm>> -> memref<1x64x128xf32, #tpu.memory_space<hbm>>
      %dma_wait3A_2719 = tpu.memref_squeeze %dma_wait3A_2718 : memref<1x64x128xf32, #tpu.memory_space<hbm>> -> memref<64x128xf32, #tpu.memory_space<hbm>>
      %dma_wait3A_2720 = arith.constant 0 : i32
      %dma_wait3A_2721 = tpu.memref_slice %arg4[%select_n3A_2692, %add3A_2711, %dma_wait3A_2720] : memref<50x4096x128xf32, #tpu.memory_space<hbm>> -> memref<1x64x128xf32, #tpu.memory_space<hbm>>
      %dma_wait3A_2722 = tpu.memref_squeeze %dma_wait3A_2721 : memref<1x64x128xf32, #tpu.memory_space<hbm>> -> memref<64x128xf32, #tpu.memory_space<hbm>>
      %dma_wait3A_2723 = arith.constant 0 : i32
      %dma_wait3A_2724 = arith.constant 0 : i32
      %dma_wait3A_2725 = tpu.memref_slice %arg6[%dma_wait3A_2712, %dma_wait3A_2723, %dma_wait3A_2724] : memref<10x64x128xf32, #tpu.memory_space<vmem>> -> memref<1x64x128xf32, #tpu.memory_space<vmem>>
      %dma_wait3A_2726 = tpu.memref_squeeze %dma_wait3A_2725 : memref<1x64x128xf32, #tpu.memory_space<vmem>> -> memref<64x128xf32, #tpu.memory_space<vmem>>
      tpu.wait_dma2 semaphore(%arg25 : memref<!tpu.dma_semaphore, #tpu.memory_space<semaphore_mem>>) src(%dma_wait3A_2726 : memref<64x128xf32, #tpu.memory_space<vmem>>) dst(%dma_wait3A_2722 : memref<64x128xf32, #tpu.memory_space<hbm>>)
      %add3A_2727 = arith.constant 8 : i32
      %add3A_2728 = arith.addi %mul3A_608, %add3A_2727 : i32
      %add3A_2729 = arith.constant 10 : i32
      %add3A_2730 = arith.addi %add3A_2728, %add3A_2729 : i32
      %jit3A_2731 = arith.constant 2 : i32
      %div3A_2732 = arith.divsi %add3A_2730, %jit3A_2731 : i32
      %sign3A_2733 = arith.constant 0 : i32
      %sign3A_2734 = arith.cmpi sgt, %add3A_2730, %sign3A_2733 : i32
      %sign3A_2735 = arith.extui %sign3A_2734 : i1 to i32
      %sign3A_2736 = arith.constant 0 : i32
      %sign3A_2737 = arith.cmpi slt, %add3A_2730, %sign3A_2736 : i32
      %sign3A_2738 = arith.extui %sign3A_2737 : i1 to i32
      %sign3A_2739 = arith.subi %sign3A_2735, %sign3A_2738 : i32
      %sign3A_2740 = arith.constant 0 : i32
      %sign3A_2741 = arith.cmpi sgt, %jit3A_2731, %sign3A_2740 : i32
      %sign3A_2742 = arith.extui %sign3A_2741 : i1 to i32
      %sign3A_2743 = arith.constant 0 : i32
      %sign3A_2744 = arith.cmpi slt, %jit3A_2731, %sign3A_2743 : i32
      %sign3A_2745 = arith.extui %sign3A_2744 : i1 to i32
      %sign3A_2746 = arith.subi %sign3A_2742, %sign3A_2745 : i32
      %ne3A_2747 = arith.cmpi ne, %sign3A_2739, %sign3A_2746 : i32
      %rem3A_2748 = arith.remsi %add3A_2730, %jit3A_2731 : i32
      %ne3A_2749 = arith.constant 0 : i32
      %ne3A_2750 = arith.cmpi ne, %rem3A_2748, %ne3A_2749 : i32
      %and3A_2751 = arith.andi %ne3A_2747, %ne3A_2750 : i1
      %sub3A_2752 = arith.constant 1 : i32
      %sub3A_2753 = arith.subi %div3A_2732, %sub3A_2752 : i32
      %select_n3A_2754 = arith.select %and3A_2751, %sub3A_2753, %div3A_2732 : i32
      %jit3A_2755 = arith.constant 2 : i32
      %eq3A_2756 = arith.constant 0 : i32
      %eq3A_2757 = arith.cmpi eq, %jit3A_2755, %eq3A_2756 : i32
      %jit3A_2758 = arith.constant 1 : i32
      %select_n3A_2759 = arith.select %eq3A_2757, %jit3A_2758, %jit3A_2755 : i32
      %rem3A_2760 = arith.remsi %add3A_2730, %select_n3A_2759 : i32
      %ne3A_2761 = arith.constant 0 : i32
      %ne3A_2762 = arith.cmpi ne, %rem3A_2760, %ne3A_2761 : i32
      %lt3A_2763 = arith.constant 0 : i32
      %lt3A_2764 = arith.cmpi slt, %rem3A_2760, %lt3A_2763 : i32
      %lt3A_2765 = arith.constant 0 : i32
      %lt3A_2766 = arith.cmpi slt, %select_n3A_2759, %lt3A_2765 : i32
      %ne3A_2767 = arith.xori %lt3A_2764, %lt3A_2766 : i1
      %and3A_2768 = arith.andi %ne3A_2767, %ne3A_2762 : i1
      %add3A_2769 = arith.addi %rem3A_2760, %select_n3A_2759 : i32
      %select_n3A_2770 = arith.select %and3A_2768, %add3A_2769, %rem3A_2760 : i32
      %mul3A_2771 = arith.constant 64 : i32
      %mul3A_2772 = arith.muli %select_n3A_2770, %mul3A_2771 : i32
      %dma_start3A_2773 = arith.constant 8 : i32
      %dma_start3A_2774 = arith.constant 0 : i32
      %dma_start3A_2775 = arith.constant 0 : i32
      %dma_start3A_2776 = tpu.memref_slice %arg6[%dma_start3A_2773, %dma_start3A_2774, %dma_start3A_2775] : memref<10x64x128xf32, #tpu.memory_space<vmem>> -> memref<1x64x128xf32, #tpu.memory_space<vmem>>
      %dma_start3A_2777 = tpu.memref_squeeze %dma_start3A_2776 : memref<1x64x128xf32, #tpu.memory_space<vmem>> -> memref<64x128xf32, #tpu.memory_space<vmem>>
      %dma_start3A_2778 = tpu.memref_slice %arg5[%select_n3A_2754, %mul3A_2772] : memref<50x128xi32, #tpu.memory_space<vmem>> -> memref<1x64xi32, #tpu.memory_space<vmem>>
      %dma_start3A_2779 = tpu.memref_squeeze %dma_start3A_2778 : memref<1x64xi32, #tpu.memory_space<vmem>> -> memref<64xi32, #tpu.memory_space<vmem>>
      %dma_start3A_2780 = arith.constant 0 : i32
      %dma_start3A_2781 = arith.constant 0 : i32
      %dma_start3A_2782 = tpu.memref_slice %arg3[%dma_start3A_2780, %dma_start3A_2781] : memref<100000x128xf32, #tpu.memory_space<hbm>> -> memref<100000x128xf32, #tpu.memory_space<hbm>>
      tpu.enqueue_indirect_dma source(%dma_start3A_2782 : memref<100000x128xf32, #tpu.memory_space<hbm>>) target(%dma_start3A_2777 : memref<64x128xf32, #tpu.memory_space<vmem>>) offsets(%dma_start3A_2779 : memref<64xi32, #tpu.memory_space<vmem>>) semaphore(%arg15 : memref<!tpu.dma_semaphore, #tpu.memory_space<semaphore_mem>>)
      %add3A_2783 = arith.constant 9 : i32
      %add3A_2784 = arith.addi %mul3A_608, %add3A_2783 : i32
      %jit3A_2785 = arith.constant 2 : i32
      %div3A_2786 = arith.divsi %add3A_2784, %jit3A_2785 : i32
      %sign3A_2787 = arith.constant 0 : i32
      %sign3A_2788 = arith.cmpi sgt, %add3A_2784, %sign3A_2787 : i32
      %sign3A_2789 = arith.extui %sign3A_2788 : i1 to i32
      %sign3A_2790 = arith.constant 0 : i32
      %sign3A_2791 = arith.cmpi slt, %add3A_2784, %sign3A_2790 : i32
      %sign3A_2792 = arith.extui %sign3A_2791 : i1 to i32
      %sign3A_2793 = arith.subi %sign3A_2789, %sign3A_2792 : i32
      %sign3A_2794 = arith.constant 0 : i32
      %sign3A_2795 = arith.cmpi sgt, %jit3A_2785, %sign3A_2794 : i32
      %sign3A_2796 = arith.extui %sign3A_2795 : i1 to i32
      %sign3A_2797 = arith.constant 0 : i32
      %sign3A_2798 = arith.cmpi slt, %jit3A_2785, %sign3A_2797 : i32
      %sign3A_2799 = arith.extui %sign3A_2798 : i1 to i32
      %sign3A_2800 = arith.subi %sign3A_2796, %sign3A_2799 : i32
      %ne3A_2801 = arith.cmpi ne, %sign3A_2793, %sign3A_2800 : i32
      %rem3A_2802 = arith.remsi %add3A_2784, %jit3A_2785 : i32
      %ne3A_2803 = arith.constant 0 : i32
      %ne3A_2804 = arith.cmpi ne, %rem3A_2802, %ne3A_2803 : i32
      %and3A_2805 = arith.andi %ne3A_2801, %ne3A_2804 : i1
      %sub3A_2806 = arith.constant 1 : i32
      %sub3A_2807 = arith.subi %div3A_2786, %sub3A_2806 : i32
      %select_n3A_2808 = arith.select %and3A_2805, %sub3A_2807, %div3A_2786 : i32
      %jit3A_2809 = arith.constant 2 : i32
      %eq3A_2810 = arith.constant 0 : i32
      %eq3A_2811 = arith.cmpi eq, %jit3A_2809, %eq3A_2810 : i32
      %jit3A_2812 = arith.constant 1 : i32
      %select_n3A_2813 = arith.select %eq3A_2811, %jit3A_2812, %jit3A_2809 : i32
      %rem3A_2814 = arith.remsi %add3A_2784, %select_n3A_2813 : i32
      %ne3A_2815 = arith.constant 0 : i32
      %ne3A_2816 = arith.cmpi ne, %rem3A_2814, %ne3A_2815 : i32
      %lt3A_2817 = arith.constant 0 : i32
      %lt3A_2818 = arith.cmpi slt, %rem3A_2814, %lt3A_2817 : i32
      %lt3A_2819 = arith.constant 0 : i32
      %lt3A_2820 = arith.cmpi slt, %select_n3A_2813, %lt3A_2819 : i32
      %ne3A_2821 = arith.xori %lt3A_2818, %lt3A_2820 : i1
      %and3A_2822 = arith.andi %ne3A_2821, %ne3A_2816 : i1
      %add3A_2823 = arith.addi %rem3A_2814, %select_n3A_2813 : i32
      %select_n3A_2824 = arith.select %and3A_2822, %add3A_2823, %rem3A_2814 : i32
      %mul3A_2825 = arith.constant 64 : i32
      %mul3A_2826 = arith.muli %select_n3A_2824, %mul3A_2825 : i32
      %add3A_2827 = arith.addi %mul3A_2, %mul3A_2826 : i32
      %dma_wait3A_2828 = arith.constant 9 : i32
      %dma_wait3A_2829 = arith.constant 0 : i32
      %dma_wait3A_2830 = arith.constant 0 : i32
      %dma_wait3A_2831 = tpu.memref_slice %arg6[%dma_wait3A_2828, %dma_wait3A_2829, %dma_wait3A_2830] : memref<10x64x128xf32, #tpu.memory_space<vmem>> -> memref<1x64x128xf32, #tpu.memory_space<vmem>>
      %dma_wait3A_2832 = tpu.memref_squeeze %dma_wait3A_2831 : memref<1x64x128xf32, #tpu.memory_space<vmem>> -> memref<64x128xf32, #tpu.memory_space<vmem>>
      %dma_wait3A_2833 = arith.constant 0 : i32
      %dma_wait3A_2834 = tpu.memref_slice %arg4[%select_n3A_2808, %add3A_2827, %dma_wait3A_2833] : memref<50x4096x128xf32, #tpu.memory_space<hbm>> -> memref<1x64x128xf32, #tpu.memory_space<hbm>>
      %dma_wait3A_2835 = tpu.memref_squeeze %dma_wait3A_2834 : memref<1x64x128xf32, #tpu.memory_space<hbm>> -> memref<64x128xf32, #tpu.memory_space<hbm>>
      %dma_wait3A_2836 = arith.constant 0 : i32
      %dma_wait3A_2837 = tpu.memref_slice %arg4[%select_n3A_2808, %add3A_2827, %dma_wait3A_2836] : memref<50x4096x128xf32, #tpu.memory_space<hbm>> -> memref<1x64x128xf32, #tpu.memory_space<hbm>>
      %dma_wait3A_2838 = tpu.memref_squeeze %dma_wait3A_2837 : memref<1x64x128xf32, #tpu.memory_space<hbm>> -> memref<64x128xf32, #tpu.memory_space<hbm>>
      %dma_wait3A_2839 = arith.constant 0 : i32
      %dma_wait3A_2840 = arith.constant 0 : i32
      %dma_wait3A_2841 = tpu.memref_slice %arg6[%dma_wait3A_2828, %dma_wait3A_2839, %dma_wait3A_2840] : memref<10x64x128xf32, #tpu.memory_space<vmem>> -> memref<1x64x128xf32, #tpu.memory_space<vmem>>
      %dma_wait3A_2842 = tpu.memref_squeeze %dma_wait3A_2841 : memref<1x64x128xf32, #tpu.memory_space<vmem>> -> memref<64x128xf32, #tpu.memory_space<vmem>>
      tpu.wait_dma2 semaphore(%arg26 : memref<!tpu.dma_semaphore, #tpu.memory_space<semaphore_mem>>) src(%dma_wait3A_2842 : memref<64x128xf32, #tpu.memory_space<vmem>>) dst(%dma_wait3A_2838 : memref<64x128xf32, #tpu.memory_space<hbm>>)
      %add3A_2843 = arith.constant 9 : i32
      %add3A_2844 = arith.addi %mul3A_608, %add3A_2843 : i32
      %add3A_2845 = arith.constant 10 : i32
      %add3A_2846 = arith.addi %add3A_2844, %add3A_2845 : i32
      %jit3A_2847 = arith.constant 2 : i32
      %div3A_2848 = arith.divsi %add3A_2846, %jit3A_2847 : i32
      %sign3A_2849 = arith.constant 0 : i32
      %sign3A_2850 = arith.cmpi sgt, %add3A_2846, %sign3A_2849 : i32
      %sign3A_2851 = arith.extui %sign3A_2850 : i1 to i32
      %sign3A_2852 = arith.constant 0 : i32
      %sign3A_2853 = arith.cmpi slt, %add3A_2846, %sign3A_2852 : i32
      %sign3A_2854 = arith.extui %sign3A_2853 : i1 to i32
      %sign3A_2855 = arith.subi %sign3A_2851, %sign3A_2854 : i32
      %sign3A_2856 = arith.constant 0 : i32
      %sign3A_2857 = arith.cmpi sgt, %jit3A_2847, %sign3A_2856 : i32
      %sign3A_2858 = arith.extui %sign3A_2857 : i1 to i32
      %sign3A_2859 = arith.constant 0 : i32
      %sign3A_2860 = arith.cmpi slt, %jit3A_2847, %sign3A_2859 : i32
      %sign3A_2861 = arith.extui %sign3A_2860 : i1 to i32
      %sign3A_2862 = arith.subi %sign3A_2858, %sign3A_2861 : i32
      %ne3A_2863 = arith.cmpi ne, %sign3A_2855, %sign3A_2862 : i32
      %rem3A_2864 = arith.remsi %add3A_2846, %jit3A_2847 : i32
      %ne3A_2865 = arith.constant 0 : i32
      %ne3A_2866 = arith.cmpi ne, %rem3A_2864, %ne3A_2865 : i32
      %and3A_2867 = arith.andi %ne3A_2863, %ne3A_2866 : i1
      %sub3A_2868 = arith.constant 1 : i32
      %sub3A_2869 = arith.subi %div3A_2848, %sub3A_2868 : i32
      %select_n3A_2870 = arith.select %and3A_2867, %sub3A_2869, %div3A_2848 : i32
      %jit3A_2871 = arith.constant 2 : i32
      %eq3A_2872 = arith.constant 0 : i32
      %eq3A_2873 = arith.cmpi eq, %jit3A_2871, %eq3A_2872 : i32
      %jit3A_2874 = arith.constant 1 : i32
      %select_n3A_2875 = arith.select %eq3A_2873, %jit3A_2874, %jit3A_2871 : i32
      %rem3A_2876 = arith.remsi %add3A_2846, %select_n3A_2875 : i32
      %ne3A_2877 = arith.constant 0 : i32
      %ne3A_2878 = arith.cmpi ne, %rem3A_2876, %ne3A_2877 : i32
      %lt3A_2879 = arith.constant 0 : i32
      %lt3A_2880 = arith.cmpi slt, %rem3A_2876, %lt3A_2879 : i32
      %lt3A_2881 = arith.constant 0 : i32
      %lt3A_2882 = arith.cmpi slt, %select_n3A_2875, %lt3A_2881 : i32
      %ne3A_2883 = arith.xori %lt3A_2880, %lt3A_2882 : i1
      %and3A_2884 = arith.andi %ne3A_2883, %ne3A_2878 : i1
      %add3A_2885 = arith.addi %rem3A_2876, %select_n3A_2875 : i32
      %select_n3A_2886 = arith.select %and3A_2884, %add3A_2885, %rem3A_2876 : i32
      %mul3A_2887 = arith.constant 64 : i32
      %mul3A_2888 = arith.muli %select_n3A_2886, %mul3A_2887 : i32
      %dma_start3A_2889 = arith.constant 9 : i32
      %dma_start3A_2890 = arith.constant 0 : i32
      %dma_start3A_2891 = arith.constant 0 : i32
      %dma_start3A_2892 = tpu.memref_slice %arg6[%dma_start3A_2889, %dma_start3A_2890, %dma_start3A_2891] : memref<10x64x128xf32, #tpu.memory_space<vmem>> -> memref<1x64x128xf32, #tpu.memory_space<vmem>>
      %dma_start3A_2893 = tpu.memref_squeeze %dma_start3A_2892 : memref<1x64x128xf32, #tpu.memory_space<vmem>> -> memref<64x128xf32, #tpu.memory_space<vmem>>
      %dma_start3A_2894 = tpu.memref_slice %arg5[%select_n3A_2870, %mul3A_2888] : memref<50x128xi32, #tpu.memory_space<vmem>> -> memref<1x64xi32, #tpu.memory_space<vmem>>
      %dma_start3A_2895 = tpu.memref_squeeze %dma_start3A_2894 : memref<1x64xi32, #tpu.memory_space<vmem>> -> memref<64xi32, #tpu.memory_space<vmem>>
      %dma_start3A_2896 = arith.constant 0 : i32
      %dma_start3A_2897 = arith.constant 0 : i32
      %dma_start3A_2898 = tpu.memref_slice %arg3[%dma_start3A_2896, %dma_start3A_2897] : memref<100000x128xf32, #tpu.memory_space<hbm>> -> memref<100000x128xf32, #tpu.memory_space<hbm>>
      tpu.enqueue_indirect_dma source(%dma_start3A_2898 : memref<100000x128xf32, #tpu.memory_space<hbm>>) target(%dma_start3A_2893 : memref<64x128xf32, #tpu.memory_space<vmem>>) offsets(%dma_start3A_2895 : memref<64xi32, #tpu.memory_space<vmem>>) semaphore(%arg16 : memref<!tpu.dma_semaphore, #tpu.memory_space<semaphore_mem>>)
    }
    %scan3A_126 = arith.constant 9 : i32
    %dma_wait3A = arith.constant 45 : i32
    %dma_wait3A_127 = arith.constant 0 : i32
    %dma_wait3A_128 = arith.constant 0 : i32
    %dma_wait3A_129 = arith.constant 0 : i32
    %dma_wait3A_130 = tpu.memref_slice %arg6[%dma_wait3A_127, %dma_wait3A_128, %dma_wait3A_129] : memref<10x64x128xf32, #tpu.memory_space<vmem>> -> memref<1x64x128xf32, #tpu.memory_space<vmem>>
    %dma_wait3A_131 = tpu.memref_squeeze %dma_wait3A_130 : memref<1x64x128xf32, #tpu.memory_space<vmem>> -> memref<64x128xf32, #tpu.memory_space<vmem>>
    %dma_wait3A_132 = arith.constant 0 : i32
    %dma_wait3A_133 = tpu.memref_slice %arg5[%dma_wait3A, %dma_wait3A_132] : memref<50x128xi32, #tpu.memory_space<vmem>> -> memref<1x64xi32, #tpu.memory_space<vmem>>
    %dma_wait3A_134 = tpu.memref_squeeze %dma_wait3A_133 : memref<1x64xi32, #tpu.memory_space<vmem>> -> memref<64xi32, #tpu.memory_space<vmem>>
    %dma_wait3A_135 = arith.constant 0 : i32
    %dma_wait3A_136 = arith.constant 0 : i32
    %dma_wait3A_137 = tpu.memref_slice %arg3[%dma_wait3A_135, %dma_wait3A_136] : memref<100000x128xf32, #tpu.memory_space<hbm>> -> memref<100000x128xf32, #tpu.memory_space<hbm>>
    tpu.wait_indirect_dma semaphore(%arg7 : memref<!tpu.dma_semaphore, #tpu.memory_space<semaphore_mem>>) src(%dma_wait3A_137 : memref<100000x128xf32, #tpu.memory_space<hbm>>) dst(%dma_wait3A_131 : memref<64x128xf32, #tpu.memory_space<vmem>>)
    %add3A_138 = arith.constant 0 : i32
    %add3A_139 = arith.addi %mul3A_2, %add3A_138 : i32
    %dma_start3A_140 = arith.constant 0 : i32
    %dma_start3A_141 = arith.constant 45 : i32
    %dma_start3A_142 = arith.constant 0 : i32
    %dma_start3A_143 = arith.constant 0 : i32
    %dma_start3A_144 = tpu.memref_slice %arg6[%dma_start3A_140, %dma_start3A_142, %dma_start3A_143] : memref<10x64x128xf32, #tpu.memory_space<vmem>> -> memref<1x64x128xf32, #tpu.memory_space<vmem>>
    %dma_start3A_145 = tpu.memref_squeeze %dma_start3A_144 : memref<1x64x128xf32, #tpu.memory_space<vmem>> -> memref<64x128xf32, #tpu.memory_space<vmem>>
    %dma_start3A_146 = arith.constant 0 : i32
    %dma_start3A_147 = tpu.memref_slice %arg4[%dma_start3A_141, %add3A_139, %dma_start3A_146] : memref<50x4096x128xf32, #tpu.memory_space<hbm>> -> memref<1x64x128xf32, #tpu.memory_space<hbm>>
    %dma_start3A_148 = tpu.memref_squeeze %dma_start3A_147 : memref<1x64x128xf32, #tpu.memory_space<hbm>> -> memref<64x128xf32, #tpu.memory_space<hbm>>
    %dma_start3A_149 = arith.constant 0 : i32
    %dma_start3A_150 = tpu.memref_slice %arg4[%dma_start3A_141, %add3A_139, %dma_start3A_149] : memref<50x4096x128xf32, #tpu.memory_space<hbm>> -> memref<1x64x128xf32, #tpu.memory_space<hbm>>
    %dma_start3A_151 = tpu.memref_squeeze %dma_start3A_150 : memref<1x64x128xf32, #tpu.memory_space<hbm>> -> memref<64x128xf32, #tpu.memory_space<hbm>>
    %dma_start3A_152 = arith.constant 0 : i32
    %dma_start3A_153 = arith.constant 0 : i32
    %dma_start3A_154 = tpu.memref_slice %arg6[%dma_start3A_140, %dma_start3A_152, %dma_start3A_153] : memref<10x64x128xf32, #tpu.memory_space<vmem>> -> memref<1x64x128xf32, #tpu.memory_space<vmem>>
    %dma_start3A_155 = tpu.memref_squeeze %dma_start3A_154 : memref<1x64x128xf32, #tpu.memory_space<vmem>> -> memref<64x128xf32, #tpu.memory_space<vmem>>
    tpu.enqueue_dma source(%dma_start3A_155 : memref<64x128xf32, #tpu.memory_space<vmem>>) target(%dma_start3A_151 : memref<64x128xf32, #tpu.memory_space<hbm>>) target_semaphore(%arg17 : memref<!tpu.dma_semaphore, #tpu.memory_space<semaphore_mem>>)
    %dma_wait3A_156 = arith.constant 45 : i32
    %dma_wait3A_157 = arith.constant 1 : i32
    %dma_wait3A_158 = arith.constant 0 : i32
    %dma_wait3A_159 = arith.constant 0 : i32
    %dma_wait3A_160 = tpu.memref_slice %arg6[%dma_wait3A_157, %dma_wait3A_158, %dma_wait3A_159] : memref<10x64x128xf32, #tpu.memory_space<vmem>> -> memref<1x64x128xf32, #tpu.memory_space<vmem>>
    %dma_wait3A_161 = tpu.memref_squeeze %dma_wait3A_160 : memref<1x64x128xf32, #tpu.memory_space<vmem>> -> memref<64x128xf32, #tpu.memory_space<vmem>>
    %dma_wait3A_162 = arith.constant 64 : i32
    %dma_wait3A_163 = tpu.memref_slice %arg5[%dma_wait3A_156, %dma_wait3A_162] : memref<50x128xi32, #tpu.memory_space<vmem>> -> memref<1x64xi32, #tpu.memory_space<vmem>>
    %dma_wait3A_164 = tpu.memref_squeeze %dma_wait3A_163 : memref<1x64xi32, #tpu.memory_space<vmem>> -> memref<64xi32, #tpu.memory_space<vmem>>
    %dma_wait3A_165 = arith.constant 0 : i32
    %dma_wait3A_166 = arith.constant 0 : i32
    %dma_wait3A_167 = tpu.memref_slice %arg3[%dma_wait3A_165, %dma_wait3A_166] : memref<100000x128xf32, #tpu.memory_space<hbm>> -> memref<100000x128xf32, #tpu.memory_space<hbm>>
    tpu.wait_indirect_dma semaphore(%arg8 : memref<!tpu.dma_semaphore, #tpu.memory_space<semaphore_mem>>) src(%dma_wait3A_167 : memref<100000x128xf32, #tpu.memory_space<hbm>>) dst(%dma_wait3A_161 : memref<64x128xf32, #tpu.memory_space<vmem>>)
    %add3A_168 = arith.constant 64 : i32
    %add3A_169 = arith.addi %mul3A_2, %add3A_168 : i32
    %dma_start3A_170 = arith.constant 1 : i32
    %dma_start3A_171 = arith.constant 45 : i32
    %dma_start3A_172 = arith.constant 0 : i32
    %dma_start3A_173 = arith.constant 0 : i32
    %dma_start3A_174 = tpu.memref_slice %arg6[%dma_start3A_170, %dma_start3A_172, %dma_start3A_173] : memref<10x64x128xf32, #tpu.memory_space<vmem>> -> memref<1x64x128xf32, #tpu.memory_space<vmem>>
    %dma_start3A_175 = tpu.memref_squeeze %dma_start3A_174 : memref<1x64x128xf32, #tpu.memory_space<vmem>> -> memref<64x128xf32, #tpu.memory_space<vmem>>
    %dma_start3A_176 = arith.constant 0 : i32
    %dma_start3A_177 = tpu.memref_slice %arg4[%dma_start3A_171, %add3A_169, %dma_start3A_176] : memref<50x4096x128xf32, #tpu.memory_space<hbm>> -> memref<1x64x128xf32, #tpu.memory_space<hbm>>
    %dma_start3A_178 = tpu.memref_squeeze %dma_start3A_177 : memref<1x64x128xf32, #tpu.memory_space<hbm>> -> memref<64x128xf32, #tpu.memory_space<hbm>>
    %dma_start3A_179 = arith.constant 0 : i32
    %dma_start3A_180 = tpu.memref_slice %arg4[%dma_start3A_171, %add3A_169, %dma_start3A_179] : memref<50x4096x128xf32, #tpu.memory_space<hbm>> -> memref<1x64x128xf32, #tpu.memory_space<hbm>>
    %dma_start3A_181 = tpu.memref_squeeze %dma_start3A_180 : memref<1x64x128xf32, #tpu.memory_space<hbm>> -> memref<64x128xf32, #tpu.memory_space<hbm>>
    %dma_start3A_182 = arith.constant 0 : i32
    %dma_start3A_183 = arith.constant 0 : i32
    %dma_start3A_184 = tpu.memref_slice %arg6[%dma_start3A_170, %dma_start3A_182, %dma_start3A_183] : memref<10x64x128xf32, #tpu.memory_space<vmem>> -> memref<1x64x128xf32, #tpu.memory_space<vmem>>
    %dma_start3A_185 = tpu.memref_squeeze %dma_start3A_184 : memref<1x64x128xf32, #tpu.memory_space<vmem>> -> memref<64x128xf32, #tpu.memory_space<vmem>>
    tpu.enqueue_dma source(%dma_start3A_185 : memref<64x128xf32, #tpu.memory_space<vmem>>) target(%dma_start3A_181 : memref<64x128xf32, #tpu.memory_space<hbm>>) target_semaphore(%arg18 : memref<!tpu.dma_semaphore, #tpu.memory_space<semaphore_mem>>)
    %dma_wait3A_186 = arith.constant 46 : i32
    %dma_wait3A_187 = arith.constant 2 : i32
    %dma_wait3A_188 = arith.constant 0 : i32
    %dma_wait3A_189 = arith.constant 0 : i32
    %dma_wait3A_190 = tpu.memref_slice %arg6[%dma_wait3A_187, %dma_wait3A_188, %dma_wait3A_189] : memref<10x64x128xf32, #tpu.memory_space<vmem>> -> memref<1x64x128xf32, #tpu.memory_space<vmem>>
    %dma_wait3A_191 = tpu.memref_squeeze %dma_wait3A_190 : memref<1x64x128xf32, #tpu.memory_space<vmem>> -> memref<64x128xf32, #tpu.memory_space<vmem>>
    %dma_wait3A_192 = arith.constant 0 : i32
    %dma_wait3A_193 = tpu.memref_slice %arg5[%dma_wait3A_186, %dma_wait3A_192] : memref<50x128xi32, #tpu.memory_space<vmem>> -> memref<1x64xi32, #tpu.memory_space<vmem>>
    %dma_wait3A_194 = tpu.memref_squeeze %dma_wait3A_193 : memref<1x64xi32, #tpu.memory_space<vmem>> -> memref<64xi32, #tpu.memory_space<vmem>>
    %dma_wait3A_195 = arith.constant 0 : i32
    %dma_wait3A_196 = arith.constant 0 : i32
    %dma_wait3A_197 = tpu.memref_slice %arg3[%dma_wait3A_195, %dma_wait3A_196] : memref<100000x128xf32, #tpu.memory_space<hbm>> -> memref<100000x128xf32, #tpu.memory_space<hbm>>
    tpu.wait_indirect_dma semaphore(%arg9 : memref<!tpu.dma_semaphore, #tpu.memory_space<semaphore_mem>>) src(%dma_wait3A_197 : memref<100000x128xf32, #tpu.memory_space<hbm>>) dst(%dma_wait3A_191 : memref<64x128xf32, #tpu.memory_space<vmem>>)
    %add3A_198 = arith.constant 0 : i32
    %add3A_199 = arith.addi %mul3A_2, %add3A_198 : i32
    %dma_start3A_200 = arith.constant 2 : i32
    %dma_start3A_201 = arith.constant 46 : i32
    %dma_start3A_202 = arith.constant 0 : i32
    %dma_start3A_203 = arith.constant 0 : i32
    %dma_start3A_204 = tpu.memref_slice %arg6[%dma_start3A_200, %dma_start3A_202, %dma_start3A_203] : memref<10x64x128xf32, #tpu.memory_space<vmem>> -> memref<1x64x128xf32, #tpu.memory_space<vmem>>
    %dma_start3A_205 = tpu.memref_squeeze %dma_start3A_204 : memref<1x64x128xf32, #tpu.memory_space<vmem>> -> memref<64x128xf32, #tpu.memory_space<vmem>>
    %dma_start3A_206 = arith.constant 0 : i32
    %dma_start3A_207 = tpu.memref_slice %arg4[%dma_start3A_201, %add3A_199, %dma_start3A_206] : memref<50x4096x128xf32, #tpu.memory_space<hbm>> -> memref<1x64x128xf32, #tpu.memory_space<hbm>>
    %dma_start3A_208 = tpu.memref_squeeze %dma_start3A_207 : memref<1x64x128xf32, #tpu.memory_space<hbm>> -> memref<64x128xf32, #tpu.memory_space<hbm>>
    %dma_start3A_209 = arith.constant 0 : i32
    %dma_start3A_210 = tpu.memref_slice %arg4[%dma_start3A_201, %add3A_199, %dma_start3A_209] : memref<50x4096x128xf32, #tpu.memory_space<hbm>> -> memref<1x64x128xf32, #tpu.memory_space<hbm>>
    %dma_start3A_211 = tpu.memref_squeeze %dma_start3A_210 : memref<1x64x128xf32, #tpu.memory_space<hbm>> -> memref<64x128xf32, #tpu.memory_space<hbm>>
    %dma_start3A_212 = arith.constant 0 : i32
    %dma_start3A_213 = arith.constant 0 : i32
    %dma_start3A_214 = tpu.memref_slice %arg6[%dma_start3A_200, %dma_start3A_212, %dma_start3A_213] : memref<10x64x128xf32, #tpu.memory_space<vmem>> -> memref<1x64x128xf32, #tpu.memory_space<vmem>>
    %dma_start3A_215 = tpu.memref_squeeze %dma_start3A_214 : memref<1x64x128xf32, #tpu.memory_space<vmem>> -> memref<64x128xf32, #tpu.memory_space<vmem>>
    tpu.enqueue_dma source(%dma_start3A_215 : memref<64x128xf32, #tpu.memory_space<vmem>>) target(%dma_start3A_211 : memref<64x128xf32, #tpu.memory_space<hbm>>) target_semaphore(%arg19 : memref<!tpu.dma_semaphore, #tpu.memory_space<semaphore_mem>>)
    %dma_wait3A_216 = arith.constant 46 : i32
    %dma_wait3A_217 = arith.constant 3 : i32
    %dma_wait3A_218 = arith.constant 0 : i32
    %dma_wait3A_219 = arith.constant 0 : i32
    %dma_wait3A_220 = tpu.memref_slice %arg6[%dma_wait3A_217, %dma_wait3A_218, %dma_wait3A_219] : memref<10x64x128xf32, #tpu.memory_space<vmem>> -> memref<1x64x128xf32, #tpu.memory_space<vmem>>
    %dma_wait3A_221 = tpu.memref_squeeze %dma_wait3A_220 : memref<1x64x128xf32, #tpu.memory_space<vmem>> -> memref<64x128xf32, #tpu.memory_space<vmem>>
    %dma_wait3A_222 = arith.constant 64 : i32
    %dma_wait3A_223 = tpu.memref_slice %arg5[%dma_wait3A_216, %dma_wait3A_222] : memref<50x128xi32, #tpu.memory_space<vmem>> -> memref<1x64xi32, #tpu.memory_space<vmem>>
    %dma_wait3A_224 = tpu.memref_squeeze %dma_wait3A_223 : memref<1x64xi32, #tpu.memory_space<vmem>> -> memref<64xi32, #tpu.memory_space<vmem>>
    %dma_wait3A_225 = arith.constant 0 : i32
    %dma_wait3A_226 = arith.constant 0 : i32
    %dma_wait3A_227 = tpu.memref_slice %arg3[%dma_wait3A_225, %dma_wait3A_226] : memref<100000x128xf32, #tpu.memory_space<hbm>> -> memref<100000x128xf32, #tpu.memory_space<hbm>>
    tpu.wait_indirect_dma semaphore(%arg10 : memref<!tpu.dma_semaphore, #tpu.memory_space<semaphore_mem>>) src(%dma_wait3A_227 : memref<100000x128xf32, #tpu.memory_space<hbm>>) dst(%dma_wait3A_221 : memref<64x128xf32, #tpu.memory_space<vmem>>)
    %add3A_228 = arith.constant 64 : i32
    %add3A_229 = arith.addi %mul3A_2, %add3A_228 : i32
    %dma_start3A_230 = arith.constant 3 : i32
    %dma_start3A_231 = arith.constant 46 : i32
    %dma_start3A_232 = arith.constant 0 : i32
    %dma_start3A_233 = arith.constant 0 : i32
    %dma_start3A_234 = tpu.memref_slice %arg6[%dma_start3A_230, %dma_start3A_232, %dma_start3A_233] : memref<10x64x128xf32, #tpu.memory_space<vmem>> -> memref<1x64x128xf32, #tpu.memory_space<vmem>>
    %dma_start3A_235 = tpu.memref_squeeze %dma_start3A_234 : memref<1x64x128xf32, #tpu.memory_space<vmem>> -> memref<64x128xf32, #tpu.memory_space<vmem>>
    %dma_start3A_236 = arith.constant 0 : i32
    %dma_start3A_237 = tpu.memref_slice %arg4[%dma_start3A_231, %add3A_229, %dma_start3A_236] : memref<50x4096x128xf32, #tpu.memory_space<hbm>> -> memref<1x64x128xf32, #tpu.memory_space<hbm>>
    %dma_start3A_238 = tpu.memref_squeeze %dma_start3A_237 : memref<1x64x128xf32, #tpu.memory_space<hbm>> -> memref<64x128xf32, #tpu.memory_space<hbm>>
    %dma_start3A_239 = arith.constant 0 : i32
    %dma_start3A_240 = tpu.memref_slice %arg4[%dma_start3A_231, %add3A_229, %dma_start3A_239] : memref<50x4096x128xf32, #tpu.memory_space<hbm>> -> memref<1x64x128xf32, #tpu.memory_space<hbm>>
    %dma_start3A_241 = tpu.memref_squeeze %dma_start3A_240 : memref<1x64x128xf32, #tpu.memory_space<hbm>> -> memref<64x128xf32, #tpu.memory_space<hbm>>
    %dma_start3A_242 = arith.constant 0 : i32
    %dma_start3A_243 = arith.constant 0 : i32
    %dma_start3A_244 = tpu.memref_slice %arg6[%dma_start3A_230, %dma_start3A_242, %dma_start3A_243] : memref<10x64x128xf32, #tpu.memory_space<vmem>> -> memref<1x64x128xf32, #tpu.memory_space<vmem>>
    %dma_start3A_245 = tpu.memref_squeeze %dma_start3A_244 : memref<1x64x128xf32, #tpu.memory_space<vmem>> -> memref<64x128xf32, #tpu.memory_space<vmem>>
    tpu.enqueue_dma source(%dma_start3A_245 : memref<64x128xf32, #tpu.memory_space<vmem>>) target(%dma_start3A_241 : memref<64x128xf32, #tpu.memory_space<hbm>>) target_semaphore(%arg20 : memref<!tpu.dma_semaphore, #tpu.memory_space<semaphore_mem>>)
    %dma_wait3A_246 = arith.constant 47 : i32
    %dma_wait3A_247 = arith.constant 4 : i32
    %dma_wait3A_248 = arith.constant 0 : i32
    %dma_wait3A_249 = arith.constant 0 : i32
    %dma_wait3A_250 = tpu.memref_slice %arg6[%dma_wait3A_247, %dma_wait3A_248, %dma_wait3A_249] : memref<10x64x128xf32, #tpu.memory_space<vmem>> -> memref<1x64x128xf32, #tpu.memory_space<vmem>>
    %dma_wait3A_251 = tpu.memref_squeeze %dma_wait3A_250 : memref<1x64x128xf32, #tpu.memory_space<vmem>> -> memref<64x128xf32, #tpu.memory_space<vmem>>
    %dma_wait3A_252 = arith.constant 0 : i32
    %dma_wait3A_253 = tpu.memref_slice %arg5[%dma_wait3A_246, %dma_wait3A_252] : memref<50x128xi32, #tpu.memory_space<vmem>> -> memref<1x64xi32, #tpu.memory_space<vmem>>
    %dma_wait3A_254 = tpu.memref_squeeze %dma_wait3A_253 : memref<1x64xi32, #tpu.memory_space<vmem>> -> memref<64xi32, #tpu.memory_space<vmem>>
    %dma_wait3A_255 = arith.constant 0 : i32
    %dma_wait3A_256 = arith.constant 0 : i32
    %dma_wait3A_257 = tpu.memref_slice %arg3[%dma_wait3A_255, %dma_wait3A_256] : memref<100000x128xf32, #tpu.memory_space<hbm>> -> memref<100000x128xf32, #tpu.memory_space<hbm>>
    tpu.wait_indirect_dma semaphore(%arg11 : memref<!tpu.dma_semaphore, #tpu.memory_space<semaphore_mem>>) src(%dma_wait3A_257 : memref<100000x128xf32, #tpu.memory_space<hbm>>) dst(%dma_wait3A_251 : memref<64x128xf32, #tpu.memory_space<vmem>>)
    %add3A_258 = arith.constant 0 : i32
    %add3A_259 = arith.addi %mul3A_2, %add3A_258 : i32
    %dma_start3A_260 = arith.constant 4 : i32
    %dma_start3A_261 = arith.constant 47 : i32
    %dma_start3A_262 = arith.constant 0 : i32
    %dma_start3A_263 = arith.constant 0 : i32
    %dma_start3A_264 = tpu.memref_slice %arg6[%dma_start3A_260, %dma_start3A_262, %dma_start3A_263] : memref<10x64x128xf32, #tpu.memory_space<vmem>> -> memref<1x64x128xf32, #tpu.memory_space<vmem>>
    %dma_start3A_265 = tpu.memref_squeeze %dma_start3A_264 : memref<1x64x128xf32, #tpu.memory_space<vmem>> -> memref<64x128xf32, #tpu.memory_space<vmem>>
    %dma_start3A_266 = arith.constant 0 : i32
    %dma_start3A_267 = tpu.memref_slice %arg4[%dma_start3A_261, %add3A_259, %dma_start3A_266] : memref<50x4096x128xf32, #tpu.memory_space<hbm>> -> memref<1x64x128xf32, #tpu.memory_space<hbm>>
    %dma_start3A_268 = tpu.memref_squeeze %dma_start3A_267 : memref<1x64x128xf32, #tpu.memory_space<hbm>> -> memref<64x128xf32, #tpu.memory_space<hbm>>
    %dma_start3A_269 = arith.constant 0 : i32
    %dma_start3A_270 = tpu.memref_slice %arg4[%dma_start3A_261, %add3A_259, %dma_start3A_269] : memref<50x4096x128xf32, #tpu.memory_space<hbm>> -> memref<1x64x128xf32, #tpu.memory_space<hbm>>
    %dma_start3A_271 = tpu.memref_squeeze %dma_start3A_270 : memref<1x64x128xf32, #tpu.memory_space<hbm>> -> memref<64x128xf32, #tpu.memory_space<hbm>>
    %dma_start3A_272 = arith.constant 0 : i32
    %dma_start3A_273 = arith.constant 0 : i32
    %dma_start3A_274 = tpu.memref_slice %arg6[%dma_start3A_260, %dma_start3A_272, %dma_start3A_273] : memref<10x64x128xf32, #tpu.memory_space<vmem>> -> memref<1x64x128xf32, #tpu.memory_space<vmem>>
    %dma_start3A_275 = tpu.memref_squeeze %dma_start3A_274 : memref<1x64x128xf32, #tpu.memory_space<vmem>> -> memref<64x128xf32, #tpu.memory_space<vmem>>
    tpu.enqueue_dma source(%dma_start3A_275 : memref<64x128xf32, #tpu.memory_space<vmem>>) target(%dma_start3A_271 : memref<64x128xf32, #tpu.memory_space<hbm>>) target_semaphore(%arg21 : memref<!tpu.dma_semaphore, #tpu.memory_space<semaphore_mem>>)
    %dma_wait3A_276 = arith.constant 47 : i32
    %dma_wait3A_277 = arith.constant 5 : i32
    %dma_wait3A_278 = arith.constant 0 : i32
    %dma_wait3A_279 = arith.constant 0 : i32
    %dma_wait3A_280 = tpu.memref_slice %arg6[%dma_wait3A_277, %dma_wait3A_278, %dma_wait3A_279] : memref<10x64x128xf32, #tpu.memory_space<vmem>> -> memref<1x64x128xf32, #tpu.memory_space<vmem>>
    %dma_wait3A_281 = tpu.memref_squeeze %dma_wait3A_280 : memref<1x64x128xf32, #tpu.memory_space<vmem>> -> memref<64x128xf32, #tpu.memory_space<vmem>>
    %dma_wait3A_282 = arith.constant 64 : i32
    %dma_wait3A_283 = tpu.memref_slice %arg5[%dma_wait3A_276, %dma_wait3A_282] : memref<50x128xi32, #tpu.memory_space<vmem>> -> memref<1x64xi32, #tpu.memory_space<vmem>>
    %dma_wait3A_284 = tpu.memref_squeeze %dma_wait3A_283 : memref<1x64xi32, #tpu.memory_space<vmem>> -> memref<64xi32, #tpu.memory_space<vmem>>
    %dma_wait3A_285 = arith.constant 0 : i32
    %dma_wait3A_286 = arith.constant 0 : i32
    %dma_wait3A_287 = tpu.memref_slice %arg3[%dma_wait3A_285, %dma_wait3A_286] : memref<100000x128xf32, #tpu.memory_space<hbm>> -> memref<100000x128xf32, #tpu.memory_space<hbm>>
    tpu.wait_indirect_dma semaphore(%arg12 : memref<!tpu.dma_semaphore, #tpu.memory_space<semaphore_mem>>) src(%dma_wait3A_287 : memref<100000x128xf32, #tpu.memory_space<hbm>>) dst(%dma_wait3A_281 : memref<64x128xf32, #tpu.memory_space<vmem>>)
    %add3A_288 = arith.constant 64 : i32
    %add3A_289 = arith.addi %mul3A_2, %add3A_288 : i32
    %dma_start3A_290 = arith.constant 5 : i32
    %dma_start3A_291 = arith.constant 47 : i32
    %dma_start3A_292 = arith.constant 0 : i32
    %dma_start3A_293 = arith.constant 0 : i32
    %dma_start3A_294 = tpu.memref_slice %arg6[%dma_start3A_290, %dma_start3A_292, %dma_start3A_293] : memref<10x64x128xf32, #tpu.memory_space<vmem>> -> memref<1x64x128xf32, #tpu.memory_space<vmem>>
    %dma_start3A_295 = tpu.memref_squeeze %dma_start3A_294 : memref<1x64x128xf32, #tpu.memory_space<vmem>> -> memref<64x128xf32, #tpu.memory_space<vmem>>
    %dma_start3A_296 = arith.constant 0 : i32
    %dma_start3A_297 = tpu.memref_slice %arg4[%dma_start3A_291, %add3A_289, %dma_start3A_296] : memref<50x4096x128xf32, #tpu.memory_space<hbm>> -> memref<1x64x128xf32, #tpu.memory_space<hbm>>
    %dma_start3A_298 = tpu.memref_squeeze %dma_start3A_297 : memref<1x64x128xf32, #tpu.memory_space<hbm>> -> memref<64x128xf32, #tpu.memory_space<hbm>>
    %dma_start3A_299 = arith.constant 0 : i32
    %dma_start3A_300 = tpu.memref_slice %arg4[%dma_start3A_291, %add3A_289, %dma_start3A_299] : memref<50x4096x128xf32, #tpu.memory_space<hbm>> -> memref<1x64x128xf32, #tpu.memory_space<hbm>>
    %dma_start3A_301 = tpu.memref_squeeze %dma_start3A_300 : memref<1x64x128xf32, #tpu.memory_space<hbm>> -> memref<64x128xf32, #tpu.memory_space<hbm>>
    %dma_start3A_302 = arith.constant 0 : i32
    %dma_start3A_303 = arith.constant 0 : i32
    %dma_start3A_304 = tpu.memref_slice %arg6[%dma_start3A_290, %dma_start3A_302, %dma_start3A_303] : memref<10x64x128xf32, #tpu.memory_space<vmem>> -> memref<1x64x128xf32, #tpu.memory_space<vmem>>
    %dma_start3A_305 = tpu.memref_squeeze %dma_start3A_304 : memref<1x64x128xf32, #tpu.memory_space<vmem>> -> memref<64x128xf32, #tpu.memory_space<vmem>>
    tpu.enqueue_dma source(%dma_start3A_305 : memref<64x128xf32, #tpu.memory_space<vmem>>) target(%dma_start3A_301 : memref<64x128xf32, #tpu.memory_space<hbm>>) target_semaphore(%arg22 : memref<!tpu.dma_semaphore, #tpu.memory_space<semaphore_mem>>)
    %dma_wait3A_306 = arith.constant 48 : i32
    %dma_wait3A_307 = arith.constant 6 : i32
    %dma_wait3A_308 = arith.constant 0 : i32
    %dma_wait3A_309 = arith.constant 0 : i32
    %dma_wait3A_310 = tpu.memref_slice %arg6[%dma_wait3A_307, %dma_wait3A_308, %dma_wait3A_309] : memref<10x64x128xf32, #tpu.memory_space<vmem>> -> memref<1x64x128xf32, #tpu.memory_space<vmem>>
    %dma_wait3A_311 = tpu.memref_squeeze %dma_wait3A_310 : memref<1x64x128xf32, #tpu.memory_space<vmem>> -> memref<64x128xf32, #tpu.memory_space<vmem>>
    %dma_wait3A_312 = arith.constant 0 : i32
    %dma_wait3A_313 = tpu.memref_slice %arg5[%dma_wait3A_306, %dma_wait3A_312] : memref<50x128xi32, #tpu.memory_space<vmem>> -> memref<1x64xi32, #tpu.memory_space<vmem>>
    %dma_wait3A_314 = tpu.memref_squeeze %dma_wait3A_313 : memref<1x64xi32, #tpu.memory_space<vmem>> -> memref<64xi32, #tpu.memory_space<vmem>>
    %dma_wait3A_315 = arith.constant 0 : i32
    %dma_wait3A_316 = arith.constant 0 : i32
    %dma_wait3A_317 = tpu.memref_slice %arg3[%dma_wait3A_315, %dma_wait3A_316] : memref<100000x128xf32, #tpu.memory_space<hbm>> -> memref<100000x128xf32, #tpu.memory_space<hbm>>
    tpu.wait_indirect_dma semaphore(%arg13 : memref<!tpu.dma_semaphore, #tpu.memory_space<semaphore_mem>>) src(%dma_wait3A_317 : memref<100000x128xf32, #tpu.memory_space<hbm>>) dst(%dma_wait3A_311 : memref<64x128xf32, #tpu.memory_space<vmem>>)
    %add3A_318 = arith.constant 0 : i32
    %add3A_319 = arith.addi %mul3A_2, %add3A_318 : i32
    %dma_start3A_320 = arith.constant 6 : i32
    %dma_start3A_321 = arith.constant 48 : i32
    %dma_start3A_322 = arith.constant 0 : i32
    %dma_start3A_323 = arith.constant 0 : i32
    %dma_start3A_324 = tpu.memref_slice %arg6[%dma_start3A_320, %dma_start3A_322, %dma_start3A_323] : memref<10x64x128xf32, #tpu.memory_space<vmem>> -> memref<1x64x128xf32, #tpu.memory_space<vmem>>
    %dma_start3A_325 = tpu.memref_squeeze %dma_start3A_324 : memref<1x64x128xf32, #tpu.memory_space<vmem>> -> memref<64x128xf32, #tpu.memory_space<vmem>>
    %dma_start3A_326 = arith.constant 0 : i32
    %dma_start3A_327 = tpu.memref_slice %arg4[%dma_start3A_321, %add3A_319, %dma_start3A_326] : memref<50x4096x128xf32, #tpu.memory_space<hbm>> -> memref<1x64x128xf32, #tpu.memory_space<hbm>>
    %dma_start3A_328 = tpu.memref_squeeze %dma_start3A_327 : memref<1x64x128xf32, #tpu.memory_space<hbm>> -> memref<64x128xf32, #tpu.memory_space<hbm>>
    %dma_start3A_329 = arith.constant 0 : i32
    %dma_start3A_330 = tpu.memref_slice %arg4[%dma_start3A_321, %add3A_319, %dma_start3A_329] : memref<50x4096x128xf32, #tpu.memory_space<hbm>> -> memref<1x64x128xf32, #tpu.memory_space<hbm>>
    %dma_start3A_331 = tpu.memref_squeeze %dma_start3A_330 : memref<1x64x128xf32, #tpu.memory_space<hbm>> -> memref<64x128xf32, #tpu.memory_space<hbm>>
    %dma_start3A_332 = arith.constant 0 : i32
    %dma_start3A_333 = arith.constant 0 : i32
    %dma_start3A_334 = tpu.memref_slice %arg6[%dma_start3A_320, %dma_start3A_332, %dma_start3A_333] : memref<10x64x128xf32, #tpu.memory_space<vmem>> -> memref<1x64x128xf32, #tpu.memory_space<vmem>>
    %dma_start3A_335 = tpu.memref_squeeze %dma_start3A_334 : memref<1x64x128xf32, #tpu.memory_space<vmem>> -> memref<64x128xf32, #tpu.memory_space<vmem>>
    tpu.enqueue_dma source(%dma_start3A_335 : memref<64x128xf32, #tpu.memory_space<vmem>>) target(%dma_start3A_331 : memref<64x128xf32, #tpu.memory_space<hbm>>) target_semaphore(%arg23 : memref<!tpu.dma_semaphore, #tpu.memory_space<semaphore_mem>>)
    %dma_wait3A_336 = arith.constant 48 : i32
    %dma_wait3A_337 = arith.constant 7 : i32
    %dma_wait3A_338 = arith.constant 0 : i32
    %dma_wait3A_339 = arith.constant 0 : i32
    %dma_wait3A_340 = tpu.memref_slice %arg6[%dma_wait3A_337, %dma_wait3A_338, %dma_wait3A_339] : memref<10x64x128xf32, #tpu.memory_space<vmem>> -> memref<1x64x128xf32, #tpu.memory_space<vmem>>
    %dma_wait3A_341 = tpu.memref_squeeze %dma_wait3A_340 : memref<1x64x128xf32, #tpu.memory_space<vmem>> -> memref<64x128xf32, #tpu.memory_space<vmem>>
    %dma_wait3A_342 = arith.constant 64 : i32
    %dma_wait3A_343 = tpu.memref_slice %arg5[%dma_wait3A_336, %dma_wait3A_342] : memref<50x128xi32, #tpu.memory_space<vmem>> -> memref<1x64xi32, #tpu.memory_space<vmem>>
    %dma_wait3A_344 = tpu.memref_squeeze %dma_wait3A_343 : memref<1x64xi32, #tpu.memory_space<vmem>> -> memref<64xi32, #tpu.memory_space<vmem>>
    %dma_wait3A_345 = arith.constant 0 : i32
    %dma_wait3A_346 = arith.constant 0 : i32
    %dma_wait3A_347 = tpu.memref_slice %arg3[%dma_wait3A_345, %dma_wait3A_346] : memref<100000x128xf32, #tpu.memory_space<hbm>> -> memref<100000x128xf32, #tpu.memory_space<hbm>>
    tpu.wait_indirect_dma semaphore(%arg14 : memref<!tpu.dma_semaphore, #tpu.memory_space<semaphore_mem>>) src(%dma_wait3A_347 : memref<100000x128xf32, #tpu.memory_space<hbm>>) dst(%dma_wait3A_341 : memref<64x128xf32, #tpu.memory_space<vmem>>)
    %add3A_348 = arith.constant 64 : i32
    %add3A_349 = arith.addi %mul3A_2, %add3A_348 : i32
    %dma_start3A_350 = arith.constant 7 : i32
    %dma_start3A_351 = arith.constant 48 : i32
    %dma_start3A_352 = arith.constant 0 : i32
    %dma_start3A_353 = arith.constant 0 : i32
    %dma_start3A_354 = tpu.memref_slice %arg6[%dma_start3A_350, %dma_start3A_352, %dma_start3A_353] : memref<10x64x128xf32, #tpu.memory_space<vmem>> -> memref<1x64x128xf32, #tpu.memory_space<vmem>>
    %dma_start3A_355 = tpu.memref_squeeze %dma_start3A_354 : memref<1x64x128xf32, #tpu.memory_space<vmem>> -> memref<64x128xf32, #tpu.memory_space<vmem>>
    %dma_start3A_356 = arith.constant 0 : i32
    %dma_start3A_357 = tpu.memref_slice %arg4[%dma_start3A_351, %add3A_349, %dma_start3A_356] : memref<50x4096x128xf32, #tpu.memory_space<hbm>> -> memref<1x64x128xf32, #tpu.memory_space<hbm>>
    %dma_start3A_358 = tpu.memref_squeeze %dma_start3A_357 : memref<1x64x128xf32, #tpu.memory_space<hbm>> -> memref<64x128xf32, #tpu.memory_space<hbm>>
    %dma_start3A_359 = arith.constant 0 : i32
    %dma_start3A_360 = tpu.memref_slice %arg4[%dma_start3A_351, %add3A_349, %dma_start3A_359] : memref<50x4096x128xf32, #tpu.memory_space<hbm>> -> memref<1x64x128xf32, #tpu.memory_space<hbm>>
    %dma_start3A_361 = tpu.memref_squeeze %dma_start3A_360 : memref<1x64x128xf32, #tpu.memory_space<hbm>> -> memref<64x128xf32, #tpu.memory_space<hbm>>
    %dma_start3A_362 = arith.constant 0 : i32
    %dma_start3A_363 = arith.constant 0 : i32
    %dma_start3A_364 = tpu.memref_slice %arg6[%dma_start3A_350, %dma_start3A_362, %dma_start3A_363] : memref<10x64x128xf32, #tpu.memory_space<vmem>> -> memref<1x64x128xf32, #tpu.memory_space<vmem>>
    %dma_start3A_365 = tpu.memref_squeeze %dma_start3A_364 : memref<1x64x128xf32, #tpu.memory_space<vmem>> -> memref<64x128xf32, #tpu.memory_space<vmem>>
    tpu.enqueue_dma source(%dma_start3A_365 : memref<64x128xf32, #tpu.memory_space<vmem>>) target(%dma_start3A_361 : memref<64x128xf32, #tpu.memory_space<hbm>>) target_semaphore(%arg24 : memref<!tpu.dma_semaphore, #tpu.memory_space<semaphore_mem>>)
    %dma_wait3A_366 = arith.constant 49 : i32
    %dma_wait3A_367 = arith.constant 8 : i32
    %dma_wait3A_368 = arith.constant 0 : i32
    %dma_wait3A_369 = arith.constant 0 : i32
    %dma_wait3A_370 = tpu.memref_slice %arg6[%dma_wait3A_367, %dma_wait3A_368, %dma_wait3A_369] : memref<10x64x128xf32, #tpu.memory_space<vmem>> -> memref<1x64x128xf32, #tpu.memory_space<vmem>>
    %dma_wait3A_371 = tpu.memref_squeeze %dma_wait3A_370 : memref<1x64x128xf32, #tpu.memory_space<vmem>> -> memref<64x128xf32, #tpu.memory_space<vmem>>
    %dma_wait3A_372 = arith.constant 0 : i32
    %dma_wait3A_373 = tpu.memref_slice %arg5[%dma_wait3A_366, %dma_wait3A_372] : memref<50x128xi32, #tpu.memory_space<vmem>> -> memref<1x64xi32, #tpu.memory_space<vmem>>
    %dma_wait3A_374 = tpu.memref_squeeze %dma_wait3A_373 : memref<1x64xi32, #tpu.memory_space<vmem>> -> memref<64xi32, #tpu.memory_space<vmem>>
    %dma_wait3A_375 = arith.constant 0 : i32
    %dma_wait3A_376 = arith.constant 0 : i32
    %dma_wait3A_377 = tpu.memref_slice %arg3[%dma_wait3A_375, %dma_wait3A_376] : memref<100000x128xf32, #tpu.memory_space<hbm>> -> memref<100000x128xf32, #tpu.memory_space<hbm>>
    tpu.wait_indirect_dma semaphore(%arg15 : memref<!tpu.dma_semaphore, #tpu.memory_space<semaphore_mem>>) src(%dma_wait3A_377 : memref<100000x128xf32, #tpu.memory_space<hbm>>) dst(%dma_wait3A_371 : memref<64x128xf32, #tpu.memory_space<vmem>>)
    %add3A_378 = arith.constant 0 : i32
    %add3A_379 = arith.addi %mul3A_2, %add3A_378 : i32
    %dma_start3A_380 = arith.constant 8 : i32
    %dma_start3A_381 = arith.constant 49 : i32
    %dma_start3A_382 = arith.constant 0 : i32
    %dma_start3A_383 = arith.constant 0 : i32
    %dma_start3A_384 = tpu.memref_slice %arg6[%dma_start3A_380, %dma_start3A_382, %dma_start3A_383] : memref<10x64x128xf32, #tpu.memory_space<vmem>> -> memref<1x64x128xf32, #tpu.memory_space<vmem>>
    %dma_start3A_385 = tpu.memref_squeeze %dma_start3A_384 : memref<1x64x128xf32, #tpu.memory_space<vmem>> -> memref<64x128xf32, #tpu.memory_space<vmem>>
    %dma_start3A_386 = arith.constant 0 : i32
    %dma_start3A_387 = tpu.memref_slice %arg4[%dma_start3A_381, %add3A_379, %dma_start3A_386] : memref<50x4096x128xf32, #tpu.memory_space<hbm>> -> memref<1x64x128xf32, #tpu.memory_space<hbm>>
    %dma_start3A_388 = tpu.memref_squeeze %dma_start3A_387 : memref<1x64x128xf32, #tpu.memory_space<hbm>> -> memref<64x128xf32, #tpu.memory_space<hbm>>
    %dma_start3A_389 = arith.constant 0 : i32
    %dma_start3A_390 = tpu.memref_slice %arg4[%dma_start3A_381, %add3A_379, %dma_start3A_389] : memref<50x4096x128xf32, #tpu.memory_space<hbm>> -> memref<1x64x128xf32, #tpu.memory_space<hbm>>
    %dma_start3A_391 = tpu.memref_squeeze %dma_start3A_390 : memref<1x64x128xf32, #tpu.memory_space<hbm>> -> memref<64x128xf32, #tpu.memory_space<hbm>>
    %dma_start3A_392 = arith.constant 0 : i32
    %dma_start3A_393 = arith.constant 0 : i32
    %dma_start3A_394 = tpu.memref_slice %arg6[%dma_start3A_380, %dma_start3A_392, %dma_start3A_393] : memref<10x64x128xf32, #tpu.memory_space<vmem>> -> memref<1x64x128xf32, #tpu.memory_space<vmem>>
    %dma_start3A_395 = tpu.memref_squeeze %dma_start3A_394 : memref<1x64x128xf32, #tpu.memory_space<vmem>> -> memref<64x128xf32, #tpu.memory_space<vmem>>
    tpu.enqueue_dma source(%dma_start3A_395 : memref<64x128xf32, #tpu.memory_space<vmem>>) target(%dma_start3A_391 : memref<64x128xf32, #tpu.memory_space<hbm>>) target_semaphore(%arg25 : memref<!tpu.dma_semaphore, #tpu.memory_space<semaphore_mem>>)
    %dma_wait3A_396 = arith.constant 49 : i32
    %dma_wait3A_397 = arith.constant 9 : i32
    %dma_wait3A_398 = arith.constant 0 : i32
    %dma_wait3A_399 = arith.constant 0 : i32
    %dma_wait3A_400 = tpu.memref_slice %arg6[%dma_wait3A_397, %dma_wait3A_398, %dma_wait3A_399] : memref<10x64x128xf32, #tpu.memory_space<vmem>> -> memref<1x64x128xf32, #tpu.memory_space<vmem>>
    %dma_wait3A_401 = tpu.memref_squeeze %dma_wait3A_400 : memref<1x64x128xf32, #tpu.memory_space<vmem>> -> memref<64x128xf32, #tpu.memory_space<vmem>>
    %dma_wait3A_402 = arith.constant 64 : i32
    %dma_wait3A_403 = tpu.memref_slice %arg5[%dma_wait3A_396, %dma_wait3A_402] : memref<50x128xi32, #tpu.memory_space<vmem>> -> memref<1x64xi32, #tpu.memory_space<vmem>>
    %dma_wait3A_404 = tpu.memref_squeeze %dma_wait3A_403 : memref<1x64xi32, #tpu.memory_space<vmem>> -> memref<64xi32, #tpu.memory_space<vmem>>
    %dma_wait3A_405 = arith.constant 0 : i32
    %dma_wait3A_406 = arith.constant 0 : i32
    %dma_wait3A_407 = tpu.memref_slice %arg3[%dma_wait3A_405, %dma_wait3A_406] : memref<100000x128xf32, #tpu.memory_space<hbm>> -> memref<100000x128xf32, #tpu.memory_space<hbm>>
    tpu.wait_indirect_dma semaphore(%arg16 : memref<!tpu.dma_semaphore, #tpu.memory_space<semaphore_mem>>) src(%dma_wait3A_407 : memref<100000x128xf32, #tpu.memory_space<hbm>>) dst(%dma_wait3A_401 : memref<64x128xf32, #tpu.memory_space<vmem>>)
    %add3A_408 = arith.constant 64 : i32
    %add3A_409 = arith.addi %mul3A_2, %add3A_408 : i32
    %dma_start3A_410 = arith.constant 9 : i32
    %dma_start3A_411 = arith.constant 49 : i32
    %dma_start3A_412 = arith.constant 0 : i32
    %dma_start3A_413 = arith.constant 0 : i32
    %dma_start3A_414 = tpu.memref_slice %arg6[%dma_start3A_410, %dma_start3A_412, %dma_start3A_413] : memref<10x64x128xf32, #tpu.memory_space<vmem>> -> memref<1x64x128xf32, #tpu.memory_space<vmem>>
    %dma_start3A_415 = tpu.memref_squeeze %dma_start3A_414 : memref<1x64x128xf32, #tpu.memory_space<vmem>> -> memref<64x128xf32, #tpu.memory_space<vmem>>
    %dma_start3A_416 = arith.constant 0 : i32
    %dma_start3A_417 = tpu.memref_slice %arg4[%dma_start3A_411, %add3A_409, %dma_start3A_416] : memref<50x4096x128xf32, #tpu.memory_space<hbm>> -> memref<1x64x128xf32, #tpu.memory_space<hbm>>
    %dma_start3A_418 = tpu.memref_squeeze %dma_start3A_417 : memref<1x64x128xf32, #tpu.memory_space<hbm>> -> memref<64x128xf32, #tpu.memory_space<hbm>>
    %dma_start3A_419 = arith.constant 0 : i32
    %dma_start3A_420 = tpu.memref_slice %arg4[%dma_start3A_411, %add3A_409, %dma_start3A_419] : memref<50x4096x128xf32, #tpu.memory_space<hbm>> -> memref<1x64x128xf32, #tpu.memory_space<hbm>>
    %dma_start3A_421 = tpu.memref_squeeze %dma_start3A_420 : memref<1x64x128xf32, #tpu.memory_space<hbm>> -> memref<64x128xf32, #tpu.memory_space<hbm>>
    %dma_start3A_422 = arith.constant 0 : i32
    %dma_start3A_423 = arith.constant 0 : i32
    %dma_start3A_424 = tpu.memref_slice %arg6[%dma_start3A_410, %dma_start3A_422, %dma_start3A_423] : memref<10x64x128xf32, #tpu.memory_space<vmem>> -> memref<1x64x128xf32, #tpu.memory_space<vmem>>
    %dma_start3A_425 = tpu.memref_squeeze %dma_start3A_424 : memref<1x64x128xf32, #tpu.memory_space<vmem>> -> memref<64x128xf32, #tpu.memory_space<vmem>>
    tpu.enqueue_dma source(%dma_start3A_425 : memref<64x128xf32, #tpu.memory_space<vmem>>) target(%dma_start3A_421 : memref<64x128xf32, #tpu.memory_space<hbm>>) target_semaphore(%arg26 : memref<!tpu.dma_semaphore, #tpu.memory_space<semaphore_mem>>)
    %add3A_426 = arith.constant 0 : i32
    %add3A_427 = arith.addi %mul3A_2, %add3A_426 : i32
    %dma_wait3A_428 = arith.constant 0 : i32
    %dma_wait3A_429 = arith.constant 45 : i32
    %dma_wait3A_430 = arith.constant 0 : i32
    %dma_wait3A_431 = arith.constant 0 : i32
    %dma_wait3A_432 = tpu.memref_slice %arg6[%dma_wait3A_428, %dma_wait3A_430, %dma_wait3A_431] : memref<10x64x128xf32, #tpu.memory_space<vmem>> -> memref<1x64x128xf32, #tpu.memory_space<vmem>>
    %dma_wait3A_433 = tpu.memref_squeeze %dma_wait3A_432 : memref<1x64x128xf32, #tpu.memory_space<vmem>> -> memref<64x128xf32, #tpu.memory_space<vmem>>
    %dma_wait3A_434 = arith.constant 0 : i32
    %dma_wait3A_435 = tpu.memref_slice %arg4[%dma_wait3A_429, %add3A_427, %dma_wait3A_434] : memref<50x4096x128xf32, #tpu.memory_space<hbm>> -> memref<1x64x128xf32, #tpu.memory_space<hbm>>
    %dma_wait3A_436 = tpu.memref_squeeze %dma_wait3A_435 : memref<1x64x128xf32, #tpu.memory_space<hbm>> -> memref<64x128xf32, #tpu.memory_space<hbm>>
    %dma_wait3A_437 = arith.constant 0 : i32
    %dma_wait3A_438 = tpu.memref_slice %arg4[%dma_wait3A_429, %add3A_427, %dma_wait3A_437] : memref<50x4096x128xf32, #tpu.memory_space<hbm>> -> memref<1x64x128xf32, #tpu.memory_space<hbm>>
    %dma_wait3A_439 = tpu.memref_squeeze %dma_wait3A_438 : memref<1x64x128xf32, #tpu.memory_space<hbm>> -> memref<64x128xf32, #tpu.memory_space<hbm>>
    %dma_wait3A_440 = arith.constant 0 : i32
    %dma_wait3A_441 = arith.constant 0 : i32
    %dma_wait3A_442 = tpu.memref_slice %arg6[%dma_wait3A_428, %dma_wait3A_440, %dma_wait3A_441] : memref<10x64x128xf32, #tpu.memory_space<vmem>> -> memref<1x64x128xf32, #tpu.memory_space<vmem>>
    %dma_wait3A_443 = tpu.memref_squeeze %dma_wait3A_442 : memref<1x64x128xf32, #tpu.memory_space<vmem>> -> memref<64x128xf32, #tpu.memory_space<vmem>>
    tpu.wait_dma2 semaphore(%arg17 : memref<!tpu.dma_semaphore, #tpu.memory_space<semaphore_mem>>) src(%dma_wait3A_443 : memref<64x128xf32, #tpu.memory_space<vmem>>) dst(%dma_wait3A_439 : memref<64x128xf32, #tpu.memory_space<hbm>>)
    %add3A_444 = arith.constant 64 : i32
    %add3A_445 = arith.addi %mul3A_2, %add3A_444 : i32
    %dma_wait3A_446 = arith.constant 1 : i32
    %dma_wait3A_447 = arith.constant 45 : i32
    %dma_wait3A_448 = arith.constant 0 : i32
    %dma_wait3A_449 = arith.constant 0 : i32
    %dma_wait3A_450 = tpu.memref_slice %arg6[%dma_wait3A_446, %dma_wait3A_448, %dma_wait3A_449] : memref<10x64x128xf32, #tpu.memory_space<vmem>> -> memref<1x64x128xf32, #tpu.memory_space<vmem>>
    %dma_wait3A_451 = tpu.memref_squeeze %dma_wait3A_450 : memref<1x64x128xf32, #tpu.memory_space<vmem>> -> memref<64x128xf32, #tpu.memory_space<vmem>>
    %dma_wait3A_452 = arith.constant 0 : i32
    %dma_wait3A_453 = tpu.memref_slice %arg4[%dma_wait3A_447, %add3A_445, %dma_wait3A_452] : memref<50x4096x128xf32, #tpu.memory_space<hbm>> -> memref<1x64x128xf32, #tpu.memory_space<hbm>>
    %dma_wait3A_454 = tpu.memref_squeeze %dma_wait3A_453 : memref<1x64x128xf32, #tpu.memory_space<hbm>> -> memref<64x128xf32, #tpu.memory_space<hbm>>
    %dma_wait3A_455 = arith.constant 0 : i32
    %dma_wait3A_456 = tpu.memref_slice %arg4[%dma_wait3A_447, %add3A_445, %dma_wait3A_455] : memref<50x4096x128xf32, #tpu.memory_space<hbm>> -> memref<1x64x128xf32, #tpu.memory_space<hbm>>
    %dma_wait3A_457 = tpu.memref_squeeze %dma_wait3A_456 : memref<1x64x128xf32, #tpu.memory_space<hbm>> -> memref<64x128xf32, #tpu.memory_space<hbm>>
    %dma_wait3A_458 = arith.constant 0 : i32
    %dma_wait3A_459 = arith.constant 0 : i32
    %dma_wait3A_460 = tpu.memref_slice %arg6[%dma_wait3A_446, %dma_wait3A_458, %dma_wait3A_459] : memref<10x64x128xf32, #tpu.memory_space<vmem>> -> memref<1x64x128xf32, #tpu.memory_space<vmem>>
    %dma_wait3A_461 = tpu.memref_squeeze %dma_wait3A_460 : memref<1x64x128xf32, #tpu.memory_space<vmem>> -> memref<64x128xf32, #tpu.memory_space<vmem>>
    tpu.wait_dma2 semaphore(%arg18 : memref<!tpu.dma_semaphore, #tpu.memory_space<semaphore_mem>>) src(%dma_wait3A_461 : memref<64x128xf32, #tpu.memory_space<vmem>>) dst(%dma_wait3A_457 : memref<64x128xf32, #tpu.memory_space<hbm>>)
    %add3A_462 = arith.constant 0 : i32
    %add3A_463 = arith.addi %mul3A_2, %add3A_462 : i32
    %dma_wait3A_464 = arith.constant 2 : i32
    %dma_wait3A_465 = arith.constant 46 : i32
    %dma_wait3A_466 = arith.constant 0 : i32
    %dma_wait3A_467 = arith.constant 0 : i32
    %dma_wait3A_468 = tpu.memref_slice %arg6[%dma_wait3A_464, %dma_wait3A_466, %dma_wait3A_467] : memref<10x64x128xf32, #tpu.memory_space<vmem>> -> memref<1x64x128xf32, #tpu.memory_space<vmem>>
    %dma_wait3A_469 = tpu.memref_squeeze %dma_wait3A_468 : memref<1x64x128xf32, #tpu.memory_space<vmem>> -> memref<64x128xf32, #tpu.memory_space<vmem>>
    %dma_wait3A_470 = arith.constant 0 : i32
    %dma_wait3A_471 = tpu.memref_slice %arg4[%dma_wait3A_465, %add3A_463, %dma_wait3A_470] : memref<50x4096x128xf32, #tpu.memory_space<hbm>> -> memref<1x64x128xf32, #tpu.memory_space<hbm>>
    %dma_wait3A_472 = tpu.memref_squeeze %dma_wait3A_471 : memref<1x64x128xf32, #tpu.memory_space<hbm>> -> memref<64x128xf32, #tpu.memory_space<hbm>>
    %dma_wait3A_473 = arith.constant 0 : i32
    %dma_wait3A_474 = tpu.memref_slice %arg4[%dma_wait3A_465, %add3A_463, %dma_wait3A_473] : memref<50x4096x128xf32, #tpu.memory_space<hbm>> -> memref<1x64x128xf32, #tpu.memory_space<hbm>>
    %dma_wait3A_475 = tpu.memref_squeeze %dma_wait3A_474 : memref<1x64x128xf32, #tpu.memory_space<hbm>> -> memref<64x128xf32, #tpu.memory_space<hbm>>
    %dma_wait3A_476 = arith.constant 0 : i32
    %dma_wait3A_477 = arith.constant 0 : i32
    %dma_wait3A_478 = tpu.memref_slice %arg6[%dma_wait3A_464, %dma_wait3A_476, %dma_wait3A_477] : memref<10x64x128xf32, #tpu.memory_space<vmem>> -> memref<1x64x128xf32, #tpu.memory_space<vmem>>
    %dma_wait3A_479 = tpu.memref_squeeze %dma_wait3A_478 : memref<1x64x128xf32, #tpu.memory_space<vmem>> -> memref<64x128xf32, #tpu.memory_space<vmem>>
    tpu.wait_dma2 semaphore(%arg19 : memref<!tpu.dma_semaphore, #tpu.memory_space<semaphore_mem>>) src(%dma_wait3A_479 : memref<64x128xf32, #tpu.memory_space<vmem>>) dst(%dma_wait3A_475 : memref<64x128xf32, #tpu.memory_space<hbm>>)
    %add3A_480 = arith.constant 64 : i32
    %add3A_481 = arith.addi %mul3A_2, %add3A_480 : i32
    %dma_wait3A_482 = arith.constant 3 : i32
    %dma_wait3A_483 = arith.constant 46 : i32
    %dma_wait3A_484 = arith.constant 0 : i32
    %dma_wait3A_485 = arith.constant 0 : i32
    %dma_wait3A_486 = tpu.memref_slice %arg6[%dma_wait3A_482, %dma_wait3A_484, %dma_wait3A_485] : memref<10x64x128xf32, #tpu.memory_space<vmem>> -> memref<1x64x128xf32, #tpu.memory_space<vmem>>
    %dma_wait3A_487 = tpu.memref_squeeze %dma_wait3A_486 : memref<1x64x128xf32, #tpu.memory_space<vmem>> -> memref<64x128xf32, #tpu.memory_space<vmem>>
    %dma_wait3A_488 = arith.constant 0 : i32
    %dma_wait3A_489 = tpu.memref_slice %arg4[%dma_wait3A_483, %add3A_481, %dma_wait3A_488] : memref<50x4096x128xf32, #tpu.memory_space<hbm>> -> memref<1x64x128xf32, #tpu.memory_space<hbm>>
    %dma_wait3A_490 = tpu.memref_squeeze %dma_wait3A_489 : memref<1x64x128xf32, #tpu.memory_space<hbm>> -> memref<64x128xf32, #tpu.memory_space<hbm>>
    %dma_wait3A_491 = arith.constant 0 : i32
    %dma_wait3A_492 = tpu.memref_slice %arg4[%dma_wait3A_483, %add3A_481, %dma_wait3A_491] : memref<50x4096x128xf32, #tpu.memory_space<hbm>> -> memref<1x64x128xf32, #tpu.memory_space<hbm>>
    %dma_wait3A_493 = tpu.memref_squeeze %dma_wait3A_492 : memref<1x64x128xf32, #tpu.memory_space<hbm>> -> memref<64x128xf32, #tpu.memory_space<hbm>>
    %dma_wait3A_494 = arith.constant 0 : i32
    %dma_wait3A_495 = arith.constant 0 : i32
    %dma_wait3A_496 = tpu.memref_slice %arg6[%dma_wait3A_482, %dma_wait3A_494, %dma_wait3A_495] : memref<10x64x128xf32, #tpu.memory_space<vmem>> -> memref<1x64x128xf32, #tpu.memory_space<vmem>>
    %dma_wait3A_497 = tpu.memref_squeeze %dma_wait3A_496 : memref<1x64x128xf32, #tpu.memory_space<vmem>> -> memref<64x128xf32, #tpu.memory_space<vmem>>
    tpu.wait_dma2 semaphore(%arg20 : memref<!tpu.dma_semaphore, #tpu.memory_space<semaphore_mem>>) src(%dma_wait3A_497 : memref<64x128xf32, #tpu.memory_space<vmem>>) dst(%dma_wait3A_493 : memref<64x128xf32, #tpu.memory_space<hbm>>)
    %add3A_498 = arith.constant 0 : i32
    %add3A_499 = arith.addi %mul3A_2, %add3A_498 : i32
    %dma_wait3A_500 = arith.constant 4 : i32
    %dma_wait3A_501 = arith.constant 47 : i32
    %dma_wait3A_502 = arith.constant 0 : i32
    %dma_wait3A_503 = arith.constant 0 : i32
    %dma_wait3A_504 = tpu.memref_slice %arg6[%dma_wait3A_500, %dma_wait3A_502, %dma_wait3A_503] : memref<10x64x128xf32, #tpu.memory_space<vmem>> -> memref<1x64x128xf32, #tpu.memory_space<vmem>>
    %dma_wait3A_505 = tpu.memref_squeeze %dma_wait3A_504 : memref<1x64x128xf32, #tpu.memory_space<vmem>> -> memref<64x128xf32, #tpu.memory_space<vmem>>
    %dma_wait3A_506 = arith.constant 0 : i32
    %dma_wait3A_507 = tpu.memref_slice %arg4[%dma_wait3A_501, %add3A_499, %dma_wait3A_506] : memref<50x4096x128xf32, #tpu.memory_space<hbm>> -> memref<1x64x128xf32, #tpu.memory_space<hbm>>
    %dma_wait3A_508 = tpu.memref_squeeze %dma_wait3A_507 : memref<1x64x128xf32, #tpu.memory_space<hbm>> -> memref<64x128xf32, #tpu.memory_space<hbm>>
    %dma_wait3A_509 = arith.constant 0 : i32
    %dma_wait3A_510 = tpu.memref_slice %arg4[%dma_wait3A_501, %add3A_499, %dma_wait3A_509] : memref<50x4096x128xf32, #tpu.memory_space<hbm>> -> memref<1x64x128xf32, #tpu.memory_space<hbm>>
    %dma_wait3A_511 = tpu.memref_squeeze %dma_wait3A_510 : memref<1x64x128xf32, #tpu.memory_space<hbm>> -> memref<64x128xf32, #tpu.memory_space<hbm>>
    %dma_wait3A_512 = arith.constant 0 : i32
    %dma_wait3A_513 = arith.constant 0 : i32
    %dma_wait3A_514 = tpu.memref_slice %arg6[%dma_wait3A_500, %dma_wait3A_512, %dma_wait3A_513] : memref<10x64x128xf32, #tpu.memory_space<vmem>> -> memref<1x64x128xf32, #tpu.memory_space<vmem>>
    %dma_wait3A_515 = tpu.memref_squeeze %dma_wait3A_514 : memref<1x64x128xf32, #tpu.memory_space<vmem>> -> memref<64x128xf32, #tpu.memory_space<vmem>>
    tpu.wait_dma2 semaphore(%arg21 : memref<!tpu.dma_semaphore, #tpu.memory_space<semaphore_mem>>) src(%dma_wait3A_515 : memref<64x128xf32, #tpu.memory_space<vmem>>) dst(%dma_wait3A_511 : memref<64x128xf32, #tpu.memory_space<hbm>>)
    %add3A_516 = arith.constant 64 : i32
    %add3A_517 = arith.addi %mul3A_2, %add3A_516 : i32
    %dma_wait3A_518 = arith.constant 5 : i32
    %dma_wait3A_519 = arith.constant 47 : i32
    %dma_wait3A_520 = arith.constant 0 : i32
    %dma_wait3A_521 = arith.constant 0 : i32
    %dma_wait3A_522 = tpu.memref_slice %arg6[%dma_wait3A_518, %dma_wait3A_520, %dma_wait3A_521] : memref<10x64x128xf32, #tpu.memory_space<vmem>> -> memref<1x64x128xf32, #tpu.memory_space<vmem>>
    %dma_wait3A_523 = tpu.memref_squeeze %dma_wait3A_522 : memref<1x64x128xf32, #tpu.memory_space<vmem>> -> memref<64x128xf32, #tpu.memory_space<vmem>>
    %dma_wait3A_524 = arith.constant 0 : i32
    %dma_wait3A_525 = tpu.memref_slice %arg4[%dma_wait3A_519, %add3A_517, %dma_wait3A_524] : memref<50x4096x128xf32, #tpu.memory_space<hbm>> -> memref<1x64x128xf32, #tpu.memory_space<hbm>>
    %dma_wait3A_526 = tpu.memref_squeeze %dma_wait3A_525 : memref<1x64x128xf32, #tpu.memory_space<hbm>> -> memref<64x128xf32, #tpu.memory_space<hbm>>
    %dma_wait3A_527 = arith.constant 0 : i32
    %dma_wait3A_528 = tpu.memref_slice %arg4[%dma_wait3A_519, %add3A_517, %dma_wait3A_527] : memref<50x4096x128xf32, #tpu.memory_space<hbm>> -> memref<1x64x128xf32, #tpu.memory_space<hbm>>
    %dma_wait3A_529 = tpu.memref_squeeze %dma_wait3A_528 : memref<1x64x128xf32, #tpu.memory_space<hbm>> -> memref<64x128xf32, #tpu.memory_space<hbm>>
    %dma_wait3A_530 = arith.constant 0 : i32
    %dma_wait3A_531 = arith.constant 0 : i32
    %dma_wait3A_532 = tpu.memref_slice %arg6[%dma_wait3A_518, %dma_wait3A_530, %dma_wait3A_531] : memref<10x64x128xf32, #tpu.memory_space<vmem>> -> memref<1x64x128xf32, #tpu.memory_space<vmem>>
    %dma_wait3A_533 = tpu.memref_squeeze %dma_wait3A_532 : memref<1x64x128xf32, #tpu.memory_space<vmem>> -> memref<64x128xf32, #tpu.memory_space<vmem>>
    tpu.wait_dma2 semaphore(%arg22 : memref<!tpu.dma_semaphore, #tpu.memory_space<semaphore_mem>>) src(%dma_wait3A_533 : memref<64x128xf32, #tpu.memory_space<vmem>>) dst(%dma_wait3A_529 : memref<64x128xf32, #tpu.memory_space<hbm>>)
    %add3A_534 = arith.constant 0 : i32
    %add3A_535 = arith.addi %mul3A_2, %add3A_534 : i32
    %dma_wait3A_536 = arith.constant 6 : i32
    %dma_wait3A_537 = arith.constant 48 : i32
    %dma_wait3A_538 = arith.constant 0 : i32
    %dma_wait3A_539 = arith.constant 0 : i32
    %dma_wait3A_540 = tpu.memref_slice %arg6[%dma_wait3A_536, %dma_wait3A_538, %dma_wait3A_539] : memref<10x64x128xf32, #tpu.memory_space<vmem>> -> memref<1x64x128xf32, #tpu.memory_space<vmem>>
    %dma_wait3A_541 = tpu.memref_squeeze %dma_wait3A_540 : memref<1x64x128xf32, #tpu.memory_space<vmem>> -> memref<64x128xf32, #tpu.memory_space<vmem>>
    %dma_wait3A_542 = arith.constant 0 : i32
    %dma_wait3A_543 = tpu.memref_slice %arg4[%dma_wait3A_537, %add3A_535, %dma_wait3A_542] : memref<50x4096x128xf32, #tpu.memory_space<hbm>> -> memref<1x64x128xf32, #tpu.memory_space<hbm>>
    %dma_wait3A_544 = tpu.memref_squeeze %dma_wait3A_543 : memref<1x64x128xf32, #tpu.memory_space<hbm>> -> memref<64x128xf32, #tpu.memory_space<hbm>>
    %dma_wait3A_545 = arith.constant 0 : i32
    %dma_wait3A_546 = tpu.memref_slice %arg4[%dma_wait3A_537, %add3A_535, %dma_wait3A_545] : memref<50x4096x128xf32, #tpu.memory_space<hbm>> -> memref<1x64x128xf32, #tpu.memory_space<hbm>>
    %dma_wait3A_547 = tpu.memref_squeeze %dma_wait3A_546 : memref<1x64x128xf32, #tpu.memory_space<hbm>> -> memref<64x128xf32, #tpu.memory_space<hbm>>
    %dma_wait3A_548 = arith.constant 0 : i32
    %dma_wait3A_549 = arith.constant 0 : i32
    %dma_wait3A_550 = tpu.memref_slice %arg6[%dma_wait3A_536, %dma_wait3A_548, %dma_wait3A_549] : memref<10x64x128xf32, #tpu.memory_space<vmem>> -> memref<1x64x128xf32, #tpu.memory_space<vmem>>
    %dma_wait3A_551 = tpu.memref_squeeze %dma_wait3A_550 : memref<1x64x128xf32, #tpu.memory_space<vmem>> -> memref<64x128xf32, #tpu.memory_space<vmem>>
    tpu.wait_dma2 semaphore(%arg23 : memref<!tpu.dma_semaphore, #tpu.memory_space<semaphore_mem>>) src(%dma_wait3A_551 : memref<64x128xf32, #tpu.memory_space<vmem>>) dst(%dma_wait3A_547 : memref<64x128xf32, #tpu.memory_space<hbm>>)
    %add3A_552 = arith.constant 64 : i32
    %add3A_553 = arith.addi %mul3A_2, %add3A_552 : i32
    %dma_wait3A_554 = arith.constant 7 : i32
    %dma_wait3A_555 = arith.constant 48 : i32
    %dma_wait3A_556 = arith.constant 0 : i32
    %dma_wait3A_557 = arith.constant 0 : i32
    %dma_wait3A_558 = tpu.memref_slice %arg6[%dma_wait3A_554, %dma_wait3A_556, %dma_wait3A_557] : memref<10x64x128xf32, #tpu.memory_space<vmem>> -> memref<1x64x128xf32, #tpu.memory_space<vmem>>
    %dma_wait3A_559 = tpu.memref_squeeze %dma_wait3A_558 : memref<1x64x128xf32, #tpu.memory_space<vmem>> -> memref<64x128xf32, #tpu.memory_space<vmem>>
    %dma_wait3A_560 = arith.constant 0 : i32
    %dma_wait3A_561 = tpu.memref_slice %arg4[%dma_wait3A_555, %add3A_553, %dma_wait3A_560] : memref<50x4096x128xf32, #tpu.memory_space<hbm>> -> memref<1x64x128xf32, #tpu.memory_space<hbm>>
    %dma_wait3A_562 = tpu.memref_squeeze %dma_wait3A_561 : memref<1x64x128xf32, #tpu.memory_space<hbm>> -> memref<64x128xf32, #tpu.memory_space<hbm>>
    %dma_wait3A_563 = arith.constant 0 : i32
    %dma_wait3A_564 = tpu.memref_slice %arg4[%dma_wait3A_555, %add3A_553, %dma_wait3A_563] : memref<50x4096x128xf32, #tpu.memory_space<hbm>> -> memref<1x64x128xf32, #tpu.memory_space<hbm>>
    %dma_wait3A_565 = tpu.memref_squeeze %dma_wait3A_564 : memref<1x64x128xf32, #tpu.memory_space<hbm>> -> memref<64x128xf32, #tpu.memory_space<hbm>>
    %dma_wait3A_566 = arith.constant 0 : i32
    %dma_wait3A_567 = arith.constant 0 : i32
    %dma_wait3A_568 = tpu.memref_slice %arg6[%dma_wait3A_554, %dma_wait3A_566, %dma_wait3A_567] : memref<10x64x128xf32, #tpu.memory_space<vmem>> -> memref<1x64x128xf32, #tpu.memory_space<vmem>>
    %dma_wait3A_569 = tpu.memref_squeeze %dma_wait3A_568 : memref<1x64x128xf32, #tpu.memory_space<vmem>> -> memref<64x128xf32, #tpu.memory_space<vmem>>
    tpu.wait_dma2 semaphore(%arg24 : memref<!tpu.dma_semaphore, #tpu.memory_space<semaphore_mem>>) src(%dma_wait3A_569 : memref<64x128xf32, #tpu.memory_space<vmem>>) dst(%dma_wait3A_565 : memref<64x128xf32, #tpu.memory_space<hbm>>)
    %add3A_570 = arith.constant 0 : i32
    %add3A_571 = arith.addi %mul3A_2, %add3A_570 : i32
    %dma_wait3A_572 = arith.constant 8 : i32
    %dma_wait3A_573 = arith.constant 49 : i32
    %dma_wait3A_574 = arith.constant 0 : i32
    %dma_wait3A_575 = arith.constant 0 : i32
    %dma_wait3A_576 = tpu.memref_slice %arg6[%dma_wait3A_572, %dma_wait3A_574, %dma_wait3A_575] : memref<10x64x128xf32, #tpu.memory_space<vmem>> -> memref<1x64x128xf32, #tpu.memory_space<vmem>>
    %dma_wait3A_577 = tpu.memref_squeeze %dma_wait3A_576 : memref<1x64x128xf32, #tpu.memory_space<vmem>> -> memref<64x128xf32, #tpu.memory_space<vmem>>
    %dma_wait3A_578 = arith.constant 0 : i32
    %dma_wait3A_579 = tpu.memref_slice %arg4[%dma_wait3A_573, %add3A_571, %dma_wait3A_578] : memref<50x4096x128xf32, #tpu.memory_space<hbm>> -> memref<1x64x128xf32, #tpu.memory_space<hbm>>
    %dma_wait3A_580 = tpu.memref_squeeze %dma_wait3A_579 : memref<1x64x128xf32, #tpu.memory_space<hbm>> -> memref<64x128xf32, #tpu.memory_space<hbm>>
    %dma_wait3A_581 = arith.constant 0 : i32
    %dma_wait3A_582 = tpu.memref_slice %arg4[%dma_wait3A_573, %add3A_571, %dma_wait3A_581] : memref<50x4096x128xf32, #tpu.memory_space<hbm>> -> memref<1x64x128xf32, #tpu.memory_space<hbm>>
    %dma_wait3A_583 = tpu.memref_squeeze %dma_wait3A_582 : memref<1x64x128xf32, #tpu.memory_space<hbm>> -> memref<64x128xf32, #tpu.memory_space<hbm>>
    %dma_wait3A_584 = arith.constant 0 : i32
    %dma_wait3A_585 = arith.constant 0 : i32
    %dma_wait3A_586 = tpu.memref_slice %arg6[%dma_wait3A_572, %dma_wait3A_584, %dma_wait3A_585] : memref<10x64x128xf32, #tpu.memory_space<vmem>> -> memref<1x64x128xf32, #tpu.memory_space<vmem>>
    %dma_wait3A_587 = tpu.memref_squeeze %dma_wait3A_586 : memref<1x64x128xf32, #tpu.memory_space<vmem>> -> memref<64x128xf32, #tpu.memory_space<vmem>>
    tpu.wait_dma2 semaphore(%arg25 : memref<!tpu.dma_semaphore, #tpu.memory_space<semaphore_mem>>) src(%dma_wait3A_587 : memref<64x128xf32, #tpu.memory_space<vmem>>) dst(%dma_wait3A_583 : memref<64x128xf32, #tpu.memory_space<hbm>>)
    %add3A_588 = arith.constant 64 : i32
    %add3A_589 = arith.addi %mul3A_2, %add3A_588 : i32
    %dma_wait3A_590 = arith.constant 9 : i32
    %dma_wait3A_591 = arith.constant 49 : i32
    %dma_wait3A_592 = arith.constant 0 : i32
    %dma_wait3A_593 = arith.constant 0 : i32
    %dma_wait3A_594 = tpu.memref_slice %arg6[%dma_wait3A_590, %dma_wait3A_592, %dma_wait3A_593] : memref<10x64x128xf32, #tpu.memory_space<vmem>> -> memref<1x64x128xf32, #tpu.memory_space<vmem>>
    %dma_wait3A_595 = tpu.memref_squeeze %dma_wait3A_594 : memref<1x64x128xf32, #tpu.memory_space<vmem>> -> memref<64x128xf32, #tpu.memory_space<vmem>>
    %dma_wait3A_596 = arith.constant 0 : i32
    %dma_wait3A_597 = tpu.memref_slice %arg4[%dma_wait3A_591, %add3A_589, %dma_wait3A_596] : memref<50x4096x128xf32, #tpu.memory_space<hbm>> -> memref<1x64x128xf32, #tpu.memory_space<hbm>>
    %dma_wait3A_598 = tpu.memref_squeeze %dma_wait3A_597 : memref<1x64x128xf32, #tpu.memory_space<hbm>> -> memref<64x128xf32, #tpu.memory_space<hbm>>
    %dma_wait3A_599 = arith.constant 0 : i32
    %dma_wait3A_600 = tpu.memref_slice %arg4[%dma_wait3A_591, %add3A_589, %dma_wait3A_599] : memref<50x4096x128xf32, #tpu.memory_space<hbm>> -> memref<1x64x128xf32, #tpu.memory_space<hbm>>
    %dma_wait3A_601 = tpu.memref_squeeze %dma_wait3A_600 : memref<1x64x128xf32, #tpu.memory_space<hbm>> -> memref<64x128xf32, #tpu.memory_space<hbm>>
    %dma_wait3A_602 = arith.constant 0 : i32
    %dma_wait3A_603 = arith.constant 0 : i32
    %dma_wait3A_604 = tpu.memref_slice %arg6[%dma_wait3A_590, %dma_wait3A_602, %dma_wait3A_603] : memref<10x64x128xf32, #tpu.memory_space<vmem>> -> memref<1x64x128xf32, #tpu.memory_space<vmem>>
    %dma_wait3A_605 = tpu.memref_squeeze %dma_wait3A_604 : memref<1x64x128xf32, #tpu.memory_space<vmem>> -> memref<64x128xf32, #tpu.memory_space<vmem>>
    tpu.wait_dma2 semaphore(%arg26 : memref<!tpu.dma_semaphore, #tpu.memory_space<semaphore_mem>>) src(%dma_wait3A_605 : memref<64x128xf32, #tpu.memory_space<vmem>>) dst(%dma_wait3A_601 : memref<64x128xf32, #tpu.memory_space<hbm>>)
    return
  }
}

</mosaic_0001>

<sc_bundles>
// kernel: kernel.3.cloned.1.call-start
scs
__scs_entry_jumppad:
0x0: {  	(pc) =	sbr.rel $0x88, $3  }
0x1: {  	(tag) =	ssettag $0x0;
	lr =	simm.s32 $0x1  }
0x2: {  	[smem:$0x3F9F] =	sst lr;
	_ =	strace $0xD0000000  }
0x3: {  	_ = 	snop  }
0x4: {  	_ = 	snop  }
0x5: {  	_ = 	snop  }
0x6: {  	_ = 	snop  }
0x7: {  	_ = 	snop  }
__scs_overlays_trampoline_lowered:
0x8: {  	[smem:$0x3FAE] =	sst s0  }
0x9: {  	[smem:$0x3FAF] =	sst s1  }
0xa: {  	[smem:$0x3FB0] =	sst s2  }
0xb: {  	[smem:$0x3FB1] =	sst s3  }
0xc: {  	[smem:$0x3FB2] =	sst s4  }
0xd: {  	[smem:$0x3FB3] =	sst s5  }
0xe: {  	[smem:$0x3FB4] =	sst s6  }
0xf: {  	[smem:$0x3FB5] =	sst s7  }
0x10: {  	[smem:$0x3FB6] =	sst s8  }
0x11: {  	[smem:$0x3FB7] =	sst s9;
	s0 =	simm.s32 @!p0 $0x0  }
0x12: {  	s1 =	sld [smem:$0x3F9D];
	s0 =	simm.s32 @p0 $0x1  }
0x13: {  	[smem:$0x3FB8] =	sst s0;
	s0 =	simm.s32 @!p1 $0x0  }
0x14: {  	s2 =	sld [smem:$0x3F9C];
	s0 =	simm.s32 @p1 $0x1  }
0x15: {  	[smem:$0x3FB9] =	sst s0;
	s0 =	simm.s32 @!p2 $0x0  }
0x16: {  	s3 =	sld [smem:$0x3FDB];
	s0 =	simm.s32 @p2 $0x1  }
0x17: {  	s4 =	simm.s32 $0x1BF5;
	[smem:$0x3FBB] =	sst s0  }
0x18: {  	s0 =	sld [smem:$0x3F9E];
	_ =	swait.ge [sflag:s4], $0x0  }
0x19: {  	s7 =	sld [smem:$0x3F9F]  }
0x1a: {  	s8 =	sadd.s32 $0xFFFFE003, lr  }
0x1b: {  	s9 =	sadd.s32 $0xFFFFFEF7, lr;
	s5 =	simm.s32 $0xFFFFFFFF;
	p2 =	slt.u32 s8, $0xFFFFF086  }
0x1c: {  	p1 =	slt.u32 s9, $0xF7A;
	s5 =	simm.s32 @!p2 $0x0  }
0x1d: {  	s5 =	simm.s32 @p1 $0x1;
	p0 =	seq.s32 s7, s2  }
0x1e: {  	s7 =	smul.u32 @!p0 $0xF7A, s2;
	p2 =	seq.s32 @!p0 s5, $0x0  }
0x1f: {  	s9 =	smul.u32 $0xF7A, s1;
	s8 =	simm.s32 @!p0 $0x1BF5;
	p2 =	por !p2, p0  }
0x20: {  	[sflag:s8] =	ssyncset.s32 @!p0 $0xFFFFF086;
	s6 =	sadd.s32 @!p0 s3, s7;
	s7 =	simm.s32 @!p0 $0x108  }
0x21: {  	s3 =	sadd.s32 s3, s9;
	s6 =	sadd.s32 @!p0 $0x88, s6;
	s7 =	simm.s32 @p2 $0x1082  }
0x22: {  	[simem:s7], [sflag:s8] =	dma.local @!p0 [hbm:s6], $0xF7A  }
0x23: {  	s9 =	sor.u32 $0xD0000000, s2;
	s6 =	simm.s32 $0x108;
	_ =	swait.ge @!p0 [sflag:s8], $0x0  }
0x24: {  	s3 =	sadd.s32 $0x88, s3;
	s6 =	simm.s32 @!p1 $0x1082;
	[sflag:s4] =	ssyncset.s32 $0xFFFFF086  }
0x25: {  	[simem:s6], [sflag:s4] =	dma.local [hbm:s3], $0xF7A  }
0x26: {  	[smem:$0x3F9F] =	sst s1;
	(tag) =	ssettag s2;
	_ =	strace s9  }
0x27: {  	s1 =	sld [smem:$0x3FAF]  }
0x28: {  	s2 =	sld [smem:$0x3FB0]  }
0x29: {  	s4 =	sld [smem:$0x3FB2]  }
0x2a: {  	p0 =	seq.s32 s5, $0x0;
	s5 =	sld [smem:$0x3FB3]  }
0x2b: {  	s6 =	sld [smem:$0x3FB4]  }
0x2c: {  	s7 =	sld [smem:$0x3FB5]  }
0x2d: {  	s3 =	simm.s32 $0x108;
	s8 =	sld [smem:$0x3FB6]  }
0x2e: {  	s3 =	simm.s32 @!p0 $0x1082;
	s9 =	sld [smem:$0x3FB7]  }
0x2f: {  	lr =	sadd.s32 s0, s3;
	s0 =	sld [smem:$0x3FAE]  }
0x30: {  	s3 =	sld [smem:$0x3FB1]  }
0x31: {  	[smem:$0x3FBA] =	sst s10  }
0x32: {  	s10 =	sld [smem:$0x3FB8];
	_ =	sdelay $0x3  }
0x33: {  	p0 =	seq.s32 s10, $0x1;
	s10 =	sld [smem:$0x3FBA];
	_ =	sdelay $0x3  }
0x34: {  	[smem:$0x3FBA] =	sst s10  }
0x35: {  	s10 =	sld [smem:$0x3FB9];
	_ =	sdelay $0x3  }
0x36: {  	p1 =	seq.s32 s10, $0x1;
	s10 =	sld [smem:$0x3FBA];
	_ =	sdelay $0x3  }
0x37: {  	[smem:$0x3FBA] =	sst s10  }
0x38: {  	s10 =	sld [smem:$0x3FBB]  }
0x39: {  	_ = 	snop;
	(pc) =	sbr.ind lr, $3  }
0x3a: {  	_ = 	snop  }
0x3b: {  	_ = 	snop  }
0x3c: {  	p2 =	seq.s32 s10, $0x1;
	s10 =	sld [smem:$0x3FBA]  }
0x3d: {  	_ =	shalt  }
0x3e: {  	_ =	shalt  }
0x3f: {  	_ =	shalt  }
0x40: {  	_ =	shalt  }
0x41: {  	_ =	shalt  }
0x42: {  	_ =	shalt  }
0x43: {  	_ =	shalt  }
0x44: {  	_ =	shalt  }
0x45: {  	_ =	shalt  }
0x46: {  	_ =	shalt  }
0x47: {  	_ =	shalt  }
0x48: {  	_ =	shalt  }
0x49: {  	_ =	shalt  }
0x4a: {  	_ =	shalt  }
0x4b: {  	_ =	shalt  }
0x4c: {  	_ =	shalt  }
0x4d: {  	_ =	shalt  }
0x4e: {  	_ =	shalt  }
0x4f: {  	_ =	shalt  }
0x50: {  	_ =	shalt  }
0x51: {  	_ =	shalt  }
0x52: {  	_ =	shalt  }
0x53: {  	_ =	shalt  }
0x54: {  	_ =	shalt  }
0x55: {  	_ =	shalt  }
0x56: {  	_ =	shalt  }
0x57: {  	_ =	shalt  }
0x58: {  	_ =	shalt  }
0x59: {  	_ =	shalt  }
0x5a: {  	_ =	shalt  }
0x5b: {  	_ =	shalt  }
0x5c: {  	_ =	shalt  }
0x5d: {  	_ =	shalt  }
0x5e: {  	_ =	shalt  }
0x5f: {  	_ =	shalt  }
0x60: {  	_ =	shalt  }
0x61: {  	_ =	shalt  }
0x62: {  	_ =	shalt  }
0x63: {  	_ =	shalt  }
0x64: {  	_ =	shalt  }
0x65: {  	_ =	shalt  }
0x66: {  	_ =	shalt  }
0x67: {  	_ =	shalt  }
0x68: {  	_ =	shalt  }
0x69: {  	_ =	shalt  }
0x6a: {  	_ =	shalt  }
0x6b: {  	_ =	shalt  }
0x6c: {  	_ =	shalt  }
0x6d: {  	_ =	shalt  }
0x6e: {  	_ =	shalt  }
0x6f: {  	_ =	shalt  }
0x70: {  	_ =	shalt  }
0x71: {  	_ =	shalt  }
0x72: {  	_ =	shalt  }
0x73: {  	_ =	shalt  }
0x74: {  	_ =	shalt  }
0x75: {  	_ =	shalt  }
0x76: {  	_ =	shalt  }
0x77: {  	_ =	shalt  }
0x78: {  	_ =	shalt  }
0x79: {  	_ =	shalt  }
0x7a: {  	_ =	shalt  }
0x7b: {  	_ =	shalt  }
0x7c: {  	_ =	shalt  }
0x7d: {  	_ =	shalt  }
0x7e: {  	_ =	shalt  }
0x7f: {  	_ =	shalt  }
0x80: {  	_ =	shalt  }
0x81: {  	_ =	shalt  }
0x82: {  	_ =	shalt  }
0x83: {  	_ =	shalt  }
0x84: {  	_ =	shalt  }
0x85: {  	_ =	shalt  }
0x86: {  	_ =	shalt  }
0x87: {  	_ =	shalt  }
.Lfunc_end0:
.L_simem_size_0:
called_computation_lowered:
.L_overlay_start_0:
0x88: {  	s2 =	sld [smem:$0x3FD9]  }
0x89: {  	s3 =	sld [smem:$0x3FFE];
	_ =	sdelay $0x1  }
0x8a: {  	s1 =	srdreg.scid  }
0x8b: {  	s0 =	sand.u32 $0x1, s1  }
0x8c: {  	s18 =	sshll.u32 s0, $0xA;
	s2 =	sadd.s32 s3, s2  }
0x8d: {  	s2 =	sadd.s32 s2, s18  }
0x8e: {  	[smem:$0x3FC6] =	sst s2  }
0x8f: {  	_ = 	snop  }
0x90: {  	s2 =	sld [smem:$0x3FC9]  }
0x91: {  	s19 =	sld [smem:$0x3FC8]  }
0x92: {  	s4 =	sld [smem:$0x3FD0];
	(tm) =	ssettm $0x1  }
0x93: {  	s5 =	sld [smem:$0x3FFB];
	_ =	sdelay $0x3  }
0x94: {  	_ =	strace s5  }
0x95: {  	s5 =	sld [smem:$0x3FFC];
	_ =	sdelay $0x3  }
0x96: {  	_ =	strace s5  }
0x97: {  	s5 =	sld [smem:$0x3FFD];
	_ =	sdelay $0x3  }
0x98: {  	_ =	strace s5  }
0x99: {  	_ =	strace $0x8FFFFFFF  }
0x9a: {  	s20 =	sld [smem:$0x3FDB];
	_ =	sdelay $0x1  }
0x9b: {  	s6 =	simm.s32 $_scs_section_size  }
0x9c: {  	s7 =	simm.s32 $_size__tile_overlayer_lowered;
	s8 =	simm.s32 $_tile_overlayer_lowered  }
0x9d: {  	s23 =	simm.s32 $0x1BFF;
	s22 =	sshll.u32 s8, $0x1;
	s5 =	sadd.s32 s6, s20  }
0x9e: {  	s9 =	simm.s32 $0x0;
	s21 =	sshll.u32 s7, $0x1;
	s7 =	sadd.s32 s22, s5  }
0x9f: {  	[timem:s9], [sflag:s23] =	dma.local [hbm:s7], s21  }
0xa0: {  	_ =	swait.ge [sflag:s23], s21  }
0xa1: {  	s6 =	ssub.s32 $0x0, s21;
	[sflag:s23] =	ssyncset.done $0x0  }
0xa2: {  	[sflag:s23] =	ssyncadd.s32 s6;
	_ =	sdelay $0x1  }
0xa3: {  	s24 =	simm.s32 $0x1B8B  }
0xa4: {  	_ =	swait.ge [sflag:s24], $0x1  }
0xa5: {  	[sflag:s24] =	ssyncset.done $0x0  }
0xa6: {  	s25 =	simm.s32 $0x1B8E;
	[sflag:s24] =	ssyncadd.s32 $0xFFFFFFFF  }
0xa7: {  	s26 =	simm.s32 $execute0_lowered;
	[smem:$0x3FD2] =	sst s25  }
0xa8: {  	s6 =	sshll.u32 s26, $0x1;
	_ =	strace $0x80000046;
	[dreg:$0x1] =	wrdreg $0xFFFFFFFF  }
0xa9: {  	s28 =	simm.s32 $_size_execute0_lowered;
	s5 =	sadd.s32 s5, s6;
	[dreg:$0x0] =	wrdreg $0x0  }
0xaa: {  	s6 =	sshll.u32 s28, $0x1;
	[dreg:$0x2] =	wrdreg s5  }
0xab: {  	[dreg:$0x3] =	wrdreg s6  }
0xac: {  	[dreg:$0x4] =	wrdreg $0xC0  }
0xad: {  	_ =	task [dreg:s9], $0x5FFFF  }
0xae: {  	[dreg:$0x1] =	wrdreg $0xFFFFFFFF  }
0xaf: {  	[dreg:$0x0] =	wrdreg $0x60  }
0xb0: {  	[dreg:$0x2] =	wrdreg s2  }
0xb1: {  	[dreg:$0x3] =	wrdreg s19  }
0xb2: {  	[dreg:$0x4] =	wrdreg s4  }
0xb3: {  	[dreg:$0x5] =	wrdreg $0x9  }
0xb4: {  	_ =	task.clear_ibuf [dreg:s9], $0x6FFFF;
	_ =	strace $0x90000046  }
0xb5: {  	s29 =	simm.s32 $0x9;
	_ =	strace $0x80000048  }
0xb6: {  	_ =	swait.ge [sflag:s29], $0x1  }
0xb7: {  	[sflag:s29] =	ssyncadd.s32 $0xFFFFFFFF  }
0xb8: {  	_ =	strace $0x90000048  }
0xb9: {  	_ =	sfence  }
0xba: {  	s30 =	sld [smem:$0x0];
	_ =	sdelay $0x2  }
0xbb: {  	s31 =	sshll.u32 s1, $0xD;
	s1 =	sshrl.u32 s1, $0x2  }
0xbc: {  	s3 =	sand.u32 $0x4000, s31;
	s1 =	sadd.s32 s1, s30  }
0xbd: {  	s0 =	sor.u32 s3, s0;
	s1 =	sshll.u32 s1, $0x11  }
0xbe: {  	s0 =	sor.u32 s1, s0  }
0xbf: {  	s0 =	sadd.s32 $0x8F2B, s0  }
0xc0: {  	[sflag:s0] =	ssyncadd.remote.s32 $0x1  }
0xc1: {  	_ =	sfence.sel $0xFFFF  }
0xc2: {  	[dreg:$0x0] =	wrdreg $0xFFFFFFFF;
	(pc) =	sbr.abs _section_cstart, $3  }
0xc3: {  	[dreg:$0x1] =	wrdreg $0xFFFFFFFF  }
0xc4: {  	_ =	task.clear_ibuf [dreg:s9], $0x2FFFF;
	_ =	strace $0x9FFFFFFF  }
0xc5: {  	(tm) =	ssettm $0x7FFFFFFF  }
tec
execute0_lowered:
.L_overlay_start_1:
0x0: {  	(tag) =	ssettag $0x1  }
0x1: {  	s0 =	rddreg [dreg:$0x0]  }
0x2: {  	s1 =	rddreg [dreg:$0x1]  }
0x3: {  	s8 =	rddreg [dreg:$0x2];
	s2 =	srdreg.scid  }
0x4: {  	s4 =	simm.s32 $0x0;
	s7 =	stileid.u32;
	s2 =	sand.u32 $0x1, s2  }
0x5: {  	[smem:$0x7FF] =	sst s4;
	s3 =	sshll.u32 s7, $0x8;
	s7 =	sshll.u32 s7, $0xF  }
0x6: {  	s5 =	sshll.u32 s2, $0x7;
	_ =	strace $0x80000047;
	s6 =	ssub.s32 $0x2, s2  }
0x7: {  	s2 =	sshll.u32 s2, $0xE;
	s3 =	sor.u32 s5, s3;
	s25 =	sshrl.u32 s6, $0x1  }
0x8: {  	s2 =	sor.u32 s2, s7;
	s9 =	sadd.s32 s0, s3;
	s26 =	sshll.u32 s3, $0x4  }
0x9: {  	s12 =	sor.u32 $0x202000, s2;
	[dreg:$0xe] =	wrdreg s9;
	s28 =	sadd.s32 $0x6000, s9  }
0xa: {  	s14 =	sor.u32 $0x200000, s2;
	s5 =	sshrl.u32 s12, $0x3;
	[dreg:$0xf] =	wrdreg s28  }
0xb: {  	s16 =	sor.u32 $0x182000, s2;
	s15 =	sshrl.u32 s14, $0x3;
	[dreg:$0x4] =	wrdreg s5  }
0xc: {  	s18 =	sor.u32 $0x180000, s2;
	s17 =	sshrl.u32 s16, $0x3;
	[dreg:$0x5] =	wrdreg s15  }
0xd: {  	s20 =	sor.u32 $0x102000, s2;
	s19 =	sshrl.u32 s18, $0x3;
	[dreg:$0x6] =	wrdreg s17  }
0xe: {  	s22 =	sor.u32 $0x100000, s2;
	s21 =	sshrl.u32 s20, $0x3;
	[dreg:$0x7] =	wrdreg s19  }
0xf: {  	s24 =	sor.u32 $0x82000, s2;
	s23 =	sshrl.u32 s22, $0x3;
	[dreg:$0x8] =	wrdreg s21  }
0x10: {  	s3 =	ssub.s32 s6, s25;
	s25 =	sshrl.u32 s24, $0x3;
	[dreg:$0x9] =	wrdreg s23  }
0x11: {  	s0 =	sadd.s32 s26, s8;
	s3 =	smax.u32 s3, $0x1;
	[dreg:$0xa] =	wrdreg s25  }
0x12: {  	s26 =	sor.u32 $0x80000, s2;
	s29 =	sadd.s32 $0x2D0000, s0;
	[dreg:$0x1a] =	wrdreg s3  }
0x13: {  	s22 =	simm.s32 $0x40;
	s30 =	sadd.s32 $0x2D0400, s0;
	[dreg:$0x10] =	wrdreg s29  }
0x14: {  	s12 =	simm.s32 $0xA;
	s31 =	sadd.s32 $0x2E0000, s0;
	[dreg:$0x11] =	wrdreg s30  }
0x15: {  	s14 =	simm.s32 $0xC;
	s6 =	sadd.s32 $0x2E0400, s0;
	[dreg:$0x12] =	wrdreg s31  }
0x16: {  	s16 =	simm.s32 $0xF;
	s8 =	sadd.s32 $0x2F0000, s0;
	[dreg:$0x13] =	wrdreg s6  }
0x17: {  	s24 =	simm.s32 $0x14;
	s9 =	sadd.s32 $0x2F0400, s0;
	[dreg:$0x14] =	wrdreg s8  }
0x18: {  	s10 =	sadd.s32 $0x300000, s0;
	s11 =	sadd.s32 $0x300400, s0;
	[dreg:$0x15] =	wrdreg s9  }
0x19: {  	s13 =	sadd.s32 $0x310000, s0;
	s28 =	sshrl.u32 s26, $0x3;
	[dreg:$0x16] =	wrdreg s10  }
0x1a: {  	s0 =	sadd.s32 $0x310400, s0;
	s5 =	simm.s32 $0xD;
	[dreg:$0x17] =	wrdreg s11  }
0x1b: {  	s15 =	simm.s32 $0xE;
	s17 =	simm.s32 $0x10;
	[dreg:$0x18] =	wrdreg s13  }
0x1c: {  	s21 =	simm.s32 $0x11;
	s3 =	simm.s32 $0x12;
	[dreg:$0x19] =	wrdreg s0  }
0x1d: {  	s23 =	simm.s32 $0x13;
	s29 =	sor.u32 $0x2000, s2;
	[dreg:$0xb] =	wrdreg s28  }
0x1e: {  	s31 =	sshrl.u32 s2, $0x3;
	s9 =	simm.s32 $0x7;
	s10 =	simm.s32 $0x8  }
0x1f: {  	s11 =	simm.s32 $0x9;
	s30 =	sshrl.u32 s29, $0x3;
	[dreg:$0xd] =	wrdreg s31  }
0x20: {  	s13 =	simm.s32 $0xB;
	s0 =	simm.s32 $0x0;
	[dreg:$0xc] =	wrdreg s30  }
.LBB2_1:
0x21: {  	[dreg:$0x1b] =	wrdreg s0  }
0x22: {  	s2 =	rddreg [dreg:$0xe];
	s26 =	simm.s32 $0x400;
	s29 =	simm.s32 $0x8000  }
0x23: {  	[tilespmem:s4], [sflag:$0x15] =	stream.strided.gather [hbm4b:s2+s26], $0x1800, s29, s26, $0x38;
	[tilespmem:$0x15C00] =	vst v63  }
0x24: {  	s20 =	rddreg [dreg:$0xf];
	s25 =	simm.s32 $0x1800;
	s26 =	simm.s32 $0x15  }
0x25: {  	[tilespmem:s25], [sflag:$0x15] =	stream.linear.gather [hbm4b:s20+s4], $0x100, $0x38;
	[tilespmem:$0x15C00] =	vst v63  }
0x26: {  	_ =	swait.ge [sflag:s26], $0x1900  }
0x27: {  	[sflag:s26] =	ssyncset.done $0x0  }
0x28: {  	s19 =	simm.s32 $0x1C00;
	[sflag:s26] =	ssyncadd.s32 $0xFFFFE700  }
0x29: {  	[tilespmem:s19], [sflag:$0x1] =	stream.indirect.gather [hbm4b:s1+s22], $0x80, s4, s22, $0xb8;
	[tilespmem:$0x15C00] =	vst v63  }
0x2a: {  	s25 =	simm.s32 $0x3C00  }
0x2b: {  	[tilespmem:s25], [sflag:$0x2] =	stream.indirect.gather [hbm4b:s1+s22], $0x80, s22, s22, $0xb8;
	[tilespmem:$0x15C00] =	vst v63  }
0x2c: {  	s28 =	simm.s32 $0x80;
	s18 =	simm.s32 $0x5C00  }
0x2d: {  	[tilespmem:s18], [sflag:$0x3] =	stream.indirect.gather [hbm4b:s1+s22], $0x80, s28, s22, $0xb8;
	[tilespmem:$0x15C00] =	vst v63  }
0x2e: {  	s30 =	simm.s32 $0xC0;
	s20 =	simm.s32 $0x7C00  }
0x2f: {  	[tilespmem:s20], [sflag:$0x4] =	stream.indirect.gather [hbm4b:s1+s22], $0x80, s30, s22, $0xb8;
	[tilespmem:$0x15C00] =	vst v63  }
0x30: {  	s0 =	simm.s32 $0x100;
	s28 =	simm.s32 $0x9C00  }
0x31: {  	[tilespmem:s28], [sflag:$0x5] =	stream.indirect.gather [hbm4b:s1+s22], $0x80, s0, s22, $0xb8;
	[tilespmem:$0x15C00] =	vst v63  }
0x32: {  	s6 =	simm.s32 $0x140;
	s0 =	simm.s32 $0xBC00  }
0x33: {  	[tilespmem:s0], [sflag:$0x6] =	stream.indirect.gather [hbm4b:s1+s22], $0x80, s6, s22, $0xb8;
	[tilespmem:$0x15C00] =	vst v63  }
0x34: {  	s7 =	simm.s32 $0x180;
	s6 =	simm.s32 $0xDC00  }
0x35: {  	[tilespmem:s6], [sflag:$0x7] =	stream.indirect.gather [hbm4b:s1+s22], $0x80, s7, s22, $0xb8;
	[tilespmem:$0x15C00] =	vst v63  }
0x36: {  	s8 =	simm.s32 $0x1C0;
	s29 =	simm.s32 $0xFC00  }
0x37: {  	[tilespmem:s29], [sflag:$0x8] =	stream.indirect.gather [hbm4b:s1+s22], $0x80, s8, s22, $0xb8;
	[tilespmem:$0x15C00] =	vst v63  }
0x38: {  	s26 =	simm.s32 $0x200;
	s7 =	simm.s32 $0x11C00  }
0x39: {  	[tilespmem:s7], [sflag:$0x9] =	stream.indirect.gather [hbm4b:s1+s22], $0x80, s26, s22, $0xb8;
	[tilespmem:$0x15C00] =	vst v63  }
0x3a: {  	s30 =	simm.s32 $0x240;
	s8 =	simm.s32 $0x13C00;
	s26 =	simm.s32 $0x1  }
0x3b: {  	[tilespmem:s8], [sflag:$0xA] =	stream.indirect.gather [hbm4b:s1+s22], $0x80, s30, s22, $0xb8;
	[tilespmem:$0x15C00] =	vst v63  }
0x3c: {  	_ =	swait.ge [sflag:s26], $0x2000  }
0x3d: {  	[sflag:s26] =	ssyncset.done $0x0  }
0x3e: {  	s30 =	rddreg [dreg:$0xd];
	[sflag:s26] =	ssyncadd.s32 $0xFFFFE000  }
0x3f: {  	s2 =	rddreg [dreg:$0x2]  }
0x40: {  	s26 =	sadd.s32 s2, s30;
	s30 =	simm.s32 $0x2  }
0x41: {  	[hbm4b:s26+s4] =	stream.linear.scatter [tilespmem:s19], [sflag:$0xB], $0x2000, $0x38;
	[tilespmem:$0x15C00] =	vst v63  }
0x42: {  	_ =	swait.ge [sflag:s30], $0x2000  }
0x43: {  	s26 =	rddreg [dreg:$0xc];
	[sflag:s30] =	ssyncset.done $0x0  }
0x44: {  	[sflag:s30] =	ssyncadd.s32 $0xFFFFE000;
	s26 =	sadd.s32 s2, s26;
	s30 =	simm.s32 $0x3  }
0x45: {  	[hbm4b:s26+s4] =	stream.linear.scatter [tilespmem:s25], [sflag:$0xC], $0x2000, $0x38;
	[tilespmem:$0x15C00] =	vst v63  }
0x46: {  	_ =	swait.ge [sflag:s30], $0x2000  }
0x47: {  	s26 =	rddreg [dreg:$0xb];
	[sflag:s30] =	ssyncset.done $0x0  }
0x48: {  	[sflag:s30] =	ssyncadd.s32 $0xFFFFE000;
	s26 =	sadd.s32 s2, s26;
	s30 =	simm.s32 $0x4  }
0x49: {  	[hbm4b:s26+s4] =	stream.linear.scatter [tilespmem:s18], [sflag:$0xD], $0x2000, $0x38;
	[tilespmem:$0x15C00] =	vst v63  }
0x4a: {  	_ =	swait.ge [sflag:s30], $0x2000  }
0x4b: {  	s26 =	rddreg [dreg:$0xa];
	[sflag:s30] =	ssyncset.done $0x0  }
0x4c: {  	[sflag:s30] =	ssyncadd.s32 $0xFFFFE000;
	s26 =	sadd.s32 s2, s26;
	s30 =	simm.s32 $0x5  }
0x4d: {  	[hbm4b:s26+s4] =	stream.linear.scatter [tilespmem:s20], [sflag:$0xE], $0x2000, $0x38;
	[tilespmem:$0x15C00] =	vst v63  }
0x4e: {  	_ =	swait.ge [sflag:s30], $0x2000  }
0x4f: {  	s26 =	rddreg [dreg:$0x9];
	[sflag:s30] =	ssyncset.done $0x0  }
0x50: {  	[sflag:s30] =	ssyncadd.s32 $0xFFFFE000;
	s26 =	sadd.s32 s2, s26;
	s30 =	simm.s32 $0x6  }
0x51: {  	[hbm4b:s26+s4] =	stream.linear.scatter [tilespmem:s28], [sflag:$0xF], $0x2000, $0x38;
	[tilespmem:$0x15C00] =	vst v63  }
0x52: {  	_ =	swait.ge [sflag:s30], $0x2000  }
0x53: {  	s26 =	rddreg [dreg:$0x8];
	[sflag:s30] =	ssyncset.done $0x0  }
0x54: {  	[sflag:s30] =	ssyncadd.s32 $0xFFFFE000;
	s26 =	sadd.s32 s2, s26  }
0x55: {  	[hbm4b:s26+s4] =	stream.linear.scatter [tilespmem:s0], [sflag:$0x10], $0x2000, $0x38;
	[tilespmem:$0x15C00] =	vst v63  }
0x56: {  	_ =	swait.ge [sflag:s9], $0x2000  }
0x57: {  	s30 =	rddreg [dreg:$0x7];
	[sflag:s9] =	ssyncset.done $0x0  }
0x58: {  	[sflag:s9] =	ssyncadd.s32 $0xFFFFE000;
	s26 =	sadd.s32 s2, s30  }
0x59: {  	[hbm4b:s26+s4] =	stream.linear.scatter [tilespmem:s6], [sflag:$0x11], $0x2000, $0x38;
	[tilespmem:$0x15C00] =	vst v63  }
0x5a: {  	_ =	swait.ge [sflag:s10], $0x2000  }
0x5b: {  	s30 =	rddreg [dreg:$0x6];
	[sflag:s10] =	ssyncset.done $0x0  }
0x5c: {  	[sflag:s10] =	ssyncadd.s32 $0xFFFFE000;
	s26 =	sadd.s32 s2, s30  }
0x5d: {  	[hbm4b:s26+s4] =	stream.linear.scatter [tilespmem:s29], [sflag:$0x12], $0x2000, $0x38;
	[tilespmem:$0x15C00] =	vst v63  }
0x5e: {  	_ =	swait.ge [sflag:s11], $0x2000  }
0x5f: {  	s30 =	rddreg [dreg:$0x5];
	[sflag:s11] =	ssyncset.done $0x0  }
0x60: {  	[sflag:s11] =	ssyncadd.s32 $0xFFFFE000;
	s26 =	sadd.s32 s2, s30  }
0x61: {  	[hbm4b:s26+s4] =	stream.linear.scatter [tilespmem:s7], [sflag:$0x13], $0x2000, $0x38;
	[tilespmem:$0x15C00] =	vst v63  }
0x62: {  	_ =	swait.ge [sflag:s12], $0x2000  }
0x63: {  	s30 =	rddreg [dreg:$0x4];
	[sflag:s12] =	ssyncset.done $0x0  }
0x64: {  	[sflag:s12] =	ssyncadd.s32 $0xFFFFE000;
	s26 =	sadd.s32 s2, s30  }
0x65: {  	[hbm4b:s26+s4] =	stream.linear.scatter [tilespmem:s8], [sflag:$0x14], $0x2000, $0x38;
	[tilespmem:$0x15C00] =	vst v63  }
0x66: {  	_ =	swait.ge [sflag:s13], $0x2000  }
0x67: {  	[sflag:s13] =	ssyncset.done $0x0  }
0x68: {  	s8 =	simm.s32 $0x280;
	[sflag:s13] =	ssyncadd.s32 $0xFFFFE000  }
0x69: {  	[tilespmem:s19], [sflag:$0x1] =	stream.indirect.gather [hbm4b:s1+s22], $0x80, s8, s22, $0xb8;
	[tilespmem:$0x15C00] =	vst v63  }
0x6a: {  	_ =	swait.ge [sflag:s14], $0x2000  }
0x6b: {  	[sflag:s14] =	ssyncset.done $0x0  }
0x6c: {  	s30 =	simm.s32 $0x2C0;
	[sflag:s14] =	ssyncadd.s32 $0xFFFFE000  }
0x6d: {  	[tilespmem:s25], [sflag:$0x2] =	stream.indirect.gather [hbm4b:s1+s22], $0x80, s30, s22, $0xb8;
	[tilespmem:$0x15C00] =	vst v63  }
0x6e: {  	_ =	swait.ge [sflag:s5], $0x2000  }
0x6f: {  	[sflag:s5] =	ssyncset.done $0x0  }
0x70: {  	s8 =	simm.s32 $0x300;
	[sflag:s5] =	ssyncadd.s32 $0xFFFFE000  }
0x71: {  	[tilespmem:s18], [sflag:$0x3] =	stream.indirect.gather [hbm4b:s1+s22], $0x80, s8, s22, $0xb8;
	[tilespmem:$0x15C00] =	vst v63  }
0x72: {  	_ =	swait.ge [sflag:s15], $0x2000  }
0x73: {  	[sflag:s15] =	ssyncset.done $0x0  }
0x74: {  	s18 =	simm.s32 $0x340;
	[sflag:s15] =	ssyncadd.s32 $0xFFFFE000  }
0x75: {  	[tilespmem:s20], [sflag:$0x4] =	stream.indirect.gather [hbm4b:s1+s22], $0x80, s18, s22, $0xb8;
	[tilespmem:$0x15C00] =	vst v63  }
0x76: {  	_ =	swait.ge [sflag:s16], $0x2000  }
0x77: {  	[sflag:s16] =	ssyncset.done $0x0  }
0x78: {  	s19 =	simm.s32 $0x380;
	[sflag:s16] =	ssyncadd.s32 $0xFFFFE000  }
0x79: {  	[tilespmem:s28], [sflag:$0x5] =	stream.indirect.gather [hbm4b:s1+s22], $0x80, s19, s22, $0xb8;
	[tilespmem:$0x15C00] =	vst v63  }
0x7a: {  	_ =	swait.ge [sflag:s17], $0x2000  }
0x7b: {  	[sflag:s17] =	ssyncset.done $0x0  }
0x7c: {  	s20 =	simm.s32 $0x3C0;
	[sflag:s17] =	ssyncadd.s32 $0xFFFFE000  }
0x7d: {  	[tilespmem:s0], [sflag:$0x6] =	stream.indirect.gather [hbm4b:s1+s22], $0x80, s20, s22, $0xb8;
	[tilespmem:$0x15C00] =	vst v63  }
0x7e: {  	_ =	swait.ge [sflag:s21], $0x2000  }
0x7f: {  	[sflag:s21] =	ssyncset.done $0x0  }
0x80: {  	s25 =	simm.s32 $0x400;
	[sflag:s21] =	ssyncadd.s32 $0xFFFFE000  }
0x81: {  	[tilespmem:s6], [sflag:$0x7] =	stream.indirect.gather [hbm4b:s1+s22], $0x80, s25, s22, $0xb8;
	[tilespmem:$0x15C00] =	vst v63  }
0x82: {  	_ =	swait.ge [sflag:s3], $0x2000  }
0x83: {  	[sflag:s3] =	ssyncset.done $0x0  }
0x84: {  	s28 =	simm.s32 $0x440;
	[sflag:s3] =	ssyncadd.s32 $0xFFFFE000  }
0x85: {  	[tilespmem:s29], [sflag:$0x8] =	stream.indirect.gather [hbm4b:s1+s22], $0x80, s28, s22, $0xb8;
	[tilespmem:$0x15C00] =	vst v63  }
0x86: {  	_ =	swait.ge [sflag:s23], $0x2000  }
0x87: {  	[sflag:s23] =	ssyncset.done $0x0  }
0x88: {  	s30 =	simm.s32 $0x480;
	[sflag:s23] =	ssyncadd.s32 $0xFFFFE000  }
0x89: {  	[tilespmem:s7], [sflag:$0x9] =	stream.indirect.gather [hbm4b:s1+s22], $0x80, s30, s22, $0xb8;
	[tilespmem:$0x15C00] =	vst v63  }
0x8a: {  	_ =	swait.ge [sflag:s24], $0x2000  }
0x8b: {  	s31 =	simm.s32 $0x4C0;
	[sflag:s24] =	ssyncset.done $0x0  }
0x8c: {  	s26 =	simm.s32 $0xA00;
	s29 =	sadd.s32 $0x50000, s2;
	[sflag:s24] =	ssyncadd.s32 $0xFFFFE000  }
.LBB2_2:
0x8d: {  	s25 =	simm.s32 $0x13C00;
	s0 =	simm.s32 $0x1  }
0x8e: {  	[tilespmem:s25], [sflag:$0xA] =	stream.indirect.gather [hbm4b:s1+s22], $0x80, s31, s22, $0xb8;
	[tilespmem:$0x15C00] =	vst v63  }
0x8f: {  	_ =	swait.ge [sflag:s0], $0x2000  }
0x90: {  	s19 =	simm.s32 $0x1C00;
	s2 =	rddreg [dreg:$0xd];
	[sflag:s0] =	ssyncset.done $0x0  }
0x91: {  	s18 =	simm.s32 $0x2;
	[sflag:s0] =	ssyncadd.s32 $0xFFFFE000;
	s2 =	sadd.s32 s29, s2  }
0x92: {  	[hbm4b:s2+s4] =	stream.linear.scatter [tilespmem:s19], [sflag:$0xB], $0x2000, $0x38;
	[tilespmem:$0x15C00] =	vst v63  }
0x93: {  	_ =	swait.ge [sflag:s18], $0x2000  }
0x94: {  	s30 =	simm.s32 $0x3C00;
	s20 =	rddreg [dreg:$0xc];
	[sflag:s18] =	ssyncset.done $0x0  }
0x95: {  	s6 =	simm.s32 $0x3;
	[sflag:s18] =	ssyncadd.s32 $0xFFFFE000;
	s2 =	sadd.s32 s29, s20  }
0x96: {  	[hbm4b:s2+s4] =	stream.linear.scatter [tilespmem:s30], [sflag:$0xC], $0x2000, $0x38;
	[tilespmem:$0x15C00] =	vst v63  }
0x97: {  	_ =	swait.ge [sflag:s6], $0x2000  }
0x98: {  	s8 =	simm.s32 $0x4;
	s7 =	rddreg [dreg:$0xb];
	[sflag:s6] =	ssyncset.done $0x0  }
0x99: {  	s18 =	simm.s32 $0x5C00;
	[sflag:s6] =	ssyncadd.s32 $0xFFFFE000;
	s2 =	sadd.s32 s29, s7  }
0x9a: {  	[hbm4b:s2+s4] =	stream.linear.scatter [tilespmem:s18], [sflag:$0xD], $0x2000, $0x38;
	[tilespmem:$0x15C00] =	vst v63  }
0x9b: {  	_ =	swait.ge [sflag:s8], $0x2000  }
0x9c: {  	s20 =	rddreg [dreg:$0xa];
	[sflag:s8] =	ssyncset.done $0x0  }
0x9d: {  	[sflag:s8] =	ssyncadd.s32 $0xFFFFE000;
	s2 =	sadd.s32 s29, s20;
	s20 =	simm.s32 $0x7C00  }
0x9e: {  	[hbm4b:s2+s4] =	stream.linear.scatter [tilespmem:s20], [sflag:$0xE], $0x2000, $0x38;
	[tilespmem:$0x15C00] =	vst v63  }
0x9f: {  	s2 =	simm.s32 $0x5  }
0xa0: {  	_ =	swait.ge [sflag:s2], $0x2000  }
0xa1: {  	s28 =	simm.s32 $0x9C00;
	s6 =	rddreg [dreg:$0x9];
	[sflag:s2] =	ssyncset.done $0x0  }
0xa2: {  	s7 =	simm.s32 $0x6;
	[sflag:s2] =	ssyncadd.s32 $0xFFFFE000;
	s2 =	sadd.s32 s29, s6  }
0xa3: {  	[hbm4b:s2+s4] =	stream.linear.scatter [tilespmem:s28], [sflag:$0xF], $0x2000, $0x38;
	[tilespmem:$0x15C00] =	vst v63  }
0xa4: {  	_ =	swait.ge [sflag:s7], $0x2000  }
0xa5: {  	s8 =	rddreg [dreg:$0x8];
	[sflag:s7] =	ssyncset.done $0x0  }
0xa6: {  	s0 =	simm.s32 $0xBC00;
	[sflag:s7] =	ssyncadd.s32 $0xFFFFE000;
	s2 =	sadd.s32 s29, s8  }
0xa7: {  	[hbm4b:s2+s4] =	stream.linear.scatter [tilespmem:s0], [sflag:$0x10], $0x2000, $0x38;
	[tilespmem:$0x15C00] =	vst v63  }
0xa8: {  	_ =	swait.ge [sflag:s9], $0x2000  }
0xa9: {  	s6 =	rddreg [dreg:$0x7];
	[sflag:s9] =	ssyncset.done $0x0  }
0xaa: {  	[sflag:s9] =	ssyncadd.s32 $0xFFFFE000;
	s2 =	sadd.s32 s29, s6;
	s6 =	simm.s32 $0xDC00  }
0xab: {  	[hbm4b:s2+s4] =	stream.linear.scatter [tilespmem:s6], [sflag:$0x11], $0x2000, $0x38;
	[tilespmem:$0x15C00] =	vst v63  }
0xac: {  	_ =	swait.ge [sflag:s10], $0x2000  }
0xad: {  	s7 =	rddreg [dreg:$0x6];
	[sflag:s10] =	ssyncset.done $0x0  }
0xae: {  	[sflag:s10] =	ssyncadd.s32 $0xFFFFE000;
	s2 =	sadd.s32 s29, s7;
	s7 =	simm.s32 $0xFC00  }
0xaf: {  	[hbm4b:s2+s4] =	stream.linear.scatter [tilespmem:s7], [sflag:$0x12], $0x2000, $0x38;
	[tilespmem:$0x15C00] =	vst v63  }
0xb0: {  	_ =	swait.ge [sflag:s11], $0x2000  }
0xb1: {  	s8 =	rddreg [dreg:$0x5];
	[sflag:s11] =	ssyncset.done $0x0  }
0xb2: {  	[sflag:s11] =	ssyncadd.s32 $0xFFFFE000;
	s2 =	sadd.s32 s29, s8;
	s8 =	simm.s32 $0x11C00  }
0xb3: {  	[hbm4b:s2+s4] =	stream.linear.scatter [tilespmem:s8], [sflag:$0x13], $0x2000, $0x38;
	[tilespmem:$0x15C00] =	vst v63  }
0xb4: {  	_ =	swait.ge [sflag:s12], $0x2000  }
0xb5: {  	s2 =	rddreg [dreg:$0x4];
	[sflag:s12] =	ssyncset.done $0x0  }
0xb6: {  	[sflag:s12] =	ssyncadd.s32 $0xFFFFE000;
	s2 =	sadd.s32 s29, s2  }
0xb7: {  	[hbm4b:s2+s4] =	stream.linear.scatter [tilespmem:s25], [sflag:$0x14], $0x2000, $0x38;
	[tilespmem:$0x15C00] =	vst v63  }
0xb8: {  	s31 =	smov.u32 s26;
	_ =	swait.ge [sflag:s13], $0x2000  }
0xb9: {  	s31 =	sshra.s32 s31, $0x2;
	[sflag:s13] =	ssyncset.done $0x0  }
0xba: {  	s2 =	sadd.s32 $0x280, s31;
	[sflag:s13] =	ssyncadd.s32 $0xFFFFE000  }
0xbb: {  	[tilespmem:s19], [sflag:$0x1] =	stream.indirect.gather [hbm4b:s1+s22], $0x80, s2, s22, $0xb8;
	[tilespmem:$0x15C00] =	vst v63  }
0xbc: {  	_ =	swait.ge [sflag:s14], $0x2000  }
0xbd: {  	[sflag:s14] =	ssyncset.done $0x0  }
0xbe: {  	s2 =	sadd.s32 $0x2C0, s31;
	[sflag:s14] =	ssyncadd.s32 $0xFFFFE000  }
0xbf: {  	[tilespmem:s30], [sflag:$0x2] =	stream.indirect.gather [hbm4b:s1+s22], $0x80, s2, s22, $0xb8;
	[tilespmem:$0x15C00] =	vst v63  }
0xc0: {  	_ =	swait.ge [sflag:s5], $0x2000  }
0xc1: {  	[sflag:s5] =	ssyncset.done $0x0  }
0xc2: {  	s2 =	sadd.s32 $0x300, s31;
	[sflag:s5] =	ssyncadd.s32 $0xFFFFE000  }
0xc3: {  	[tilespmem:s18], [sflag:$0x3] =	stream.indirect.gather [hbm4b:s1+s22], $0x80, s2, s22, $0xb8;
	[tilespmem:$0x15C00] =	vst v63  }
0xc4: {  	_ =	swait.ge [sflag:s15], $0x2000  }
0xc5: {  	[sflag:s15] =	ssyncset.done $0x0  }
0xc6: {  	s2 =	sadd.s32 $0x340, s31;
	[sflag:s15] =	ssyncadd.s32 $0xFFFFE000  }
0xc7: {  	[tilespmem:s20], [sflag:$0x4] =	stream.indirect.gather [hbm4b:s1+s22], $0x80, s2, s22, $0xb8;
	[tilespmem:$0x15C00] =	vst v63  }
0xc8: {  	_ =	swait.ge [sflag:s16], $0x2000  }
0xc9: {  	[sflag:s16] =	ssyncset.done $0x0  }
0xca: {  	s2 =	sadd.s32 $0x380, s31;
	[sflag:s16] =	ssyncadd.s32 $0xFFFFE000  }
0xcb: {  	[tilespmem:s28], [sflag:$0x5] =	stream.indirect.gather [hbm4b:s1+s22], $0x80, s2, s22, $0xb8;
	[tilespmem:$0x15C00] =	vst v63  }
0xcc: {  	_ =	swait.ge [sflag:s17], $0x2000  }
0xcd: {  	[sflag:s17] =	ssyncset.done $0x0  }
0xce: {  	s2 =	sadd.s32 $0x3C0, s31;
	[sflag:s17] =	ssyncadd.s32 $0xFFFFE000  }
0xcf: {  	[tilespmem:s0], [sflag:$0x6] =	stream.indirect.gather [hbm4b:s1+s22], $0x80, s2, s22, $0xb8;
	[tilespmem:$0x15C00] =	vst v63  }
0xd0: {  	_ =	swait.ge [sflag:s21], $0x2000  }
0xd1: {  	[sflag:s21] =	ssyncset.done $0x0  }
0xd2: {  	s2 =	sadd.s32 $0x400, s31;
	[sflag:s21] =	ssyncadd.s32 $0xFFFFE000  }
0xd3: {  	[tilespmem:s6], [sflag:$0x7] =	stream.indirect.gather [hbm4b:s1+s22], $0x80, s2, s22, $0xb8;
	[tilespmem:$0x15C00] =	vst v63  }
0xd4: {  	_ =	swait.ge [sflag:s3], $0x2000  }
0xd5: {  	p0 =	sne.s32 s26, $0x5000;
	s26 =	sadd.s32 $0xA00, s26;
	[sflag:s3] =	ssyncset.done $0x0  }
0xd6: {  	s29 =	sadd.s32 $0x50000, s29;
	s2 =	sadd.s32 $0x440, s31;
	[sflag:s3] =	ssyncadd.s32 $0xFFFFE000  }
0xd7: {  	[tilespmem:s7], [sflag:$0x8] =	stream.indirect.gather [hbm4b:s1+s22], $0x80, s2, s22, $0xb8;
	[tilespmem:$0x15C00] =	vst v63  }
0xd8: {  	s25 =	simm.s32 $0x1C00;
	s19 =	simm.s32 $0x3C00;
	_ =	swait.ge [sflag:s23], $0x2000  }
0xd9: {  	s30 =	simm.s32 $0x5C00;
	s18 =	simm.s32 $0x7C00;
	[sflag:s23] =	ssyncset.done $0x0  }
.Ltmp0:
0xda: {  	s2 =	sadd.s32 $0x480, s31;
	[sflag:s23] =	ssyncadd.s32 $0xFFFFE000;
	(pc) =	sbr.rel @p0 .LBB2_2-.Ltmp0, $4  }
0xdb: {  	[tilespmem:s8], [sflag:$0x9] =	stream.indirect.gather [hbm4b:s1+s22], $0x80, s2, s22, $0xb8;
	[tilespmem:$0x15C00] =	vst v63  }
0xdc: {  	s20 =	simm.s32 $0x9C00;
	s28 =	simm.s32 $0xBC00;
	_ =	swait.ge [sflag:s24], $0x2000  }
0xdd: {  	s0 =	simm.s32 $0xDC00;
	s6 =	simm.s32 $0xFC00;
	[sflag:s24] =	ssyncset.done $0x0  }
0xde: {  	s7 =	simm.s32 $0x11C00;
	s31 =	sadd.s32 $0x4C0, s31;
	[sflag:s24] =	ssyncadd.s32 $0xFFFFE000  }
0xdf: {  	s8 =	simm.s32 $0x13C00;
	s2 =	simm.s32 $0x1  }
0xe0: {  	[tilespmem:s8], [sflag:$0xA] =	stream.indirect.gather [hbm4b:s1+s22], $0x80, s31, s22, $0xb8;
	[tilespmem:$0x15C00] =	vst v63  }
0xe1: {  	_ =	swait.ge [sflag:s2], $0x2000  }
0xe2: {  	[sflag:s2] =	ssyncset.done $0x0  }
0xe3: {  	s29 =	simm.s32 $0x2;
	s26 =	rddreg [dreg:$0x10];
	[sflag:s2] =	ssyncadd.s32 $0xFFFFE000  }
0xe4: {  	[hbm4b:s26+s4] =	stream.linear.scatter [tilespmem:s25], [sflag:$0xB], $0x2000, $0x38;
	[tilespmem:$0x15C00] =	vst v63  }
0xe5: {  	_ =	swait.ge [sflag:s29], $0x2000  }
0xe6: {  	[sflag:s29] =	ssyncset.done $0x0  }
0xe7: {  	s25 =	simm.s32 $0x3;
	s31 =	rddreg [dreg:$0x11];
	[sflag:s29] =	ssyncadd.s32 $0xFFFFE000  }
0xe8: {  	[hbm4b:s31+s4] =	stream.linear.scatter [tilespmem:s19], [sflag:$0xC], $0x2000, $0x38;
	[tilespmem:$0x15C00] =	vst v63  }
0xe9: {  	_ =	swait.ge [sflag:s25], $0x2000  }
0xea: {  	[sflag:s25] =	ssyncset.done $0x0  }
0xeb: {  	s29 =	simm.s32 $0x4;
	s26 =	rddreg [dreg:$0x12];
	[sflag:s25] =	ssyncadd.s32 $0xFFFFE000  }
0xec: {  	[hbm4b:s26+s4] =	stream.linear.scatter [tilespmem:s30], [sflag:$0xD], $0x2000, $0x38;
	[tilespmem:$0x15C00] =	vst v63  }
0xed: {  	_ =	swait.ge [sflag:s29], $0x2000  }
0xee: {  	[sflag:s29] =	ssyncset.done $0x0  }
0xef: {  	s31 =	simm.s32 $0x5;
	s30 =	rddreg [dreg:$0x13];
	[sflag:s29] =	ssyncadd.s32 $0xFFFFE000  }
0xf0: {  	[hbm4b:s30+s4] =	stream.linear.scatter [tilespmem:s18], [sflag:$0xE], $0x2000, $0x38;
	[tilespmem:$0x15C00] =	vst v63  }
0xf1: {  	_ =	swait.ge [sflag:s31], $0x2000  }
0xf2: {  	[sflag:s31] =	ssyncset.done $0x0  }
0xf3: {  	s19 =	simm.s32 $0x6;
	s18 =	rddreg [dreg:$0x14];
	[sflag:s31] =	ssyncadd.s32 $0xFFFFE000  }
0xf4: {  	[hbm4b:s18+s4] =	stream.linear.scatter [tilespmem:s20], [sflag:$0xF], $0x2000, $0x38;
	[tilespmem:$0x15C00] =	vst v63  }
0xf5: {  	_ =	swait.ge [sflag:s19], $0x2000  }
0xf6: {  	[sflag:s19] =	ssyncset.done $0x0  }
0xf7: {  	s20 =	rddreg [dreg:$0x15];
	[sflag:s19] =	ssyncadd.s32 $0xFFFFE000  }
0xf8: {  	[hbm4b:s20+s4] =	stream.linear.scatter [tilespmem:s28], [sflag:$0x10], $0x2000, $0x38;
	[tilespmem:$0x15C00] =	vst v63  }
0xf9: {  	_ =	swait.ge [sflag:s9], $0x2000  }
0xfa: {  	[sflag:s9] =	ssyncset.done $0x0  }
0xfb: {  	s25 =	rddreg [dreg:$0x16];
	[sflag:s9] =	ssyncadd.s32 $0xFFFFE000  }
0xfc: {  	[hbm4b:s25+s4] =	stream.linear.scatter [tilespmem:s0], [sflag:$0x11], $0x2000, $0x38;
	[tilespmem:$0x15C00] =	vst v63  }
0xfd: {  	_ =	swait.ge [sflag:s10], $0x2000  }
0xfe: {  	[sflag:s10] =	ssyncset.done $0x0  }
0xff: {  	s26 =	rddreg [dreg:$0x17];
	[sflag:s10] =	ssyncadd.s32 $0xFFFFE000  }
0x100: {  	[hbm4b:s26+s4] =	stream.linear.scatter [tilespmem:s6], [sflag:$0x12], $0x2000, $0x38;
	[tilespmem:$0x15C00] =	vst v63  }
0x101: {  	_ =	swait.ge [sflag:s11], $0x2000  }
0x102: {  	[sflag:s11] =	ssyncset.done $0x0  }
0x103: {  	s28 =	rddreg [dreg:$0x18];
	[sflag:s11] =	ssyncadd.s32 $0xFFFFE000  }
0x104: {  	[hbm4b:s28+s4] =	stream.linear.scatter [tilespmem:s7], [sflag:$0x13], $0x2000, $0x38;
	[tilespmem:$0x15C00] =	vst v63  }
0x105: {  	_ =	swait.ge [sflag:s12], $0x2000  }
0x106: {  	[sflag:s12] =	ssyncset.done $0x0  }
0x107: {  	s29 =	rddreg [dreg:$0x19];
	[sflag:s12] =	ssyncadd.s32 $0xFFFFE000  }
0x108: {  	[hbm4b:s29+s4] =	stream.linear.scatter [tilespmem:s8], [sflag:$0x14], $0x2000, $0x38;
	[tilespmem:$0x15C00] =	vst v63  }
0x109: {  	_ =	swait.ge [sflag:s13], $0x2000  }
0x10a: {  	[sflag:s13] =	ssyncset.done $0x0  }
0x10b: {  	[sflag:s13] =	ssyncadd.s32 $0xFFFFE000  }
0x10c: {  	_ =	swait.ge [sflag:s14], $0x2000  }
0x10d: {  	[sflag:s14] =	ssyncset.done $0x0  }
0x10e: {  	[sflag:s14] =	ssyncadd.s32 $0xFFFFE000  }
0x10f: {  	_ =	swait.ge [sflag:s5], $0x2000  }
0x110: {  	[sflag:s5] =	ssyncset.done $0x0  }
0x111: {  	[sflag:s5] =	ssyncadd.s32 $0xFFFFE000  }
0x112: {  	_ =	swait.ge [sflag:s15], $0x2000  }
0x113: {  	[sflag:s15] =	ssyncset.done $0x0  }
0x114: {  	[sflag:s15] =	ssyncadd.s32 $0xFFFFE000  }
0x115: {  	_ =	swait.ge [sflag:s16], $0x2000  }
0x116: {  	[sflag:s16] =	ssyncset.done $0x0  }
0x117: {  	[sflag:s16] =	ssyncadd.s32 $0xFFFFE000  }
0x118: {  	_ =	swait.ge [sflag:s17], $0x2000  }
0x119: {  	[sflag:s17] =	ssyncset.done $0x0  }
0x11a: {  	[sflag:s17] =	ssyncadd.s32 $0xFFFFE000  }
0x11b: {  	_ =	swait.ge [sflag:s21], $0x2000  }
0x11c: {  	[sflag:s21] =	ssyncset.done $0x0  }
0x11d: {  	[sflag:s21] =	ssyncadd.s32 $0xFFFFE000  }
0x11e: {  	_ =	swait.ge [sflag:s3], $0x2000  }
0x11f: {  	[sflag:s3] =	ssyncset.done $0x0  }
0x120: {  	[sflag:s3] =	ssyncadd.s32 $0xFFFFE000  }
0x121: {  	_ =	swait.ge [sflag:s23], $0x2000  }
0x122: {  	[sflag:s23] =	ssyncset.done $0x0  }
0x123: {  	[sflag:s23] =	ssyncadd.s32 $0xFFFFE000  }
0x124: {  	_ =	swait.ge [sflag:s24], $0x2000  }
0x125: {  	s30 =	rddreg [dreg:$0x1b]  }
0x126: {  	s31 =	rddreg [dreg:$0x1a];
	s0 =	sadd.s32 $0x1, s30  }
0x127: {  	p0 =	sne.s32 s0, s31  }
.Ltmp1:
0x128: {  	_ = 	snop;
	(pc) =	sbr.rel @p0 .LBB2_1-.Ltmp1, $3  }
0x129: {  	_ =	sdelay $0x1  }
0x12a: {  	[sflag:s24] =	ssyncset.done $0x0  }
0x12b: {  	[sflag:s24] =	ssyncadd.s32 $0xFFFFE000  }
0x12c: {  	_ =	sfence.sel $0x180000  }
0x12d: {  	[bflag:$0x0] =	sbarrier.arrive $0xFFFF  }
0x12e: {  	_ =	strace $0x90000047  }
0x12f: {  	s0 =	stileid.u32;
	[bflag:$0x2] =	sbarrier.arrive $0xFFFF  }
0x130: {  	p0 =	sne.s32 s0, $0x0;
	s0 =	rddreg [dreg:$0x3]  }
0x131: {  	s0 =	sadd.s32 @!p0 $0x100000, s0  }
0x132: {  	[sflag:s0] =	ssyncadd.tile.s32 @!p0 $0x1;
	_ =	shalt  }
.Lfunc_end2:
_tile_overlayer_lowered:
.L_overlay_start_2:
0x133: {  	(tag) =	ssettag $0x2  }
0x134: {  	s0 =	rddreg [dreg:$0x0];
	s2 =	stileid.u32  }
0x135: {  	s1 =	rddreg [dreg:$0x1];
	p0 =	sne.s32 s2, $0x0  }
0x136: {  	s3 =	rddreg [dreg:$0x2];
	[bflag:$0x3] =	sbarrier.arrive $0xFFFF;
	s2 =	simm.s32 @!p0 $0x1C15  }
0x137: {  	[timem:s3], [sflag:s2] =	dma.local @!p0 [hbm:s0], s1  }
0x138: {  	s0 =	simm.s32 @!p0 $0x15  }
0x139: {  	_ =	swait.ge @!p0 [sflag:s0], s1  }
0x13a: {  	s1 =	ssub.s32 @!p0 $0x0, s1;
	[sflag:s0] =	ssyncset.done @!p0 $0x0  }
0x13b: {  	[sflag:s0] =	ssyncadd.s32 @!p0 s1  }
0x13c: {  	[bflag:$0x3] =	sbarrier.arrive $0xFFFF  }
0x13d: {  	_ =	shalt  }

</sc_bundles>
